<compile_context>
chip_gen: v7x
topology: tpu7x:2x2x1
jax: 0.10.2.dev20260603
libtpu: 0.0.44.dev20260713+nightly
codegen_flags: <defaults>
</compile_context>

<pallas_src>
import functools

import jax
import jax.numpy as jnp
from jax import lax
from jax.experimental import pallas as pl
from jax.experimental.pallas import tpu as pltpu
from jax.experimental.pallas import tpu_sc as plsc


def _vtake(x, idx):
    dnums = lax.GatherDimensionNumbers(
        offset_dims=(), collapsed_slice_dims=(0,), start_index_map=(0,))
    return lax.gather(x, idx[:, None], dnums, (1,),
                      mode=lax.GatherScatterMode.PROMISE_IN_BOUNDS)


N = 10000
E = 320000
D = 128
H = 8
DOUT = 16

NW = 32
C = 48
CPT = 210
E_PAD = NW * CPT * C
N_PAD = N + 112
ROWS_PER_TILE = N_PAD // 16
W = D + 16
PW = 64
IDXR = CPT + 2
BLK = 1000
GRID = N // BLK


def _tc1_body(h_ref, wl_ref, bl_ref, wg_ref, a_ref,
              h1_ref, feat_ref, el_ref, m_ref):
    i = pl.program_id(0)
    x = h_ref[...] @ wl_ref[...] + bl_ref[...]
    f = x @ wg_ref[...]
    el = f @ a_ref[...]
    h1_ref[...] = x
    feat_ref[...] = f
    el_ref[...] = el
    part = jnp.broadcast_to(jnp.max(el, axis=0, keepdims=True), (8, 16))

    @pl.when(i == 0)
    def _():
        m_ref[...] = part

    @pl.when(i > 0)
    def _():
        m_ref[...] = jnp.maximum(m_ref[...], part)


def _tc1(h, w_lin, b_lin, w_gat, a_lr):
    return pl.pallas_call(
        _tc1_body,
        grid=(GRID,),
        in_specs=[
            pl.BlockSpec((BLK, D), lambda i: (i, 0)),
            pl.BlockSpec((D, D), lambda i: (0, 0)),
            pl.BlockSpec((1, D), lambda i: (0, 0)),
            pl.BlockSpec((D, D), lambda i: (0, 0)),
            pl.BlockSpec((D, 16), lambda i: (0, 0)),
        ],
        out_specs=[
            pl.BlockSpec((BLK, D), lambda i: (i, 0)),
            pl.BlockSpec((BLK, D), lambda i: (i, 0)),
            pl.BlockSpec((BLK, 16), lambda i: (i, 0)),
            pl.BlockSpec((8, 16), lambda i: (0, 0)),
        ],
        out_shape=[
            jax.ShapeDtypeStruct((N, D), jnp.float32),
            jax.ShapeDtypeStruct((N, D), jnp.float32),
            jax.ShapeDtypeStruct((N, 16), jnp.float32),
            jax.ShapeDtypeStruct((8, 16), jnp.float32),
        ],
    )(h, w_lin, b_lin, w_gat, a_lr)


def _sc_edge_call(el16, packed, sd_idx, m16):
    mesh = plsc.VectorSubcoreMesh(core_axis_name="c", subcore_axis_name="s")

    @functools.partial(
        pl.kernel,
        mesh=mesh,
        compiler_params=pltpu.CompilerParams(
            use_tc_tiling_on_sc=False, needs_layout_passes=False),
        out_type=jax.ShapeDtypeStruct((2 * N_PAD, W), jnp.float32),
        scratch_types=[
            pltpu.VMEM((4, 2, C), jnp.int32),
            pltpu.VMEM((C,), jnp.int32),
            pltpu.VMEM((16,), jnp.float32),
            pltpu.VMEM((C, 16), jnp.float32),
            pltpu.VMEM((C, 16), jnp.float32),
            pltpu.VMEM((C, 16), jnp.float32),
            pltpu.VMEM((C, 16), jnp.float32),
            pltpu.VMEM((C, PW), jnp.int32),
            pltpu.VMEM((C, PW), jnp.int32),
            pltpu.VMEM((C, W), jnp.float32),
            pltpu.VMEM((C, W), jnp.float32),
            pltpu.VMEM_SHARED((N_PAD, W), jnp.float32),
            pltpu.VMEM_SHARED((N_PAD, 16), jnp.float32),
            pltpu.SemaphoreType.DMA,
            pltpu.SemaphoreType.DMA,
            pltpu.SemaphoreType.DMA,
            pltpu.SemaphoreType.DMA,
            pltpu.SemaphoreType.DMA,
            pltpu.SemaphoreType.DMA,
            pltpu.SemaphoreType.DMA,
            pltpu.SemaphoreType.DMA,
            pltpu.SemaphoreType.DMA,
            pltpu.SemaphoreType.DMA,
        ],
    )
    def k(el16_hbm, pk_hbm, sd_hbm, m_hbm, acc_out,
          idx_v, jidx_v, m_v,
          srow0, srow1, drow0, drow1, fv0, fv1, mv0, mv1,
          acc_sh, el_sh, six0, six1,
          sgs0, sgs1, sgd0, sgd1, sgf0, sgf1, ssc0, ssc1):
        cid = lax.axis_index("c")
        sid = lax.axis_index("s")
        wid = sid * 2 + cid
        srow = (srow0, srow1)
        drow = (drow0, drow1)
        fv = (fv0, fv1)
        mv = (mv0, mv1)
        six = (six0, six1)
        sgs = (sgs0, sgs1)
        sgd = (sgd0, sgd1)
        sgf = (sgf0, sgf1)
        ssc = (ssc0, ssc1)
        idx_base = wid * IDXR

        def _zero(i, carry):
            for kk in range(W // 16):
                mv0[i, pl.ds(16 * kk, 16)] = jnp.zeros((16,), jnp.float32)
                mv1[i, pl.ds(16 * kk, 16)] = jnp.zeros((16,), jnp.float32)
            return carry

        lax.fori_loop(0, C, _zero, 0)
        base = sid * ROWS_PER_TILE
        off = 0
        for rows in (48,) * 13 + (8,):
            pltpu.sync_copy(mv0.at[pl.ds(0, rows)],
                            acc_sh.at[pl.ds(base + off, rows)])
            off += rows
        for kk in range(C // 16):
            jidx_v[pl.ds(16 * kk, 16)] = jnp.full((16,), N, jnp.int32)

        @pl.when(sid == 0)
        def _():
            pltpu.sync_copy(el16_hbm, el_sh)
        plsc.subcore_barrier()

        pltpu.sync_copy(m_hbm, m_v)
        mval = m_v[...]
        lane = lax.iota(jnp.int32, 16)
        perm = (lane & 7) + 8
        er_m = _vtake(mval, perm)
        csum = mval + er_m
        k0 = jnp.where(csum > 0, csum, 0.2 * csum)
        kvec = jnp.where(lane < 8, k0, jnp.float32(1e30))

        def _issue_gathers(q, r, b):
            pltpu.async_copy(el_sh.at[idx_v.at[r, 0]], srow[b], sgs[b])
            pltpu.async_copy(el_sh.at[idx_v.at[r, 1]], drow[b], sgd[b])
            pltpu.async_copy(pk_hbm.at[idx_v.at[r, 0]], fv[b], sgf[b])
            del q

        pltpu.sync_copy(sd_hbm.at[idx_base + 0], idx_v.at[0])
        pltpu.sync_copy(sd_hbm.at[idx_base + 1], idx_v.at[1])
        pltpu.async_copy(mv0, acc_sh.at[jidx_v], ssc0, add=True)
        pltpu.async_copy(mv1, acc_sh.at[jidx_v], ssc1, add=True)
        _issue_gathers(0, 0, 0)
        _issue_gathers(1, 1, 1)

        def _pair(j2, carry):
            for b in (0, 1):
                g = 2 * j2 + b
                r = g % 4
                r01 = lax.rem(g, 4)
                pltpu.make_async_copy(
                    el_sh.at[idx_v.at[r01, 0]], srow[b], sgs[b]).wait()
                pltpu.make_async_copy(
                    el_sh.at[idx_v.at[r01, 1]], drow[b], sgd[b]).wait()
                pltpu.make_async_copy(
                    pk_hbm.at[idx_v.at[r01, 0]], fv[b], sgf[b]).wait()
                pltpu.make_async_copy(
                    mv[b], acc_sh.at[jidx_v], ssc[b]).wait()
                r2 = lax.rem(g + 2, 4)
                pltpu.async_copy(sd_hbm.at[idx_base + g + 2],
                                 idx_v.at[r2], six[b])

                def _one(i):
                    e = srow[b][i] + _vtake(drow[b][i], perm)
                    t = jnp.where(e > 0, e, 0.2 * e) - kvec
                    p = jnp.exp(t)
                    mv[b][i, pl.ds(D, 16)] = p
                    for kq in range(4):
                        wk = fv[b][i, pl.ds(16 * kq, 16)]
                        fa, fb2 = plsc.unpack(
                            plsc.bitcast(wk, jnp.bfloat16),
                            format=plsc.PackFormat.INTERLEAVED,
                            preferred_element_type=jnp.float32)
                        pa = _vtake(p, jnp.full((16,), 2 * kq, jnp.int32))
                        pb = _vtake(p, jnp.full((16,), 2 * kq + 1, jnp.int32))
                        mv[b][i, pl.ds(32 * kq, 16)] = fa * pa
                        mv[b][i, pl.ds(32 * kq + 16, 16)] = fb2 * pb

                plsc.parallel_loop(0, C, unroll=4)(_one)
                pltpu.async_copy(mv[b], acc_sh.at[idx_v.at[r01, 1]],
                                 ssc[b], add=True)
                pltpu.make_async_copy(sd_hbm.at[idx_base + g + 2],
                                      idx_v.at[r2], six[b]).wait()
                _issue_gathers(g + 2, r2, b)
                del r
            return carry

        lax.fori_loop(0, CPT // 2, _pair, 0)

        for b in (0, 1):
            rj = (CPT + b) % 4
            pltpu.make_async_copy(mv[b], acc_sh.at[jidx_v], ssc[b]).wait()
            pltpu.make_async_copy(
                el_sh.at[idx_v.at[rj, 0]], srow[b], sgs[b]).wait()
            pltpu.make_async_copy(
                el_sh.at[idx_v.at[rj, 1]], drow[b], sgd[b]).wait()
            pltpu.make_async_copy(
                pk_hbm.at[idx_v.at[rj, 0]], fv[b], sgf[b]).wait()
        plsc.subcore_barrier()

        pltpu.sync_copy(acc_sh.at[pl.ds(base, ROWS_PER_TILE)],
                        acc_out.at[pl.ds(cid * N_PAD + base, ROWS_PER_TILE)])

    return k(el16, packed, sd_idx, m16)


def _tc2_body(h1_ref, n_ref, d_ref, bias_ref, s_ref, o_ref):
    nsum = n_ref[0] + n_ref[1]
    dsum = d_ref[0] + d_ref[1]
    dsum = jnp.where(dsum == 0.0, 1.0, dsum)
    rfull = (1.0 / dsum) @ s_ref[...]
    v = nsum * rfull + bias_ref[...]
    v = jnp.where(v > 0, v, 0.01 * v)
    o_ref[...] = h1_ref[...] + v


def _tc2(h1, numer, denom, bias, s_bcast):
    return pl.pallas_call(
        _tc2_body,
        grid=(GRID,),
        in_specs=[
            pl.BlockSpec((BLK, D), lambda i: (i, 0)),
            pl.BlockSpec((2, BLK, D), lambda i: (0, i, 0)),
            pl.BlockSpec((2, BLK, 16), lambda i: (0, i, 0)),
            pl.BlockSpec((1, D), lambda i: (0, 0)),
            pl.BlockSpec((16, D), lambda i: (0, 0)),
        ],
        out_specs=pl.BlockSpec((BLK, D), lambda i: (i, 0)),
        out_shape=jax.ShapeDtypeStruct((N, D), jnp.float32),
    )(h1, numer, denom, bias, s_bcast)


@jax.jit
def kernel(h, edge_index, W_lin, b_lin, W_gat, attn_l, attn_r, bias_gat):
    f32 = jnp.float32
    rows = jnp.arange(D)
    cols = jnp.repeat(jnp.arange(H), DOUT)
    a_l = jnp.zeros((D, H), f32).at[rows, cols].set(attn_l.reshape(D))
    a_r = jnp.zeros((D, H), f32).at[rows, cols].set(attn_r.reshape(D))
    a_lr = jnp.concatenate([a_l, a_r], axis=1)
    s_bcast = jnp.zeros((16, D), f32).at[cols, jnp.arange(D)].set(1.0)

    h1, feat, el16, m8 = _tc1(h.astype(f32), W_lin.astype(f32),
                              b_lin.astype(f32).reshape(1, D),
                              W_gat.astype(f32), a_lr)
    m16 = jnp.max(m8, axis=0)

    pad_i = E_PAD - E
    src = jnp.concatenate(
        [edge_index[0].astype(jnp.int32), jnp.zeros((pad_i,), jnp.int32)]
    ).reshape(NW, CPT, 1, C)
    dst = jnp.concatenate(
        [edge_index[1].astype(jnp.int32), jnp.full((pad_i,), N, jnp.int32)]
    ).reshape(NW, CPT, 1, C)
    sd = jnp.concatenate([src, dst], axis=2)
    junk = jnp.concatenate(
        [jnp.zeros((NW, 2, 1, C), jnp.int32),
         jnp.full((NW, 2, 1, C), N, jnp.int32)], axis=2)
    sd = jnp.concatenate([sd, junk], axis=1).reshape(NW * IDXR, 2, C)
    el16_pad = jnp.concatenate(
        [el16, jnp.zeros((N_PAD - N, 16), f32)], axis=0)

    fb = lax.bitcast_convert_type(feat.astype(jnp.bfloat16), jnp.uint16)
    fr = fb.reshape(N, 4, 2, 16).astype(jnp.uint32)
    wfeat = (fr[:, :, 0, :] | (fr[:, :, 1, :] << 16)).reshape(N, 64)
    packed = lax.bitcast_convert_type(wfeat, jnp.int32)

    acc = _sc_edge_call(el16_pad, packed, sd, m16).reshape(2, N_PAD, W)
    numer = acc[:, :N, :D]
    denom = acc[:, :N, D:]

    return _tc2(h1, numer, denom, bias_gat.astype(f32).reshape(1, D), s_bcast)

# --- scband reference (transcript-rebuilt; emitter-appended) ---
"""Pipeline reference for scband-gatlayer-71305047048239 (READ-ONLY COPY).

The authoritative reference and input builder live on the scoring server;
editing this copy changes nothing except your own understanding.
"""

import jax, jax.numpy as jnp
import numpy as np

N = 10000
E = 320000
D = 128
H = 8
DOUT = 16


def setup_inputs(seed: int = 0) -> dict:
    key = jax.random.key(seed)
    ks = jax.random.split(key, 8)
    h = jax.random.normal(ks[0], (N, D), dtype=jnp.float32)
    edge_index = jax.random.randint(ks[1], (2, E), 0, N, dtype=jnp.int64)
    W_lin = jax.random.normal(ks[2], (D, D), dtype=jnp.float32) * 0.05
    b_lin = jnp.zeros((D,), dtype=jnp.float32)
    W_gat = jax.random.normal(ks[3], (D, H * DOUT), dtype=jnp.float32) * 0.05
    attn_l = jax.random.normal(ks[4], (H, DOUT), dtype=jnp.float32) * 0.05
    attn_r = jax.random.normal(ks[5], (H, DOUT), dtype=jnp.float32) * 0.05
    bias_gat = jnp.zeros((H * DOUT,), dtype=jnp.float32)
    return {"h": h, "edge_index": edge_index, "W_lin": W_lin, "b_lin": b_lin,
            "W_gat": W_gat, "attn_l": attn_l, "attn_r": attn_r, "bias_gat": bias_gat}


def reference(h, edge_index, W_lin, b_lin, W_gat, attn_l, attn_r, bias_gat):
    # h = self.linear(h)  (nn.Linear in_dim->in_dim)
    h = h @ W_lin + b_lin
    h_in = h
    # GATConv (DGL semantics), dropout is identity in eval mode
    feat = (h @ W_gat).reshape(N, H, DOUT)  # [N, H, DOUT]
    el = jnp.sum(feat * attn_l[None, :, :], axis=-1)  # [N, H]
    er = jnp.sum(feat * attn_r[None, :, :], axis=-1)  # [N, H]
    src = edge_index[0]
    dst = edge_index[1]
    e = el[src] + er[dst]  # [E, H]
    e = jnp.where(e > 0, e, 0.2 * e)  # leaky_relu, negative_slope=0.2 (DGL default)
    # edge softmax over incoming edges per destination node
    m = jax.ops.segment_max(e, dst, num_segments=N)  # [N, H]
    e_exp = jnp.exp(e - m[dst])
    denom = jax.ops.segment_sum(e_exp, dst, num_segments=N)  # [N, H]
    alpha = e_exp / denom[dst]  # [E, H]
    msg = alpha[:, :, None] * feat[src]  # [E, H, DOUT]
    rst = jax.ops.segment_sum(msg, dst, num_segments=N)  # [N, H, DOUT]
    rst = rst + bias_gat.reshape(1, H, DOUT)
    out = rst.reshape(N, H * DOUT)
    # activation=F.leaky_relu (torch default negative_slope=0.01)
    out = jnp.where(out > 0, out, 0.01 * out)
    # residual (in_dim == out_dim*num_heads == 128)
    out = h_in + out
    return out

if __name__ == "__main__":
    import jax
    _d = setup_inputs()
    print(jax.jit(kernel)(*tuple(_d.values())))

</pallas_src>

<mosaic_0001>
#map = affine_map<(d0, d1) -> (0, 0)>
#map1 = affine_map<(d0, d1) -> (0, 0, 0)>
#map2 = affine_map<(d0, d1) -> (0)>
module attributes {stable_mosaic.version = 14 : i64} {
  func.func @k(%arg0: i32, %arg1: i32, %arg2: memref<10112x16xf32, #tpu.memory_space<hbm>>, %arg3: memref<10000x64xi32, #tpu.memory_space<hbm>>, %arg4: memref<6784x2x48xi32, #tpu.memory_space<hbm>>, %arg5: memref<16xf32, #tpu.memory_space<hbm>>, %arg6: memref<20224x144xf32, #tpu.memory_space<hbm>>, %arg7: memref<4x2x48xi32, #tpu.memory_space<vmem>>, %arg8: memref<48xi32, #tpu.memory_space<vmem>>, %arg9: memref<16xf32, #tpu.memory_space<vmem>>, %arg10: memref<48x16xf32, #tpu.memory_space<vmem>>, %arg11: memref<48x16xf32, #tpu.memory_space<vmem>>, %arg12: memref<48x16xf32, #tpu.memory_space<vmem>>, %arg13: memref<48x16xf32, #tpu.memory_space<vmem>>, %arg14: memref<48x64xi32, #tpu.memory_space<vmem>>, %arg15: memref<48x64xi32, #tpu.memory_space<vmem>>, %arg16: memref<48x144xf32, #tpu.memory_space<vmem>>, %arg17: memref<48x144xf32, #tpu.memory_space<vmem>>, %arg18: memref<10112x144xf32, #tpu.memory_space<vmem_shared>>, %arg19: memref<10112x16xf32, #tpu.memory_space<vmem_shared>>, %arg20: memref<!tpu.dma_semaphore, #tpu.memory_space<semaphore_mem>>, %arg21: memref<!tpu.dma_semaphore, #tpu.memory_space<semaphore_mem>>, %arg22: memref<!tpu.dma_semaphore, #tpu.memory_space<semaphore_mem>>, %arg23: memref<!tpu.dma_semaphore, #tpu.memory_space<semaphore_mem>>, %arg24: memref<!tpu.dma_semaphore, #tpu.memory_space<semaphore_mem>>, %arg25: memref<!tpu.dma_semaphore, #tpu.memory_space<semaphore_mem>>, %arg26: memref<!tpu.dma_semaphore, #tpu.memory_space<semaphore_mem>>, %arg27: memref<!tpu.dma_semaphore, #tpu.memory_space<semaphore_mem>>, %arg28: memref<!tpu.dma_semaphore, #tpu.memory_space<semaphore_mem>>, %arg29: memref<!tpu.dma_semaphore, #tpu.memory_space<semaphore_mem>>) attributes {dimension_semantics = [#tpu.dimension_semantics<core_parallel>, #tpu.dimension_semantics<subcore_parallel>], iteration_bounds = array<i64: 2, 16>, scalar_prefetch = 0 : i64, scratch_operands = 23 : i64, tpu.core_type = #tpu.core_type<sc_vector_subcore>, window_params = [{transform_indices = #map}, {transform_indices = #map}, {transform_indices = #map1}, {transform_indices = #map2}, {transform_indices = #map}]} {
    %mul3A = arith.constant 2 : i32
    %mul3A_0 = arith.muli %arg1, %mul3A : i32
    %add3A = arith.addi %mul3A_0, %arg0 : i32
    %mul3A_1 = arith.constant 212 : i32
    %mul3A_2 = arith.muli %add3A, %mul3A_1 : i32
    %scan3A = arith.constant 0 : i32
    %scan3A_3 = arith.constant 0 : i32
    %scan3A_4 = arith.constant 48 : i32
    %scan3A_5 = arith.addi %scan3A_3, %scan3A_4 : i32
    %scan3A_6 = arith.constant 1 : i32
    scf.for %scan3A_189 = %scan3A_3 to %scan3A_5 step %scan3A_6  : i32 {
      %broadcast_in_dim3A_190 = arith.constant 0.000000e+00 : f32
      %broadcast_in_dim3A_191 = vector.broadcast %broadcast_in_dim3A_190 : f32 to vector<16xf32>
      %swap3A_192 = arith.index_cast %scan3A_189 : i32 to index
      %swap3A_193 = arith.constant 0 : index
      %swap3A_194 = tpu.vector_load %arg16[%swap3A_192, %swap3A_193] {strides = array<i32>} : memref<48x144xf32, #tpu.memory_space<vmem>>, vector<16xf32>,
      tpu.vector_store %arg16[%swap3A_192, %swap3A_193], %broadcast_in_dim3A_191 {strides = array<i32>} : memref<48x144xf32, #tpu.memory_space<vmem>>, vector<16xf32>,
      %broadcast_in_dim3A_195 = arith.constant 0.000000e+00 : f32
      %broadcast_in_dim3A_196 = vector.broadcast %broadcast_in_dim3A_195 : f32 to vector<16xf32>
      %swap3A_197 = arith.index_cast %scan3A_189 : i32 to index
      %swap3A_198 = arith.constant 0 : index
      %swap3A_199 = tpu.vector_load %arg17[%swap3A_197, %swap3A_198] {strides = array<i32>} : memref<48x144xf32, #tpu.memory_space<vmem>>, vector<16xf32>,
      tpu.vector_store %arg17[%swap3A_197, %swap3A_198], %broadcast_in_dim3A_196 {strides = array<i32>} : memref<48x144xf32, #tpu.memory_space<vmem>>, vector<16xf32>,
      %broadcast_in_dim3A_200 = arith.constant 0.000000e+00 : f32
      %broadcast_in_dim3A_201 = vector.broadcast %broadcast_in_dim3A_200 : f32 to vector<16xf32>
      %swap3A_202 = arith.index_cast %scan3A_189 : i32 to index
      %swap3A_203 = arith.constant 16 : index
      %swap3A_204 = tpu.vector_load %arg16[%swap3A_202, %swap3A_203] {strides = array<i32>} : memref<48x144xf32, #tpu.memory_space<vmem>>, vector<16xf32>,
      tpu.vector_store %arg16[%swap3A_202, %swap3A_203], %broadcast_in_dim3A_201 {strides = array<i32>} : memref<48x144xf32, #tpu.memory_space<vmem>>, vector<16xf32>,
      %broadcast_in_dim3A_205 = arith.constant 0.000000e+00 : f32
      %broadcast_in_dim3A_206 = vector.broadcast %broadcast_in_dim3A_205 : f32 to vector<16xf32>
      %swap3A_207 = arith.index_cast %scan3A_189 : i32 to index
      %swap3A_208 = arith.constant 16 : index
      %swap3A_209 = tpu.vector_load %arg17[%swap3A_207, %swap3A_208] {strides = array<i32>} : memref<48x144xf32, #tpu.memory_space<vmem>>, vector<16xf32>,
      tpu.vector_store %arg17[%swap3A_207, %swap3A_208], %broadcast_in_dim3A_206 {strides = array<i32>} : memref<48x144xf32, #tpu.memory_space<vmem>>, vector<16xf32>,
      %broadcast_in_dim3A_210 = arith.constant 0.000000e+00 : f32
      %broadcast_in_dim3A_211 = vector.broadcast %broadcast_in_dim3A_210 : f32 to vector<16xf32>
      %swap3A_212 = arith.index_cast %scan3A_189 : i32 to index
      %swap3A_213 = arith.constant 32 : index
      %swap3A_214 = tpu.vector_load %arg16[%swap3A_212, %swap3A_213] {strides = array<i32>} : memref<48x144xf32, #tpu.memory_space<vmem>>, vector<16xf32>,
      tpu.vector_store %arg16[%swap3A_212, %swap3A_213], %broadcast_in_dim3A_211 {strides = array<i32>} : memref<48x144xf32, #tpu.memory_space<vmem>>, vector<16xf32>,
      %broadcast_in_dim3A_215 = arith.constant 0.000000e+00 : f32
      %broadcast_in_dim3A_216 = vector.broadcast %broadcast_in_dim3A_215 : f32 to vector<16xf32>
      %swap3A_217 = arith.index_cast %scan3A_189 : i32 to index
      %swap3A_218 = arith.constant 32 : index
      %swap3A_219 = tpu.vector_load %arg17[%swap3A_217, %swap3A_218] {strides = array<i32>} : memref<48x144xf32, #tpu.memory_space<vmem>>, vector<16xf32>,
      tpu.vector_store %arg17[%swap3A_217, %swap3A_218], %broadcast_in_dim3A_216 {strides = array<i32>} : memref<48x144xf32, #tpu.memory_space<vmem>>, vector<16xf32>,
      %broadcast_in_dim3A_220 = arith.constant 0.000000e+00 : f32
      %broadcast_in_dim3A_221 = vector.broadcast %broadcast_in_dim3A_220 : f32 to vector<16xf32>
      %swap3A_222 = arith.index_cast %scan3A_189 : i32 to index
      %swap3A_223 = arith.constant 48 : index
      %swap3A_224 = tpu.vector_load %arg16[%swap3A_222, %swap3A_223] {strides = array<i32>} : memref<48x144xf32, #tpu.memory_space<vmem>>, vector<16xf32>,
      tpu.vector_store %arg16[%swap3A_222, %swap3A_223], %broadcast_in_dim3A_221 {strides = array<i32>} : memref<48x144xf32, #tpu.memory_space<vmem>>, vector<16xf32>,
      %broadcast_in_dim3A_225 = arith.constant 0.000000e+00 : f32
      %broadcast_in_dim3A_226 = vector.broadcast %broadcast_in_dim3A_225 : f32 to vector<16xf32>
      %swap3A_227 = arith.index_cast %scan3A_189 : i32 to index
      %swap3A_228 = arith.constant 48 : index
      %swap3A_229 = tpu.vector_load %arg17[%swap3A_227, %swap3A_228] {strides = array<i32>} : memref<48x144xf32, #tpu.memory_space<vmem>>, vector<16xf32>,
      tpu.vector_store %arg17[%swap3A_227, %swap3A_228], %broadcast_in_dim3A_226 {strides = array<i32>} : memref<48x144xf32, #tpu.memory_space<vmem>>, vector<16xf32>,
      %broadcast_in_dim3A_230 = arith.constant 0.000000e+00 : f32
      %broadcast_in_dim3A_231 = vector.broadcast %broadcast_in_dim3A_230 : f32 to vector<16xf32>
      %swap3A_232 = arith.index_cast %scan3A_189 : i32 to index
      %swap3A_233 = arith.constant 64 : index
      %swap3A_234 = tpu.vector_load %arg16[%swap3A_232, %swap3A_233] {strides = array<i32>} : memref<48x144xf32, #tpu.memory_space<vmem>>, vector<16xf32>,
      tpu.vector_store %arg16[%swap3A_232, %swap3A_233], %broadcast_in_dim3A_231 {strides = array<i32>} : memref<48x144xf32, #tpu.memory_space<vmem>>, vector<16xf32>,
      %broadcast_in_dim3A_235 = arith.constant 0.000000e+00 : f32
      %broadcast_in_dim3A_236 = vector.broadcast %broadcast_in_dim3A_235 : f32 to vector<16xf32>
      %swap3A_237 = arith.index_cast %scan3A_189 : i32 to index
      %swap3A_238 = arith.constant 64 : index
      %swap3A_239 = tpu.vector_load %arg17[%swap3A_237, %swap3A_238] {strides = array<i32>} : memref<48x144xf32, #tpu.memory_space<vmem>>, vector<16xf32>,
      tpu.vector_store %arg17[%swap3A_237, %swap3A_238], %broadcast_in_dim3A_236 {strides = array<i32>} : memref<48x144xf32, #tpu.memory_space<vmem>>, vector<16xf32>,
      %broadcast_in_dim3A_240 = arith.constant 0.000000e+00 : f32
      %broadcast_in_dim3A_241 = vector.broadcast %broadcast_in_dim3A_240 : f32 to vector<16xf32>
      %swap3A_242 = arith.index_cast %scan3A_189 : i32 to index
      %swap3A_243 = arith.constant 80 : index
      %swap3A_244 = tpu.vector_load %arg16[%swap3A_242, %swap3A_243] {strides = array<i32>} : memref<48x144xf32, #tpu.memory_space<vmem>>, vector<16xf32>,
      tpu.vector_store %arg16[%swap3A_242, %swap3A_243], %broadcast_in_dim3A_241 {strides = array<i32>} : memref<48x144xf32, #tpu.memory_space<vmem>>, vector<16xf32>,
      %broadcast_in_dim3A_245 = arith.constant 0.000000e+00 : f32
      %broadcast_in_dim3A_246 = vector.broadcast %broadcast_in_dim3A_245 : f32 to vector<16xf32>
      %swap3A_247 = arith.index_cast %scan3A_189 : i32 to index
      %swap3A_248 = arith.constant 80 : index
      %swap3A_249 = tpu.vector_load %arg17[%swap3A_247, %swap3A_248] {strides = array<i32>} : memref<48x144xf32, #tpu.memory_space<vmem>>, vector<16xf32>,
      tpu.vector_store %arg17[%swap3A_247, %swap3A_248], %broadcast_in_dim3A_246 {strides = array<i32>} : memref<48x144xf32, #tpu.memory_space<vmem>>, vector<16xf32>,
      %broadcast_in_dim3A_250 = arith.constant 0.000000e+00 : f32
      %broadcast_in_dim3A_251 = vector.broadcast %broadcast_in_dim3A_250 : f32 to vector<16xf32>
      %swap3A_252 = arith.index_cast %scan3A_189 : i32 to index
      %swap3A_253 = arith.constant 96 : index
      %swap3A_254 = tpu.vector_load %arg16[%swap3A_252, %swap3A_253] {strides = array<i32>} : memref<48x144xf32, #tpu.memory_space<vmem>>, vector<16xf32>,
      tpu.vector_store %arg16[%swap3A_252, %swap3A_253], %broadcast_in_dim3A_251 {strides = array<i32>} : memref<48x144xf32, #tpu.memory_space<vmem>>, vector<16xf32>,
      %broadcast_in_dim3A_255 = arith.constant 0.000000e+00 : f32
      %broadcast_in_dim3A_256 = vector.broadcast %broadcast_in_dim3A_255 : f32 to vector<16xf32>
      %swap3A_257 = arith.index_cast %scan3A_189 : i32 to index
      %swap3A_258 = arith.constant 96 : index
      %swap3A_259 = tpu.vector_load %arg17[%swap3A_257, %swap3A_258] {strides = array<i32>} : memref<48x144xf32, #tpu.memory_space<vmem>>, vector<16xf32>,
      tpu.vector_store %arg17[%swap3A_257, %swap3A_258], %broadcast_in_dim3A_256 {strides = array<i32>} : memref<48x144xf32, #tpu.memory_space<vmem>>, vector<16xf32>,
      %broadcast_in_dim3A_260 = arith.constant 0.000000e+00 : f32
      %broadcast_in_dim3A_261 = vector.broadcast %broadcast_in_dim3A_260 : f32 to vector<16xf32>
      %swap3A_262 = arith.index_cast %scan3A_189 : i32 to index
      %swap3A_263 = arith.constant 112 : index
      %swap3A_264 = tpu.vector_load %arg16[%swap3A_262, %swap3A_263] {strides = array<i32>} : memref<48x144xf32, #tpu.memory_space<vmem>>, vector<16xf32>,
      tpu.vector_store %arg16[%swap3A_262, %swap3A_263], %broadcast_in_dim3A_261 {strides = array<i32>} : memref<48x144xf32, #tpu.memory_space<vmem>>, vector<16xf32>,
      %broadcast_in_dim3A_265 = arith.constant 0.000000e+00 : f32
      %broadcast_in_dim3A_266 = vector.broadcast %broadcast_in_dim3A_265 : f32 to vector<16xf32>
      %swap3A_267 = arith.index_cast %scan3A_189 : i32 to index
      %swap3A_268 = arith.constant 112 : index
      %swap3A_269 = tpu.vector_load %arg17[%swap3A_267, %swap3A_268] {strides = array<i32>} : memref<48x144xf32, #tpu.memory_space<vmem>>, vector<16xf32>,
      tpu.vector_store %arg17[%swap3A_267, %swap3A_268], %broadcast_in_dim3A_266 {strides = array<i32>} : memref<48x144xf32, #tpu.memory_space<vmem>>, vector<16xf32>,
      %broadcast_in_dim3A_270 = arith.constant 0.000000e+00 : f32
      %broadcast_in_dim3A_271 = vector.broadcast %broadcast_in_dim3A_270 : f32 to vector<16xf32>
      %swap3A_272 = arith.index_cast %scan3A_189 : i32 to index
      %swap3A_273 = arith.constant 128 : index
      %swap3A_274 = tpu.vector_load %arg16[%swap3A_272, %swap3A_273] {strides = array<i32>} : memref<48x144xf32, #tpu.memory_space<vmem>>, vector<16xf32>,
      tpu.vector_store %arg16[%swap3A_272, %swap3A_273], %broadcast_in_dim3A_271 {strides = array<i32>} : memref<48x144xf32, #tpu.memory_space<vmem>>, vector<16xf32>,
      %broadcast_in_dim3A_275 = arith.constant 0.000000e+00 : f32
      %broadcast_in_dim3A_276 = vector.broadcast %broadcast_in_dim3A_275 : f32 to vector<16xf32>
      %swap3A_277 = arith.index_cast %scan3A_189 : i32 to index
      %swap3A_278 = arith.constant 128 : index
      %swap3A_279 = tpu.vector_load %arg17[%swap3A_277, %swap3A_278] {strides = array<i32>} : memref<48x144xf32, #tpu.memory_space<vmem>>, vector<16xf32>,
      tpu.vector_store %arg17[%swap3A_277, %swap3A_278], %broadcast_in_dim3A_276 {strides = array<i32>} : memref<48x144xf32, #tpu.memory_space<vmem>>, vector<16xf32>,
    }
    %scan3A_7 = arith.constant 48 : i32
    %mul3A_8 = arith.constant 632 : i32
    %mul3A_9 = arith.muli %arg1, %mul3A_8 : i32
    %add3A_10 = arith.constant 0 : i32
    %add3A_11 = arith.addi %mul3A_9, %add3A_10 : i32
    "tpu.region"() ({
      %run_scoped3A_189 = tpu.sem_alloc : memref<!tpu.dma_semaphore, #tpu.memory_space<semaphore_mem>>
      %dma_start3A_190 = arith.constant 0 : i32
      %dma_start3A_191 = arith.constant 0 : i32
      %dma_start3A_192 = tpu.memref_slice %arg16[%dma_start3A_190, %dma_start3A_191] : memref<48x144xf32, #tpu.memory_space<vmem>> -> memref<48x144xf32, #tpu.memory_space<vmem>>
      %dma_start3A_193 = arith.constant 0 : i32
      %dma_start3A_194 = tpu.memref_slice %arg18[%add3A_11, %dma_start3A_193] : memref<10112x144xf32, #tpu.memory_space<vmem_shared>> -> memref<48x144xf32, #tpu.memory_space<vmem_shared>>
      %dma_start3A_195 = arith.constant 0 : i32
      %dma_start3A_196 = tpu.memref_slice %arg18[%add3A_11, %dma_start3A_195] : memref<10112x144xf32, #tpu.memory_space<vmem_shared>> -> memref<48x144xf32, #tpu.memory_space<vmem_shared>>
      %dma_start3A_197 = arith.constant 0 : i32
      %dma_start3A_198 = arith.constant 0 : i32
      %dma_start3A_199 = tpu.memref_slice %arg16[%dma_start3A_197, %dma_start3A_198] : memref<48x144xf32, #tpu.memory_space<vmem>> -> memref<48x144xf32, #tpu.memory_space<vmem>>
      tpu.enqueue_dma source(%dma_start3A_199 : memref<48x144xf32, #tpu.memory_space<vmem>>) target(%dma_start3A_196 : memref<48x144xf32, #tpu.memory_space<vmem_shared>>) target_semaphore(%run_scoped3A_189 : memref<!tpu.dma_semaphore, #tpu.memory_space<semaphore_mem>>)
      %dma_wait3A_200 = arith.constant 0 : i32
      %dma_wait3A_201 = arith.constant 0 : i32
      %dma_wait3A_202 = tpu.memref_slice %arg16[%dma_wait3A_200, %dma_wait3A_201] : memref<48x144xf32, #tpu.memory_space<vmem>> -> memref<48x144xf32, #tpu.memory_space<vmem>>
      %dma_wait3A_203 = arith.constant 0 : i32
      %dma_wait3A_204 = tpu.memref_slice %arg18[%add3A_11, %dma_wait3A_203] : memref<10112x144xf32, #tpu.memory_space<vmem_shared>> -> memref<48x144xf32, #tpu.memory_space<vmem_shared>>
      %dma_wait3A_205 = arith.constant 0 : i32
      %dma_wait3A_206 = tpu.memref_slice %arg18[%add3A_11, %dma_wait3A_205] : memref<10112x144xf32, #tpu.memory_space<vmem_shared>> -> memref<48x144xf32, #tpu.memory_space<vmem_shared>>
      %dma_wait3A_207 = arith.constant 0 : i32
      %dma_wait3A_208 = arith.constant 0 : i32
      %dma_wait3A_209 = tpu.memref_slice %arg16[%dma_wait3A_207, %dma_wait3A_208] : memref<48x144xf32, #tpu.memory_space<vmem>> -> memref<48x144xf32, #tpu.memory_space<vmem>>
      tpu.wait_dma2 semaphore(%run_scoped3A_189 : memref<!tpu.dma_semaphore, #tpu.memory_space<semaphore_mem>>) src(%dma_wait3A_209 : memref<48x144xf32, #tpu.memory_space<vmem>>) dst(%dma_wait3A_206 : memref<48x144xf32, #tpu.memory_space<vmem_shared>>)
      tpu.yield
    }) : () -> ()
    %add3A_12 = arith.constant 48 : i32
    %add3A_13 = arith.addi %mul3A_9, %add3A_12 : i32
    "tpu.region"() ({
      %run_scoped3A_189 = tpu.sem_alloc : memref<!tpu.dma_semaphore, #tpu.memory_space<semaphore_mem>>
      %dma_start3A_190 = arith.constant 0 : i32
      %dma_start3A_191 = arith.constant 0 : i32
      %dma_start3A_192 = tpu.memref_slice %arg16[%dma_start3A_190, %dma_start3A_191] : memref<48x144xf32, #tpu.memory_space<vmem>> -> memref<48x144xf32, #tpu.memory_space<vmem>>
      %dma_start3A_193 = arith.constant 0 : i32
      %dma_start3A_194 = tpu.memref_slice %arg18[%add3A_13, %dma_start3A_193] : memref<10112x144xf32, #tpu.memory_space<vmem_shared>> -> memref<48x144xf32, #tpu.memory_space<vmem_shared>>
      %dma_start3A_195 = arith.constant 0 : i32
      %dma_start3A_196 = tpu.memref_slice %arg18[%add3A_13, %dma_start3A_195] : memref<10112x144xf32, #tpu.memory_space<vmem_shared>> -> memref<48x144xf32, #tpu.memory_space<vmem_shared>>
      %dma_start3A_197 = arith.constant 0 : i32
      %dma_start3A_198 = arith.constant 0 : i32
      %dma_start3A_199 = tpu.memref_slice %arg16[%dma_start3A_197, %dma_start3A_198] : memref<48x144xf32, #tpu.memory_space<vmem>> -> memref<48x144xf32, #tpu.memory_space<vmem>>
      tpu.enqueue_dma source(%dma_start3A_199 : memref<48x144xf32, #tpu.memory_space<vmem>>) target(%dma_start3A_196 : memref<48x144xf32, #tpu.memory_space<vmem_shared>>) target_semaphore(%run_scoped3A_189 : memref<!tpu.dma_semaphore, #tpu.memory_space<semaphore_mem>>)
      %dma_wait3A_200 = arith.constant 0 : i32
      %dma_wait3A_201 = arith.constant 0 : i32
      %dma_wait3A_202 = tpu.memref_slice %arg16[%dma_wait3A_200, %dma_wait3A_201] : memref<48x144xf32, #tpu.memory_space<vmem>> -> memref<48x144xf32, #tpu.memory_space<vmem>>
      %dma_wait3A_203 = arith.constant 0 : i32
      %dma_wait3A_204 = tpu.memref_slice %arg18[%add3A_13, %dma_wait3A_203] : memref<10112x144xf32, #tpu.memory_space<vmem_shared>> -> memref<48x144xf32, #tpu.memory_space<vmem_shared>>
      %dma_wait3A_205 = arith.constant 0 : i32
      %dma_wait3A_206 = tpu.memref_slice %arg18[%add3A_13, %dma_wait3A_205] : memref<10112x144xf32, #tpu.memory_space<vmem_shared>> -> memref<48x144xf32, #tpu.memory_space<vmem_shared>>
      %dma_wait3A_207 = arith.constant 0 : i32
      %dma_wait3A_208 = arith.constant 0 : i32
      %dma_wait3A_209 = tpu.memref_slice %arg16[%dma_wait3A_207, %dma_wait3A_208] : memref<48x144xf32, #tpu.memory_space<vmem>> -> memref<48x144xf32, #tpu.memory_space<vmem>>
      tpu.wait_dma2 semaphore(%run_scoped3A_189 : memref<!tpu.dma_semaphore, #tpu.memory_space<semaphore_mem>>) src(%dma_wait3A_209 : memref<48x144xf32, #tpu.memory_space<vmem>>) dst(%dma_wait3A_206 : memref<48x144xf32, #tpu.memory_space<vmem_shared>>)
      tpu.yield
    }) : () -> ()
    %add3A_14 = arith.constant 96 : i32
    %add3A_15 = arith.addi %mul3A_9, %add3A_14 : i32
    "tpu.region"() ({
      %run_scoped3A_189 = tpu.sem_alloc : memref<!tpu.dma_semaphore, #tpu.memory_space<semaphore_mem>>
      %dma_start3A_190 = arith.constant 0 : i32
      %dma_start3A_191 = arith.constant 0 : i32
      %dma_start3A_192 = tpu.memref_slice %arg16[%dma_start3A_190, %dma_start3A_191] : memref<48x144xf32, #tpu.memory_space<vmem>> -> memref<48x144xf32, #tpu.memory_space<vmem>>
      %dma_start3A_193 = arith.constant 0 : i32
      %dma_start3A_194 = tpu.memref_slice %arg18[%add3A_15, %dma_start3A_193] : memref<10112x144xf32, #tpu.memory_space<vmem_shared>> -> memref<48x144xf32, #tpu.memory_space<vmem_shared>>
      %dma_start3A_195 = arith.constant 0 : i32
      %dma_start3A_196 = tpu.memref_slice %arg18[%add3A_15, %dma_start3A_195] : memref<10112x144xf32, #tpu.memory_space<vmem_shared>> -> memref<48x144xf32, #tpu.memory_space<vmem_shared>>
      %dma_start3A_197 = arith.constant 0 : i32
      %dma_start3A_198 = arith.constant 0 : i32
      %dma_start3A_199 = tpu.memref_slice %arg16[%dma_start3A_197, %dma_start3A_198] : memref<48x144xf32, #tpu.memory_space<vmem>> -> memref<48x144xf32, #tpu.memory_space<vmem>>
      tpu.enqueue_dma source(%dma_start3A_199 : memref<48x144xf32, #tpu.memory_space<vmem>>) target(%dma_start3A_196 : memref<48x144xf32, #tpu.memory_space<vmem_shared>>) target_semaphore(%run_scoped3A_189 : memref<!tpu.dma_semaphore, #tpu.memory_space<semaphore_mem>>)
      %dma_wait3A_200 = arith.constant 0 : i32
      %dma_wait3A_201 = arith.constant 0 : i32
      %dma_wait3A_202 = tpu.memref_slice %arg16[%dma_wait3A_200, %dma_wait3A_201] : memref<48x144xf32, #tpu.memory_space<vmem>> -> memref<48x144xf32, #tpu.memory_space<vmem>>
      %dma_wait3A_203 = arith.constant 0 : i32
      %dma_wait3A_204 = tpu.memref_slice %arg18[%add3A_15, %dma_wait3A_203] : memref<10112x144xf32, #tpu.memory_space<vmem_shared>> -> memref<48x144xf32, #tpu.memory_space<vmem_shared>>
      %dma_wait3A_205 = arith.constant 0 : i32
      %dma_wait3A_206 = tpu.memref_slice %arg18[%add3A_15, %dma_wait3A_205] : memref<10112x144xf32, #tpu.memory_space<vmem_shared>> -> memref<48x144xf32, #tpu.memory_space<vmem_shared>>
      %dma_wait3A_207 = arith.constant 0 : i32
      %dma_wait3A_208 = arith.constant 0 : i32
      %dma_wait3A_209 = tpu.memref_slice %arg16[%dma_wait3A_207, %dma_wait3A_208] : memref<48x144xf32, #tpu.memory_space<vmem>> -> memref<48x144xf32, #tpu.memory_space<vmem>>
      tpu.wait_dma2 semaphore(%run_scoped3A_189 : memref<!tpu.dma_semaphore, #tpu.memory_space<semaphore_mem>>) src(%dma_wait3A_209 : memref<48x144xf32, #tpu.memory_space<vmem>>) dst(%dma_wait3A_206 : memref<48x144xf32, #tpu.memory_space<vmem_shared>>)
      tpu.yield
    }) : () -> ()
    %add3A_16 = arith.constant 144 : i32
    %add3A_17 = arith.addi %mul3A_9, %add3A_16 : i32
    "tpu.region"() ({
      %run_scoped3A_189 = tpu.sem_alloc : memref<!tpu.dma_semaphore, #tpu.memory_space<semaphore_mem>>
      %dma_start3A_190 = arith.constant 0 : i32
      %dma_start3A_191 = arith.constant 0 : i32
      %dma_start3A_192 = tpu.memref_slice %arg16[%dma_start3A_190, %dma_start3A_191] : memref<48x144xf32, #tpu.memory_space<vmem>> -> memref<48x144xf32, #tpu.memory_space<vmem>>
      %dma_start3A_193 = arith.constant 0 : i32
      %dma_start3A_194 = tpu.memref_slice %arg18[%add3A_17, %dma_start3A_193] : memref<10112x144xf32, #tpu.memory_space<vmem_shared>> -> memref<48x144xf32, #tpu.memory_space<vmem_shared>>
      %dma_start3A_195 = arith.constant 0 : i32
      %dma_start3A_196 = tpu.memref_slice %arg18[%add3A_17, %dma_start3A_195] : memref<10112x144xf32, #tpu.memory_space<vmem_shared>> -> memref<48x144xf32, #tpu.memory_space<vmem_shared>>
      %dma_start3A_197 = arith.constant 0 : i32
      %dma_start3A_198 = arith.constant 0 : i32
      %dma_start3A_199 = tpu.memref_slice %arg16[%dma_start3A_197, %dma_start3A_198] : memref<48x144xf32, #tpu.memory_space<vmem>> -> memref<48x144xf32, #tpu.memory_space<vmem>>
      tpu.enqueue_dma source(%dma_start3A_199 : memref<48x144xf32, #tpu.memory_space<vmem>>) target(%dma_start3A_196 : memref<48x144xf32, #tpu.memory_space<vmem_shared>>) target_semaphore(%run_scoped3A_189 : memref<!tpu.dma_semaphore, #tpu.memory_space<semaphore_mem>>)
      %dma_wait3A_200 = arith.constant 0 : i32
      %dma_wait3A_201 = arith.constant 0 : i32
      %dma_wait3A_202 = tpu.memref_slice %arg16[%dma_wait3A_200, %dma_wait3A_201] : memref<48x144xf32, #tpu.memory_space<vmem>> -> memref<48x144xf32, #tpu.memory_space<vmem>>
      %dma_wait3A_203 = arith.constant 0 : i32
      %dma_wait3A_204 = tpu.memref_slice %arg18[%add3A_17, %dma_wait3A_203] : memref<10112x144xf32, #tpu.memory_space<vmem_shared>> -> memref<48x144xf32, #tpu.memory_space<vmem_shared>>
      %dma_wait3A_205 = arith.constant 0 : i32
      %dma_wait3A_206 = tpu.memref_slice %arg18[%add3A_17, %dma_wait3A_205] : memref<10112x144xf32, #tpu.memory_space<vmem_shared>> -> memref<48x144xf32, #tpu.memory_space<vmem_shared>>
      %dma_wait3A_207 = arith.constant 0 : i32
      %dma_wait3A_208 = arith.constant 0 : i32
      %dma_wait3A_209 = tpu.memref_slice %arg16[%dma_wait3A_207, %dma_wait3A_208] : memref<48x144xf32, #tpu.memory_space<vmem>> -> memref<48x144xf32, #tpu.memory_space<vmem>>
      tpu.wait_dma2 semaphore(%run_scoped3A_189 : memref<!tpu.dma_semaphore, #tpu.memory_space<semaphore_mem>>) src(%dma_wait3A_209 : memref<48x144xf32, #tpu.memory_space<vmem>>) dst(%dma_wait3A_206 : memref<48x144xf32, #tpu.memory_space<vmem_shared>>)
      tpu.yield
    }) : () -> ()
    %add3A_18 = arith.constant 192 : i32
    %add3A_19 = arith.addi %mul3A_9, %add3A_18 : i32
    "tpu.region"() ({
      %run_scoped3A_189 = tpu.sem_alloc : memref<!tpu.dma_semaphore, #tpu.memory_space<semaphore_mem>>
      %dma_start3A_190 = arith.constant 0 : i32
      %dma_start3A_191 = arith.constant 0 : i32
      %dma_start3A_192 = tpu.memref_slice %arg16[%dma_start3A_190, %dma_start3A_191] : memref<48x144xf32, #tpu.memory_space<vmem>> -> memref<48x144xf32, #tpu.memory_space<vmem>>
      %dma_start3A_193 = arith.constant 0 : i32
      %dma_start3A_194 = tpu.memref_slice %arg18[%add3A_19, %dma_start3A_193] : memref<10112x144xf32, #tpu.memory_space<vmem_shared>> -> memref<48x144xf32, #tpu.memory_space<vmem_shared>>
      %dma_start3A_195 = arith.constant 0 : i32
      %dma_start3A_196 = tpu.memref_slice %arg18[%add3A_19, %dma_start3A_195] : memref<10112x144xf32, #tpu.memory_space<vmem_shared>> -> memref<48x144xf32, #tpu.memory_space<vmem_shared>>
      %dma_start3A_197 = arith.constant 0 : i32
      %dma_start3A_198 = arith.constant 0 : i32
      %dma_start3A_199 = tpu.memref_slice %arg16[%dma_start3A_197, %dma_start3A_198] : memref<48x144xf32, #tpu.memory_space<vmem>> -> memref<48x144xf32, #tpu.memory_space<vmem>>
      tpu.enqueue_dma source(%dma_start3A_199 : memref<48x144xf32, #tpu.memory_space<vmem>>) target(%dma_start3A_196 : memref<48x144xf32, #tpu.memory_space<vmem_shared>>) target_semaphore(%run_scoped3A_189 : memref<!tpu.dma_semaphore, #tpu.memory_space<semaphore_mem>>)
      %dma_wait3A_200 = arith.constant 0 : i32
      %dma_wait3A_201 = arith.constant 0 : i32
      %dma_wait3A_202 = tpu.memref_slice %arg16[%dma_wait3A_200, %dma_wait3A_201] : memref<48x144xf32, #tpu.memory_space<vmem>> -> memref<48x144xf32, #tpu.memory_space<vmem>>
      %dma_wait3A_203 = arith.constant 0 : i32
      %dma_wait3A_204 = tpu.memref_slice %arg18[%add3A_19, %dma_wait3A_203] : memref<10112x144xf32, #tpu.memory_space<vmem_shared>> -> memref<48x144xf32, #tpu.memory_space<vmem_shared>>
      %dma_wait3A_205 = arith.constant 0 : i32
      %dma_wait3A_206 = tpu.memref_slice %arg18[%add3A_19, %dma_wait3A_205] : memref<10112x144xf32, #tpu.memory_space<vmem_shared>> -> memref<48x144xf32, #tpu.memory_space<vmem_shared>>
      %dma_wait3A_207 = arith.constant 0 : i32
      %dma_wait3A_208 = arith.constant 0 : i32
      %dma_wait3A_209 = tpu.memref_slice %arg16[%dma_wait3A_207, %dma_wait3A_208] : memref<48x144xf32, #tpu.memory_space<vmem>> -> memref<48x144xf32, #tpu.memory_space<vmem>>
      tpu.wait_dma2 semaphore(%run_scoped3A_189 : memref<!tpu.dma_semaphore, #tpu.memory_space<semaphore_mem>>) src(%dma_wait3A_209 : memref<48x144xf32, #tpu.memory_space<vmem>>) dst(%dma_wait3A_206 : memref<48x144xf32, #tpu.memory_space<vmem_shared>>)
      tpu.yield
    }) : () -> ()
    %add3A_20 = arith.constant 240 : i32
    %add3A_21 = arith.addi %mul3A_9, %add3A_20 : i32
    "tpu.region"() ({
      %run_scoped3A_189 = tpu.sem_alloc : memref<!tpu.dma_semaphore, #tpu.memory_space<semaphore_mem>>
      %dma_start3A_190 = arith.constant 0 : i32
      %dma_start3A_191 = arith.constant 0 : i32
      %dma_start3A_192 = tpu.memref_slice %arg16[%dma_start3A_190, %dma_start3A_191] : memref<48x144xf32, #tpu.memory_space<vmem>> -> memref<48x144xf32, #tpu.memory_space<vmem>>
      %dma_start3A_193 = arith.constant 0 : i32
      %dma_start3A_194 = tpu.memref_slice %arg18[%add3A_21, %dma_start3A_193] : memref<10112x144xf32, #tpu.memory_space<vmem_shared>> -> memref<48x144xf32, #tpu.memory_space<vmem_shared>>
      %dma_start3A_195 = arith.constant 0 : i32
      %dma_start3A_196 = tpu.memref_slice %arg18[%add3A_21, %dma_start3A_195] : memref<10112x144xf32, #tpu.memory_space<vmem_shared>> -> memref<48x144xf32, #tpu.memory_space<vmem_shared>>
      %dma_start3A_197 = arith.constant 0 : i32
      %dma_start3A_198 = arith.constant 0 : i32
      %dma_start3A_199 = tpu.memref_slice %arg16[%dma_start3A_197, %dma_start3A_198] : memref<48x144xf32, #tpu.memory_space<vmem>> -> memref<48x144xf32, #tpu.memory_space<vmem>>
      tpu.enqueue_dma source(%dma_start3A_199 : memref<48x144xf32, #tpu.memory_space<vmem>>) target(%dma_start3A_196 : memref<48x144xf32, #tpu.memory_space<vmem_shared>>) target_semaphore(%run_scoped3A_189 : memref<!tpu.dma_semaphore, #tpu.memory_space<semaphore_mem>>)
      %dma_wait3A_200 = arith.constant 0 : i32
      %dma_wait3A_201 = arith.constant 0 : i32
      %dma_wait3A_202 = tpu.memref_slice %arg16[%dma_wait3A_200, %dma_wait3A_201] : memref<48x144xf32, #tpu.memory_space<vmem>> -> memref<48x144xf32, #tpu.memory_space<vmem>>
      %dma_wait3A_203 = arith.constant 0 : i32
      %dma_wait3A_204 = tpu.memref_slice %arg18[%add3A_21, %dma_wait3A_203] : memref<10112x144xf32, #tpu.memory_space<vmem_shared>> -> memref<48x144xf32, #tpu.memory_space<vmem_shared>>
      %dma_wait3A_205 = arith.constant 0 : i32
      %dma_wait3A_206 = tpu.memref_slice %arg18[%add3A_21, %dma_wait3A_205] : memref<10112x144xf32, #tpu.memory_space<vmem_shared>> -> memref<48x144xf32, #tpu.memory_space<vmem_shared>>
      %dma_wait3A_207 = arith.constant 0 : i32
      %dma_wait3A_208 = arith.constant 0 : i32
      %dma_wait3A_209 = tpu.memref_slice %arg16[%dma_wait3A_207, %dma_wait3A_208] : memref<48x144xf32, #tpu.memory_space<vmem>> -> memref<48x144xf32, #tpu.memory_space<vmem>>
      tpu.wait_dma2 semaphore(%run_scoped3A_189 : memref<!tpu.dma_semaphore, #tpu.memory_space<semaphore_mem>>) src(%dma_wait3A_209 : memref<48x144xf32, #tpu.memory_space<vmem>>) dst(%dma_wait3A_206 : memref<48x144xf32, #tpu.memory_space<vmem_shared>>)
      tpu.yield
    }) : () -> ()
    %add3A_22 = arith.constant 288 : i32
    %add3A_23 = arith.addi %mul3A_9, %add3A_22 : i32
    "tpu.region"() ({
      %run_scoped3A_189 = tpu.sem_alloc : memref<!tpu.dma_semaphore, #tpu.memory_space<semaphore_mem>>
      %dma_start3A_190 = arith.constant 0 : i32
      %dma_start3A_191 = arith.constant 0 : i32
      %dma_start3A_192 = tpu.memref_slice %arg16[%dma_start3A_190, %dma_start3A_191] : memref<48x144xf32, #tpu.memory_space<vmem>> -> memref<48x144xf32, #tpu.memory_space<vmem>>
      %dma_start3A_193 = arith.constant 0 : i32
      %dma_start3A_194 = tpu.memref_slice %arg18[%add3A_23, %dma_start3A_193] : memref<10112x144xf32, #tpu.memory_space<vmem_shared>> -> memref<48x144xf32, #tpu.memory_space<vmem_shared>>
      %dma_start3A_195 = arith.constant 0 : i32
      %dma_start3A_196 = tpu.memref_slice %arg18[%add3A_23, %dma_start3A_195] : memref<10112x144xf32, #tpu.memory_space<vmem_shared>> -> memref<48x144xf32, #tpu.memory_space<vmem_shared>>
      %dma_start3A_197 = arith.constant 0 : i32
      %dma_start3A_198 = arith.constant 0 : i32
      %dma_start3A_199 = tpu.memref_slice %arg16[%dma_start3A_197, %dma_start3A_198] : memref<48x144xf32, #tpu.memory_space<vmem>> -> memref<48x144xf32, #tpu.memory_space<vmem>>
      tpu.enqueue_dma source(%dma_start3A_199 : memref<48x144xf32, #tpu.memory_space<vmem>>) target(%dma_start3A_196 : memref<48x144xf32, #tpu.memory_space<vmem_shared>>) target_semaphore(%run_scoped3A_189 : memref<!tpu.dma_semaphore, #tpu.memory_space<semaphore_mem>>)
      %dma_wait3A_200 = arith.constant 0 : i32
      %dma_wait3A_201 = arith.constant 0 : i32
      %dma_wait3A_202 = tpu.memref_slice %arg16[%dma_wait3A_200, %dma_wait3A_201] : memref<48x144xf32, #tpu.memory_space<vmem>> -> memref<48x144xf32, #tpu.memory_space<vmem>>
      %dma_wait3A_203 = arith.constant 0 : i32
      %dma_wait3A_204 = tpu.memref_slice %arg18[%add3A_23, %dma_wait3A_203] : memref<10112x144xf32, #tpu.memory_space<vmem_shared>> -> memref<48x144xf32, #tpu.memory_space<vmem_shared>>
      %dma_wait3A_205 = arith.constant 0 : i32
      %dma_wait3A_206 = tpu.memref_slice %arg18[%add3A_23, %dma_wait3A_205] : memref<10112x144xf32, #tpu.memory_space<vmem_shared>> -> memref<48x144xf32, #tpu.memory_space<vmem_shared>>
      %dma_wait3A_207 = arith.constant 0 : i32
      %dma_wait3A_208 = arith.constant 0 : i32
      %dma_wait3A_209 = tpu.memref_slice %arg16[%dma_wait3A_207, %dma_wait3A_208] : memref<48x144xf32, #tpu.memory_space<vmem>> -> memref<48x144xf32, #tpu.memory_space<vmem>>
      tpu.wait_dma2 semaphore(%run_scoped3A_189 : memref<!tpu.dma_semaphore, #tpu.memory_space<semaphore_mem>>) src(%dma_wait3A_209 : memref<48x144xf32, #tpu.memory_space<vmem>>) dst(%dma_wait3A_206 : memref<48x144xf32, #tpu.memory_space<vmem_shared>>)
      tpu.yield
    }) : () -> ()
    %add3A_24 = arith.constant 336 : i32
    %add3A_25 = arith.addi %mul3A_9, %add3A_24 : i32
    "tpu.region"() ({
      %run_scoped3A_189 = tpu.sem_alloc : memref<!tpu.dma_semaphore, #tpu.memory_space<semaphore_mem>>
      %dma_start3A_190 = arith.constant 0 : i32
      %dma_start3A_191 = arith.constant 0 : i32
      %dma_start3A_192 = tpu.memref_slice %arg16[%dma_start3A_190, %dma_start3A_191] : memref<48x144xf32, #tpu.memory_space<vmem>> -> memref<48x144xf32, #tpu.memory_space<vmem>>
      %dma_start3A_193 = arith.constant 0 : i32
      %dma_start3A_194 = tpu.memref_slice %arg18[%add3A_25, %dma_start3A_193] : memref<10112x144xf32, #tpu.memory_space<vmem_shared>> -> memref<48x144xf32, #tpu.memory_space<vmem_shared>>
      %dma_start3A_195 = arith.constant 0 : i32
      %dma_start3A_196 = tpu.memref_slice %arg18[%add3A_25, %dma_start3A_195] : memref<10112x144xf32, #tpu.memory_space<vmem_shared>> -> memref<48x144xf32, #tpu.memory_space<vmem_shared>>
      %dma_start3A_197 = arith.constant 0 : i32
      %dma_start3A_198 = arith.constant 0 : i32
      %dma_start3A_199 = tpu.memref_slice %arg16[%dma_start3A_197, %dma_start3A_198] : memref<48x144xf32, #tpu.memory_space<vmem>> -> memref<48x144xf32, #tpu.memory_space<vmem>>
      tpu.enqueue_dma source(%dma_start3A_199 : memref<48x144xf32, #tpu.memory_space<vmem>>) target(%dma_start3A_196 : memref<48x144xf32, #tpu.memory_space<vmem_shared>>) target_semaphore(%run_scoped3A_189 : memref<!tpu.dma_semaphore, #tpu.memory_space<semaphore_mem>>)
      %dma_wait3A_200 = arith.constant 0 : i32
      %dma_wait3A_201 = arith.constant 0 : i32
      %dma_wait3A_202 = tpu.memref_slice %arg16[%dma_wait3A_200, %dma_wait3A_201] : memref<48x144xf32, #tpu.memory_space<vmem>> -> memref<48x144xf32, #tpu.memory_space<vmem>>
      %dma_wait3A_203 = arith.constant 0 : i32
      %dma_wait3A_204 = tpu.memref_slice %arg18[%add3A_25, %dma_wait3A_203] : memref<10112x144xf32, #tpu.memory_space<vmem_shared>> -> memref<48x144xf32, #tpu.memory_space<vmem_shared>>
      %dma_wait3A_205 = arith.constant 0 : i32
      %dma_wait3A_206 = tpu.memref_slice %arg18[%add3A_25, %dma_wait3A_205] : memref<10112x144xf32, #tpu.memory_space<vmem_shared>> -> memref<48x144xf32, #tpu.memory_space<vmem_shared>>
      %dma_wait3A_207 = arith.constant 0 : i32
      %dma_wait3A_208 = arith.constant 0 : i32
      %dma_wait3A_209 = tpu.memref_slice %arg16[%dma_wait3A_207, %dma_wait3A_208] : memref<48x144xf32, #tpu.memory_space<vmem>> -> memref<48x144xf32, #tpu.memory_space<vmem>>
      tpu.wait_dma2 semaphore(%run_scoped3A_189 : memref<!tpu.dma_semaphore, #tpu.memory_space<semaphore_mem>>) src(%dma_wait3A_209 : memref<48x144xf32, #tpu.memory_space<vmem>>) dst(%dma_wait3A_206 : memref<48x144xf32, #tpu.memory_space<vmem_shared>>)
      tpu.yield
    }) : () -> ()
    %add3A_26 = arith.constant 384 : i32
    %add3A_27 = arith.addi %mul3A_9, %add3A_26 : i32
    "tpu.region"() ({
      %run_scoped3A_189 = tpu.sem_alloc : memref<!tpu.dma_semaphore, #tpu.memory_space<semaphore_mem>>
      %dma_start3A_190 = arith.constant 0 : i32
      %dma_start3A_191 = arith.constant 0 : i32
      %dma_start3A_192 = tpu.memref_slice %arg16[%dma_start3A_190, %dma_start3A_191] : memref<48x144xf32, #tpu.memory_space<vmem>> -> memref<48x144xf32, #tpu.memory_space<vmem>>
      %dma_start3A_193 = arith.constant 0 : i32
      %dma_start3A_194 = tpu.memref_slice %arg18[%add3A_27, %dma_start3A_193] : memref<10112x144xf32, #tpu.memory_space<vmem_shared>> -> memref<48x144xf32, #tpu.memory_space<vmem_shared>>
      %dma_start3A_195 = arith.constant 0 : i32
      %dma_start3A_196 = tpu.memref_slice %arg18[%add3A_27, %dma_start3A_195] : memref<10112x144xf32, #tpu.memory_space<vmem_shared>> -> memref<48x144xf32, #tpu.memory_space<vmem_shared>>
      %dma_start3A_197 = arith.constant 0 : i32
      %dma_start3A_198 = arith.constant 0 : i32
      %dma_start3A_199 = tpu.memref_slice %arg16[%dma_start3A_197, %dma_start3A_198] : memref<48x144xf32, #tpu.memory_space<vmem>> -> memref<48x144xf32, #tpu.memory_space<vmem>>
      tpu.enqueue_dma source(%dma_start3A_199 : memref<48x144xf32, #tpu.memory_space<vmem>>) target(%dma_start3A_196 : memref<48x144xf32, #tpu.memory_space<vmem_shared>>) target_semaphore(%run_scoped3A_189 : memref<!tpu.dma_semaphore, #tpu.memory_space<semaphore_mem>>)
      %dma_wait3A_200 = arith.constant 0 : i32
      %dma_wait3A_201 = arith.constant 0 : i32
      %dma_wait3A_202 = tpu.memref_slice %arg16[%dma_wait3A_200, %dma_wait3A_201] : memref<48x144xf32, #tpu.memory_space<vmem>> -> memref<48x144xf32, #tpu.memory_space<vmem>>
      %dma_wait3A_203 = arith.constant 0 : i32
      %dma_wait3A_204 = tpu.memref_slice %arg18[%add3A_27, %dma_wait3A_203] : memref<10112x144xf32, #tpu.memory_space<vmem_shared>> -> memref<48x144xf32, #tpu.memory_space<vmem_shared>>
      %dma_wait3A_205 = arith.constant 0 : i32
      %dma_wait3A_206 = tpu.memref_slice %arg18[%add3A_27, %dma_wait3A_205] : memref<10112x144xf32, #tpu.memory_space<vmem_shared>> -> memref<48x144xf32, #tpu.memory_space<vmem_shared>>
      %dma_wait3A_207 = arith.constant 0 : i32
      %dma_wait3A_208 = arith.constant 0 : i32
      %dma_wait3A_209 = tpu.memref_slice %arg16[%dma_wait3A_207, %dma_wait3A_208] : memref<48x144xf32, #tpu.memory_space<vmem>> -> memref<48x144xf32, #tpu.memory_space<vmem>>
      tpu.wait_dma2 semaphore(%run_scoped3A_189 : memref<!tpu.dma_semaphore, #tpu.memory_space<semaphore_mem>>) src(%dma_wait3A_209 : memref<48x144xf32, #tpu.memory_space<vmem>>) dst(%dma_wait3A_206 : memref<48x144xf32, #tpu.memory_space<vmem_shared>>)
      tpu.yield
    }) : () -> ()
    %add3A_28 = arith.constant 432 : i32
    %add3A_29 = arith.addi %mul3A_9, %add3A_28 : i32
    "tpu.region"() ({
      %run_scoped3A_189 = tpu.sem_alloc : memref<!tpu.dma_semaphore, #tpu.memory_space<semaphore_mem>>
      %dma_start3A_190 = arith.constant 0 : i32
      %dma_start3A_191 = arith.constant 0 : i32
      %dma_start3A_192 = tpu.memref_slice %arg16[%dma_start3A_190, %dma_start3A_191] : memref<48x144xf32, #tpu.memory_space<vmem>> -> memref<48x144xf32, #tpu.memory_space<vmem>>
      %dma_start3A_193 = arith.constant 0 : i32
      %dma_start3A_194 = tpu.memref_slice %arg18[%add3A_29, %dma_start3A_193] : memref<10112x144xf32, #tpu.memory_space<vmem_shared>> -> memref<48x144xf32, #tpu.memory_space<vmem_shared>>
      %dma_start3A_195 = arith.constant 0 : i32
      %dma_start3A_196 = tpu.memref_slice %arg18[%add3A_29, %dma_start3A_195] : memref<10112x144xf32, #tpu.memory_space<vmem_shared>> -> memref<48x144xf32, #tpu.memory_space<vmem_shared>>
      %dma_start3A_197 = arith.constant 0 : i32
      %dma_start3A_198 = arith.constant 0 : i32
      %dma_start3A_199 = tpu.memref_slice %arg16[%dma_start3A_197, %dma_start3A_198] : memref<48x144xf32, #tpu.memory_space<vmem>> -> memref<48x144xf32, #tpu.memory_space<vmem>>
      tpu.enqueue_dma source(%dma_start3A_199 : memref<48x144xf32, #tpu.memory_space<vmem>>) target(%dma_start3A_196 : memref<48x144xf32, #tpu.memory_space<vmem_shared>>) target_semaphore(%run_scoped3A_189 : memref<!tpu.dma_semaphore, #tpu.memory_space<semaphore_mem>>)
      %dma_wait3A_200 = arith.constant 0 : i32
      %dma_wait3A_201 = arith.constant 0 : i32
      %dma_wait3A_202 = tpu.memref_slice %arg16[%dma_wait3A_200, %dma_wait3A_201] : memref<48x144xf32, #tpu.memory_space<vmem>> -> memref<48x144xf32, #tpu.memory_space<vmem>>
      %dma_wait3A_203 = arith.constant 0 : i32
      %dma_wait3A_204 = tpu.memref_slice %arg18[%add3A_29, %dma_wait3A_203] : memref<10112x144xf32, #tpu.memory_space<vmem_shared>> -> memref<48x144xf32, #tpu.memory_space<vmem_shared>>
      %dma_wait3A_205 = arith.constant 0 : i32
      %dma_wait3A_206 = tpu.memref_slice %arg18[%add3A_29, %dma_wait3A_205] : memref<10112x144xf32, #tpu.memory_space<vmem_shared>> -> memref<48x144xf32, #tpu.memory_space<vmem_shared>>
      %dma_wait3A_207 = arith.constant 0 : i32
      %dma_wait3A_208 = arith.constant 0 : i32
      %dma_wait3A_209 = tpu.memref_slice %arg16[%dma_wait3A_207, %dma_wait3A_208] : memref<48x144xf32, #tpu.memory_space<vmem>> -> memref<48x144xf32, #tpu.memory_space<vmem>>
      tpu.wait_dma2 semaphore(%run_scoped3A_189 : memref<!tpu.dma_semaphore, #tpu.memory_space<semaphore_mem>>) src(%dma_wait3A_209 : memref<48x144xf32, #tpu.memory_space<vmem>>) dst(%dma_wait3A_206 : memref<48x144xf32, #tpu.memory_space<vmem_shared>>)
      tpu.yield
    }) : () -> ()
    %add3A_30 = arith.constant 480 : i32
    %add3A_31 = arith.addi %mul3A_9, %add3A_30 : i32
    "tpu.region"() ({
      %run_scoped3A_189 = tpu.sem_alloc : memref<!tpu.dma_semaphore, #tpu.memory_space<semaphore_mem>>
      %dma_start3A_190 = arith.constant 0 : i32
      %dma_start3A_191 = arith.constant 0 : i32
      %dma_start3A_192 = tpu.memref_slice %arg16[%dma_start3A_190, %dma_start3A_191] : memref<48x144xf32, #tpu.memory_space<vmem>> -> memref<48x144xf32, #tpu.memory_space<vmem>>
      %dma_start3A_193 = arith.constant 0 : i32
      %dma_start3A_194 = tpu.memref_slice %arg18[%add3A_31, %dma_start3A_193] : memref<10112x144xf32, #tpu.memory_space<vmem_shared>> -> memref<48x144xf32, #tpu.memory_space<vmem_shared>>
      %dma_start3A_195 = arith.constant 0 : i32
      %dma_start3A_196 = tpu.memref_slice %arg18[%add3A_31, %dma_start3A_195] : memref<10112x144xf32, #tpu.memory_space<vmem_shared>> -> memref<48x144xf32, #tpu.memory_space<vmem_shared>>
      %dma_start3A_197 = arith.constant 0 : i32
      %dma_start3A_198 = arith.constant 0 : i32
      %dma_start3A_199 = tpu.memref_slice %arg16[%dma_start3A_197, %dma_start3A_198] : memref<48x144xf32, #tpu.memory_space<vmem>> -> memref<48x144xf32, #tpu.memory_space<vmem>>
      tpu.enqueue_dma source(%dma_start3A_199 : memref<48x144xf32, #tpu.memory_space<vmem>>) target(%dma_start3A_196 : memref<48x144xf32, #tpu.memory_space<vmem_shared>>) target_semaphore(%run_scoped3A_189 : memref<!tpu.dma_semaphore, #tpu.memory_space<semaphore_mem>>)
      %dma_wait3A_200 = arith.constant 0 : i32
      %dma_wait3A_201 = arith.constant 0 : i32
      %dma_wait3A_202 = tpu.memref_slice %arg16[%dma_wait3A_200, %dma_wait3A_201] : memref<48x144xf32, #tpu.memory_space<vmem>> -> memref<48x144xf32, #tpu.memory_space<vmem>>
      %dma_wait3A_203 = arith.constant 0 : i32
      %dma_wait3A_204 = tpu.memref_slice %arg18[%add3A_31, %dma_wait3A_203] : memref<10112x144xf32, #tpu.memory_space<vmem_shared>> -> memref<48x144xf32, #tpu.memory_space<vmem_shared>>
      %dma_wait3A_205 = arith.constant 0 : i32
      %dma_wait3A_206 = tpu.memref_slice %arg18[%add3A_31, %dma_wait3A_205] : memref<10112x144xf32, #tpu.memory_space<vmem_shared>> -> memref<48x144xf32, #tpu.memory_space<vmem_shared>>
      %dma_wait3A_207 = arith.constant 0 : i32
      %dma_wait3A_208 = arith.constant 0 : i32
      %dma_wait3A_209 = tpu.memref_slice %arg16[%dma_wait3A_207, %dma_wait3A_208] : memref<48x144xf32, #tpu.memory_space<vmem>> -> memref<48x144xf32, #tpu.memory_space<vmem>>
      tpu.wait_dma2 semaphore(%run_scoped3A_189 : memref<!tpu.dma_semaphore, #tpu.memory_space<semaphore_mem>>) src(%dma_wait3A_209 : memref<48x144xf32, #tpu.memory_space<vmem>>) dst(%dma_wait3A_206 : memref<48x144xf32, #tpu.memory_space<vmem_shared>>)
      tpu.yield
    }) : () -> ()
    %add3A_32 = arith.constant 528 : i32
    %add3A_33 = arith.addi %mul3A_9, %add3A_32 : i32
    "tpu.region"() ({
      %run_scoped3A_189 = tpu.sem_alloc : memref<!tpu.dma_semaphore, #tpu.memory_space<semaphore_mem>>
      %dma_start3A_190 = arith.constant 0 : i32
      %dma_start3A_191 = arith.constant 0 : i32
      %dma_start3A_192 = tpu.memref_slice %arg16[%dma_start3A_190, %dma_start3A_191] : memref<48x144xf32, #tpu.memory_space<vmem>> -> memref<48x144xf32, #tpu.memory_space<vmem>>
      %dma_start3A_193 = arith.constant 0 : i32
      %dma_start3A_194 = tpu.memref_slice %arg18[%add3A_33, %dma_start3A_193] : memref<10112x144xf32, #tpu.memory_space<vmem_shared>> -> memref<48x144xf32, #tpu.memory_space<vmem_shared>>
      %dma_start3A_195 = arith.constant 0 : i32
      %dma_start3A_196 = tpu.memref_slice %arg18[%add3A_33, %dma_start3A_195] : memref<10112x144xf32, #tpu.memory_space<vmem_shared>> -> memref<48x144xf32, #tpu.memory_space<vmem_shared>>
      %dma_start3A_197 = arith.constant 0 : i32
      %dma_start3A_198 = arith.constant 0 : i32
      %dma_start3A_199 = tpu.memref_slice %arg16[%dma_start3A_197, %dma_start3A_198] : memref<48x144xf32, #tpu.memory_space<vmem>> -> memref<48x144xf32, #tpu.memory_space<vmem>>
      tpu.enqueue_dma source(%dma_start3A_199 : memref<48x144xf32, #tpu.memory_space<vmem>>) target(%dma_start3A_196 : memref<48x144xf32, #tpu.memory_space<vmem_shared>>) target_semaphore(%run_scoped3A_189 : memref<!tpu.dma_semaphore, #tpu.memory_space<semaphore_mem>>)
      %dma_wait3A_200 = arith.constant 0 : i32
      %dma_wait3A_201 = arith.constant 0 : i32
      %dma_wait3A_202 = tpu.memref_slice %arg16[%dma_wait3A_200, %dma_wait3A_201] : memref<48x144xf32, #tpu.memory_space<vmem>> -> memref<48x144xf32, #tpu.memory_space<vmem>>
      %dma_wait3A_203 = arith.constant 0 : i32
      %dma_wait3A_204 = tpu.memref_slice %arg18[%add3A_33, %dma_wait3A_203] : memref<10112x144xf32, #tpu.memory_space<vmem_shared>> -> memref<48x144xf32, #tpu.memory_space<vmem_shared>>
      %dma_wait3A_205 = arith.constant 0 : i32
      %dma_wait3A_206 = tpu.memref_slice %arg18[%add3A_33, %dma_wait3A_205] : memref<10112x144xf32, #tpu.memory_space<vmem_shared>> -> memref<48x144xf32, #tpu.memory_space<vmem_shared>>
      %dma_wait3A_207 = arith.constant 0 : i32
      %dma_wait3A_208 = arith.constant 0 : i32
      %dma_wait3A_209 = tpu.memref_slice %arg16[%dma_wait3A_207, %dma_wait3A_208] : memref<48x144xf32, #tpu.memory_space<vmem>> -> memref<48x144xf32, #tpu.memory_space<vmem>>
      tpu.wait_dma2 semaphore(%run_scoped3A_189 : memref<!tpu.dma_semaphore, #tpu.memory_space<semaphore_mem>>) src(%dma_wait3A_209 : memref<48x144xf32, #tpu.memory_space<vmem>>) dst(%dma_wait3A_206 : memref<48x144xf32, #tpu.memory_space<vmem_shared>>)
      tpu.yield
    }) : () -> ()
    %add3A_34 = arith.constant 576 : i32
    %add3A_35 = arith.addi %mul3A_9, %add3A_34 : i32
    "tpu.region"() ({
      %run_scoped3A_189 = tpu.sem_alloc : memref<!tpu.dma_semaphore, #tpu.memory_space<semaphore_mem>>
      %dma_start3A_190 = arith.constant 0 : i32
      %dma_start3A_191 = arith.constant 0 : i32
      %dma_start3A_192 = tpu.memref_slice %arg16[%dma_start3A_190, %dma_start3A_191] : memref<48x144xf32, #tpu.memory_space<vmem>> -> memref<48x144xf32, #tpu.memory_space<vmem>>
      %dma_start3A_193 = arith.constant 0 : i32
      %dma_start3A_194 = tpu.memref_slice %arg18[%add3A_35, %dma_start3A_193] : memref<10112x144xf32, #tpu.memory_space<vmem_shared>> -> memref<48x144xf32, #tpu.memory_space<vmem_shared>>
      %dma_start3A_195 = arith.constant 0 : i32
      %dma_start3A_196 = tpu.memref_slice %arg18[%add3A_35, %dma_start3A_195] : memref<10112x144xf32, #tpu.memory_space<vmem_shared>> -> memref<48x144xf32, #tpu.memory_space<vmem_shared>>
      %dma_start3A_197 = arith.constant 0 : i32
      %dma_start3A_198 = arith.constant 0 : i32
      %dma_start3A_199 = tpu.memref_slice %arg16[%dma_start3A_197, %dma_start3A_198] : memref<48x144xf32, #tpu.memory_space<vmem>> -> memref<48x144xf32, #tpu.memory_space<vmem>>
      tpu.enqueue_dma source(%dma_start3A_199 : memref<48x144xf32, #tpu.memory_space<vmem>>) target(%dma_start3A_196 : memref<48x144xf32, #tpu.memory_space<vmem_shared>>) target_semaphore(%run_scoped3A_189 : memref<!tpu.dma_semaphore, #tpu.memory_space<semaphore_mem>>)
      %dma_wait3A_200 = arith.constant 0 : i32
      %dma_wait3A_201 = arith.constant 0 : i32
      %dma_wait3A_202 = tpu.memref_slice %arg16[%dma_wait3A_200, %dma_wait3A_201] : memref<48x144xf32, #tpu.memory_space<vmem>> -> memref<48x144xf32, #tpu.memory_space<vmem>>
      %dma_wait3A_203 = arith.constant 0 : i32
      %dma_wait3A_204 = tpu.memref_slice %arg18[%add3A_35, %dma_wait3A_203] : memref<10112x144xf32, #tpu.memory_space<vmem_shared>> -> memref<48x144xf32, #tpu.memory_space<vmem_shared>>
      %dma_wait3A_205 = arith.constant 0 : i32
      %dma_wait3A_206 = tpu.memref_slice %arg18[%add3A_35, %dma_wait3A_205] : memref<10112x144xf32, #tpu.memory_space<vmem_shared>> -> memref<48x144xf32, #tpu.memory_space<vmem_shared>>
      %dma_wait3A_207 = arith.constant 0 : i32
      %dma_wait3A_208 = arith.constant 0 : i32
      %dma_wait3A_209 = tpu.memref_slice %arg16[%dma_wait3A_207, %dma_wait3A_208] : memref<48x144xf32, #tpu.memory_space<vmem>> -> memref<48x144xf32, #tpu.memory_space<vmem>>
      tpu.wait_dma2 semaphore(%run_scoped3A_189 : memref<!tpu.dma_semaphore, #tpu.memory_space<semaphore_mem>>) src(%dma_wait3A_209 : memref<48x144xf32, #tpu.memory_space<vmem>>) dst(%dma_wait3A_206 : memref<48x144xf32, #tpu.memory_space<vmem_shared>>)
      tpu.yield
    }) : () -> ()
    %add3A_36 = arith.constant 624 : i32
    %add3A_37 = arith.addi %mul3A_9, %add3A_36 : i32
    "tpu.region"() ({
      %run_scoped3A_189 = tpu.sem_alloc : memref<!tpu.dma_semaphore, #tpu.memory_space<semaphore_mem>>
      %dma_start3A_190 = arith.constant 0 : i32
      %dma_start3A_191 = arith.constant 0 : i32
      %dma_start3A_192 = tpu.memref_slice %arg16[%dma_start3A_190, %dma_start3A_191] : memref<48x144xf32, #tpu.memory_space<vmem>> -> memref<8x144xf32, #tpu.memory_space<vmem>>
      %dma_start3A_193 = arith.constant 0 : i32
      %dma_start3A_194 = tpu.memref_slice %arg18[%add3A_37, %dma_start3A_193] : memref<10112x144xf32, #tpu.memory_space<vmem_shared>> -> memref<8x144xf32, #tpu.memory_space<vmem_shared>>
      %dma_start3A_195 = arith.constant 0 : i32
      %dma_start3A_196 = tpu.memref_slice %arg18[%add3A_37, %dma_start3A_195] : memref<10112x144xf32, #tpu.memory_space<vmem_shared>> -> memref<8x144xf32, #tpu.memory_space<vmem_shared>>
      %dma_start3A_197 = arith.constant 0 : i32
      %dma_start3A_198 = arith.constant 0 : i32
      %dma_start3A_199 = tpu.memref_slice %arg16[%dma_start3A_197, %dma_start3A_198] : memref<48x144xf32, #tpu.memory_space<vmem>> -> memref<8x144xf32, #tpu.memory_space<vmem>>
      tpu.enqueue_dma source(%dma_start3A_199 : memref<8x144xf32, #tpu.memory_space<vmem>>) target(%dma_start3A_196 : memref<8x144xf32, #tpu.memory_space<vmem_shared>>) target_semaphore(%run_scoped3A_189 : memref<!tpu.dma_semaphore, #tpu.memory_space<semaphore_mem>>)
      %dma_wait3A_200 = arith.constant 0 : i32
      %dma_wait3A_201 = arith.constant 0 : i32
      %dma_wait3A_202 = tpu.memref_slice %arg16[%dma_wait3A_200, %dma_wait3A_201] : memref<48x144xf32, #tpu.memory_space<vmem>> -> memref<8x144xf32, #tpu.memory_space<vmem>>
      %dma_wait3A_203 = arith.constant 0 : i32
      %dma_wait3A_204 = tpu.memref_slice %arg18[%add3A_37, %dma_wait3A_203] : memref<10112x144xf32, #tpu.memory_space<vmem_shared>> -> memref<8x144xf32, #tpu.memory_space<vmem_shared>>
      %dma_wait3A_205 = arith.constant 0 : i32
      %dma_wait3A_206 = tpu.memref_slice %arg18[%add3A_37, %dma_wait3A_205] : memref<10112x144xf32, #tpu.memory_space<vmem_shared>> -> memref<8x144xf32, #tpu.memory_space<vmem_shared>>
      %dma_wait3A_207 = arith.constant 0 : i32
      %dma_wait3A_208 = arith.constant 0 : i32
      %dma_wait3A_209 = tpu.memref_slice %arg16[%dma_wait3A_207, %dma_wait3A_208] : memref<48x144xf32, #tpu.memory_space<vmem>> -> memref<8x144xf32, #tpu.memory_space<vmem>>
      tpu.wait_dma2 semaphore(%run_scoped3A_189 : memref<!tpu.dma_semaphore, #tpu.memory_space<semaphore_mem>>) src(%dma_wait3A_209 : memref<8x144xf32, #tpu.memory_space<vmem>>) dst(%dma_wait3A_206 : memref<8x144xf32, #tpu.memory_space<vmem_shared>>)
      tpu.yield
    }) : () -> ()
    %broadcast_in_dim3A = arith.constant 10000 : i32
    %broadcast_in_dim3A_38 = vector.broadcast %broadcast_in_dim3A : i32 to vector<16xi32>
    %swap3A = arith.constant 0 : index
    %swap3A_39 = tpu.vector_load %arg8[%swap3A] {strides = array<i32>} : memref<48xi32, #tpu.memory_space<vmem>>, vector<16xi32>,
    tpu.vector_store %arg8[%swap3A], %broadcast_in_dim3A_38 {strides = array<i32>} : memref<48xi32, #tpu.memory_space<vmem>>, vector<16xi32>,
    %broadcast_in_dim3A_40 = arith.constant 10000 : i32
    %broadcast_in_dim3A_41 = vector.broadcast %broadcast_in_dim3A_40 : i32 to vector<16xi32>
    %swap3A_42 = arith.constant 16 : index
    %swap3A_43 = tpu.vector_load %arg8[%swap3A_42] {strides = array<i32>} : memref<48xi32, #tpu.memory_space<vmem>>, vector<16xi32>,
    tpu.vector_store %arg8[%swap3A_42], %broadcast_in_dim3A_41 {strides = array<i32>} : memref<48xi32, #tpu.memory_space<vmem>>, vector<16xi32>,
    %broadcast_in_dim3A_44 = arith.constant 10000 : i32
    %broadcast_in_dim3A_45 = vector.broadcast %broadcast_in_dim3A_44 : i32 to vector<16xi32>
    %swap3A_46 = arith.constant 32 : index
    %swap3A_47 = tpu.vector_load %arg8[%swap3A_46] {strides = array<i32>} : memref<48xi32, #tpu.memory_space<vmem>>, vector<16xi32>,
    tpu.vector_store %arg8[%swap3A_46], %broadcast_in_dim3A_45 {strides = array<i32>} : memref<48xi32, #tpu.memory_space<vmem>>, vector<16xi32>,
    %eq3A = arith.constant 0 : i32
    %eq3A_48 = arith.cmpi eq, %arg1, %eq3A : i32
    %convert_element_type3A = arith.extui %eq3A_48 : i1 to i32
    %cond3A = arith.constant 0 : i32
    %cond3A_49 = arith.cmpi ne, %convert_element_type3A, %cond3A : i32
    scf.if %cond3A_49 {
      "tpu.region"() ({
        %run_scoped3A_189 = tpu.sem_alloc : memref<!tpu.dma_semaphore, #tpu.memory_space<semaphore_mem>>
        tpu.enqueue_dma source(%arg2 : memref<10112x16xf32, #tpu.memory_space<hbm>>) target(%arg19 : memref<10112x16xf32, #tpu.memory_space<vmem_shared>>) target_semaphore(%run_scoped3A_189 : memref<!tpu.dma_semaphore, #tpu.memory_space<semaphore_mem>>)
        tpu.wait_dma2 semaphore(%run_scoped3A_189 : memref<!tpu.dma_semaphore, #tpu.memory_space<semaphore_mem>>) src(%arg2 : memref<10112x16xf32, #tpu.memory_space<hbm>>) dst(%arg19 : memref<10112x16xf32, #tpu.memory_space<vmem_shared>>)
        tpu.yield
      }) : () -> ()
    } else {
    }
    %barrier3A = arith.constant 0 : index
    tpu.barrier barrier_id(%barrier3A)
    "tpu.region"() ({
      %run_scoped3A_189 = tpu.sem_alloc : memref<!tpu.dma_semaphore, #tpu.memory_space<semaphore_mem>>
      tpu.enqueue_dma source(%arg5 : memref<16xf32, #tpu.memory_space<hbm>>) target(%arg9 : memref<16xf32, #tpu.memory_space<vmem>>) target_semaphore(%run_scoped3A_189 : memref<!tpu.dma_semaphore, #tpu.memory_space<semaphore_mem>>)
      tpu.wait_dma2 semaphore(%run_scoped3A_189 : memref<!tpu.dma_semaphore, #tpu.memory_space<semaphore_mem>>) src(%arg5 : memref<16xf32, #tpu.memory_space<hbm>>) dst(%arg9 : memref<16xf32, #tpu.memory_space<vmem>>)
      tpu.yield
    }) : () -> ()
    %get3A = arith.constant 0 : index
    %get3A_50 = tpu.vector_load %arg9[%get3A] {strides = array<i32>} : memref<16xf32, #tpu.memory_space<vmem>>, vector<16xf32>,
    %iota3A = tpu.iota {dimensions = array<i32: 0>} : vector<16xi32>
    %and3A = arith.constant 7 : i32
    %and3A_51 = vector.broadcast %and3A : i32 to vector<16xi32>
    %and3A_52 = arith.andi %iota3A, %and3A_51 : vector<16xi32>
    %add3A_53 = arith.constant 8 : i32
    %add3A_54 = vector.broadcast %add3A_53 : i32 to vector<16xi32>
    %add3A_55 = arith.addi %and3A_52, %add3A_54 : vector<16xi32>
    %broadcast_in_dim3A_56 = vector.shape_cast %add3A_55 : vector<16xi32> to vector<16x1xi32>
    %gather3A = vector.shape_cast %broadcast_in_dim3A_56 : vector<16x1xi32> to vector<16xi32>
    %gather3A_57 = tpu.dynamic_gather %get3A_50[%gather3A] in [0] : vector<16xf32>, vector<16xi32> -> vector<16xf32>
    %add3A_58 = arith.addf %get3A_50, %gather3A_57 : vector<16xf32>
    %gt3A = arith.constant 0.000000e+00 : f32
    %gt3A_59 = vector.broadcast %gt3A : f32 to vector<16xf32>
    %gt3A_60 = arith.cmpf ogt, %add3A_58, %gt3A_59 : vector<16xf32>
    %mul3A_61 = arith.constant 2.000000e-01 : f32
    %mul3A_62 = vector.broadcast %mul3A_61 : f32 to vector<16xf32>
    %mul3A_63 = arith.mulf %mul3A_62, %add3A_58 : vector<16xf32>
    %select_n3A = arith.select %gt3A_60, %add3A_58, %mul3A_63 : vector<16xi1>, vector<16xf32>
    %lt3A = arith.constant 8 : i32
    %lt3A_64 = vector.broadcast %lt3A : i32 to vector<16xi32>
    %lt3A_65 = arith.cmpi slt, %iota3A, %lt3A_64 : vector<16xi32>
    %jit3A = arith.constant 1.000000e+30 : f32
    %broadcast_in_dim3A_66 = vector.broadcast %jit3A : f32 to vector<16xf32>
    %select_n3A_67 = arith.select %lt3A_65, %select_n3A, %broadcast_in_dim3A_66 : vector<16xi1>, vector<16xf32>
    %add3A_68 = arith.constant 0 : i32
    %add3A_69 = arith.addi %mul3A_2, %add3A_68 : i32
    %run_scoped3A = arith.constant 0 : i32
    "tpu.region"() ({
      %run_scoped3A_189 = tpu.sem_alloc : memref<!tpu.dma_semaphore, #tpu.memory_space<semaphore_mem>>
      %dma_start3A_190 = arith.constant 0 : i32
      %dma_start3A_191 = arith.constant 0 : i32
      %dma_start3A_192 = tpu.memref_slice %arg7[%run_scoped3A, %dma_start3A_190, %dma_start3A_191] : memref<4x2x48xi32, #tpu.memory_space<vmem>> -> memref<1x2x48xi32, #tpu.memory_space<vmem>>
      %dma_start3A_193 = tpu.memref_squeeze %dma_start3A_192 : memref<1x2x48xi32, #tpu.memory_space<vmem>> -> memref<2x48xi32, #tpu.memory_space<vmem>>
      %dma_start3A_194 = arith.constant 0 : i32
      %dma_start3A_195 = arith.constant 0 : i32
      %dma_start3A_196 = tpu.memref_slice %arg4[%add3A_69, %dma_start3A_194, %dma_start3A_195] : memref<6784x2x48xi32, #tpu.memory_space<hbm>> -> memref<1x2x48xi32, #tpu.memory_space<hbm>>
      %dma_start3A_197 = tpu.memref_squeeze %dma_start3A_196 : memref<1x2x48xi32, #tpu.memory_space<hbm>> -> memref<2x48xi32, #tpu.memory_space<hbm>>
      %dma_start3A_198 = arith.constant 0 : i32
      %dma_start3A_199 = arith.constant 0 : i32
      %dma_start3A_200 = tpu.memref_slice %arg7[%run_scoped3A, %dma_start3A_198, %dma_start3A_199] : memref<4x2x48xi32, #tpu.memory_space<vmem>> -> memref<1x2x48xi32, #tpu.memory_space<vmem>>
      %dma_start3A_201 = tpu.memref_squeeze %dma_start3A_200 : memref<1x2x48xi32, #tpu.memory_space<vmem>> -> memref<2x48xi32, #tpu.memory_space<vmem>>
      %dma_start3A_202 = arith.constant 0 : i32
      %dma_start3A_203 = arith.constant 0 : i32
      %dma_start3A_204 = tpu.memref_slice %arg4[%add3A_69, %dma_start3A_202, %dma_start3A_203] : memref<6784x2x48xi32, #tpu.memory_space<hbm>> -> memref<1x2x48xi32, #tpu.memory_space<hbm>>
      %dma_start3A_205 = tpu.memref_squeeze %dma_start3A_204 : memref<1x2x48xi32, #tpu.memory_space<hbm>> -> memref<2x48xi32, #tpu.memory_space<hbm>>
      tpu.enqueue_dma source(%dma_start3A_205 : memref<2x48xi32, #tpu.memory_space<hbm>>) target(%dma_start3A_201 : memref<2x48xi32, #tpu.memory_space<vmem>>) target_semaphore(%run_scoped3A_189 : memref<!tpu.dma_semaphore, #tpu.memory_space<semaphore_mem>>)
      %dma_wait3A_206 = arith.constant 0 : i32
      %dma_wait3A_207 = arith.constant 0 : i32
      %dma_wait3A_208 = tpu.memref_slice %arg7[%run_scoped3A, %dma_wait3A_206, %dma_wait3A_207] : memref<4x2x48xi32, #tpu.memory_space<vmem>> -> memref<1x2x48xi32, #tpu.memory_space<vmem>>
      %dma_wait3A_209 = tpu.memref_squeeze %dma_wait3A_208 : memref<1x2x48xi32, #tpu.memory_space<vmem>> -> memref<2x48xi32, #tpu.memory_space<vmem>>
      %dma_wait3A_210 = arith.constant 0 : i32
      %dma_wait3A_211 = arith.constant 0 : i32
      %dma_wait3A_212 = tpu.memref_slice %arg4[%add3A_69, %dma_wait3A_210, %dma_wait3A_211] : memref<6784x2x48xi32, #tpu.memory_space<hbm>> -> memref<1x2x48xi32, #tpu.memory_space<hbm>>
      %dma_wait3A_213 = tpu.memref_squeeze %dma_wait3A_212 : memref<1x2x48xi32, #tpu.memory_space<hbm>> -> memref<2x48xi32, #tpu.memory_space<hbm>>
      %dma_wait3A_214 = arith.constant 0 : i32
      %dma_wait3A_215 = arith.constant 0 : i32
      %dma_wait3A_216 = tpu.memref_slice %arg7[%run_scoped3A, %dma_wait3A_214, %dma_wait3A_215] : memref<4x2x48xi32, #tpu.memory_space<vmem>> -> memref<1x2x48xi32, #tpu.memory_space<vmem>>
      %dma_wait3A_217 = tpu.memref_squeeze %dma_wait3A_216 : memref<1x2x48xi32, #tpu.memory_space<vmem>> -> memref<2x48xi32, #tpu.memory_space<vmem>>
      %dma_wait3A_218 = arith.constant 0 : i32
      %dma_wait3A_219 = arith.constant 0 : i32
      %dma_wait3A_220 = tpu.memref_slice %arg4[%add3A_69, %dma_wait3A_218, %dma_wait3A_219] : memref<6784x2x48xi32, #tpu.memory_space<hbm>> -> memref<1x2x48xi32, #tpu.memory_space<hbm>>
      %dma_wait3A_221 = tpu.memref_squeeze %dma_wait3A_220 : memref<1x2x48xi32, #tpu.memory_space<hbm>> -> memref<2x48xi32, #tpu.memory_space<hbm>>
      tpu.wait_dma2 semaphore(%run_scoped3A_189 : memref<!tpu.dma_semaphore, #tpu.memory_space<semaphore_mem>>) src(%dma_wait3A_221 : memref<2x48xi32, #tpu.memory_space<hbm>>) dst(%dma_wait3A_217 : memref<2x48xi32, #tpu.memory_space<vmem>>)
      tpu.yield
    }) : () -> ()
    %add3A_70 = arith.constant 1 : i32
    %add3A_71 = arith.addi %mul3A_2, %add3A_70 : i32
    %run_scoped3A_72 = arith.constant 1 : i32
    "tpu.region"() ({
      %run_scoped3A_189 = tpu.sem_alloc : memref<!tpu.dma_semaphore, #tpu.memory_space<semaphore_mem>>
      %dma_start3A_190 = arith.constant 0 : i32
      %dma_start3A_191 = arith.constant 0 : i32
      %dma_start3A_192 = tpu.memref_slice %arg7[%run_scoped3A_72, %dma_start3A_190, %dma_start3A_191] : memref<4x2x48xi32, #tpu.memory_space<vmem>> -> memref<1x2x48xi32, #tpu.memory_space<vmem>>
      %dma_start3A_193 = tpu.memref_squeeze %dma_start3A_192 : memref<1x2x48xi32, #tpu.memory_space<vmem>> -> memref<2x48xi32, #tpu.memory_space<vmem>>
      %dma_start3A_194 = arith.constant 0 : i32
      %dma_start3A_195 = arith.constant 0 : i32
      %dma_start3A_196 = tpu.memref_slice %arg4[%add3A_71, %dma_start3A_194, %dma_start3A_195] : memref<6784x2x48xi32, #tpu.memory_space<hbm>> -> memref<1x2x48xi32, #tpu.memory_space<hbm>>
      %dma_start3A_197 = tpu.memref_squeeze %dma_start3A_196 : memref<1x2x48xi32, #tpu.memory_space<hbm>> -> memref<2x48xi32, #tpu.memory_space<hbm>>
      %dma_start3A_198 = arith.constant 0 : i32
      %dma_start3A_199 = arith.constant 0 : i32
      %dma_start3A_200 = tpu.memref_slice %arg7[%run_scoped3A_72, %dma_start3A_198, %dma_start3A_199] : memref<4x2x48xi32, #tpu.memory_space<vmem>> -> memref<1x2x48xi32, #tpu.memory_space<vmem>>
      %dma_start3A_201 = tpu.memref_squeeze %dma_start3A_200 : memref<1x2x48xi32, #tpu.memory_space<vmem>> -> memref<2x48xi32, #tpu.memory_space<vmem>>
      %dma_start3A_202 = arith.constant 0 : i32
      %dma_start3A_203 = arith.constant 0 : i32
      %dma_start3A_204 = tpu.memref_slice %arg4[%add3A_71, %dma_start3A_202, %dma_start3A_203] : memref<6784x2x48xi32, #tpu.memory_space<hbm>> -> memref<1x2x48xi32, #tpu.memory_space<hbm>>
      %dma_start3A_205 = tpu.memref_squeeze %dma_start3A_204 : memref<1x2x48xi32, #tpu.memory_space<hbm>> -> memref<2x48xi32, #tpu.memory_space<hbm>>
      tpu.enqueue_dma source(%dma_start3A_205 : memref<2x48xi32, #tpu.memory_space<hbm>>) target(%dma_start3A_201 : memref<2x48xi32, #tpu.memory_space<vmem>>) target_semaphore(%run_scoped3A_189 : memref<!tpu.dma_semaphore, #tpu.memory_space<semaphore_mem>>)
      %dma_wait3A_206 = arith.constant 0 : i32
      %dma_wait3A_207 = arith.constant 0 : i32
      %dma_wait3A_208 = tpu.memref_slice %arg7[%run_scoped3A_72, %dma_wait3A_206, %dma_wait3A_207] : memref<4x2x48xi32, #tpu.memory_space<vmem>> -> memref<1x2x48xi32, #tpu.memory_space<vmem>>
      %dma_wait3A_209 = tpu.memref_squeeze %dma_wait3A_208 : memref<1x2x48xi32, #tpu.memory_space<vmem>> -> memref<2x48xi32, #tpu.memory_space<vmem>>
      %dma_wait3A_210 = arith.constant 0 : i32
      %dma_wait3A_211 = arith.constant 0 : i32
      %dma_wait3A_212 = tpu.memref_slice %arg4[%add3A_71, %dma_wait3A_210, %dma_wait3A_211] : memref<6784x2x48xi32, #tpu.memory_space<hbm>> -> memref<1x2x48xi32, #tpu.memory_space<hbm>>
      %dma_wait3A_213 = tpu.memref_squeeze %dma_wait3A_212 : memref<1x2x48xi32, #tpu.memory_space<hbm>> -> memref<2x48xi32, #tpu.memory_space<hbm>>
      %dma_wait3A_214 = arith.constant 0 : i32
      %dma_wait3A_215 = arith.constant 0 : i32
      %dma_wait3A_216 = tpu.memref_slice %arg7[%run_scoped3A_72, %dma_wait3A_214, %dma_wait3A_215] : memref<4x2x48xi32, #tpu.memory_space<vmem>> -> memref<1x2x48xi32, #tpu.memory_space<vmem>>
      %dma_wait3A_217 = tpu.memref_squeeze %dma_wait3A_216 : memref<1x2x48xi32, #tpu.memory_space<vmem>> -> memref<2x48xi32, #tpu.memory_space<vmem>>
      %dma_wait3A_218 = arith.constant 0 : i32
      %dma_wait3A_219 = arith.constant 0 : i32
      %dma_wait3A_220 = tpu.memref_slice %arg4[%add3A_71, %dma_wait3A_218, %dma_wait3A_219] : memref<6784x2x48xi32, #tpu.memory_space<hbm>> -> memref<1x2x48xi32, #tpu.memory_space<hbm>>
      %dma_wait3A_221 = tpu.memref_squeeze %dma_wait3A_220 : memref<1x2x48xi32, #tpu.memory_space<hbm>> -> memref<2x48xi32, #tpu.memory_space<hbm>>
      tpu.wait_dma2 semaphore(%run_scoped3A_189 : memref<!tpu.dma_semaphore, #tpu.memory_space<semaphore_mem>>) src(%dma_wait3A_221 : memref<2x48xi32, #tpu.memory_space<hbm>>) dst(%dma_wait3A_217 : memref<2x48xi32, #tpu.memory_space<vmem>>)
      tpu.yield
    }) : () -> ()
    %dma_start3A = arith.constant 0 : i32
    %dma_start3A_73 = arith.constant 0 : i32
    %dma_start3A_74 = tpu.memref_slice %arg18[%dma_start3A, %dma_start3A_73] : memref<10112x144xf32, #tpu.memory_space<vmem_shared>> -> memref<10112x144xf32, #tpu.memory_space<vmem_shared>>
    tpu.enqueue_indirect_dma source(%arg16 : memref<48x144xf32, #tpu.memory_space<vmem>>) target(%dma_start3A_74 : memref<10112x144xf32, #tpu.memory_space<vmem_shared>>) offsets(%arg8 : memref<48xi32, #tpu.memory_space<vmem>>) semaphore(%arg28 : memref<!tpu.dma_semaphore, #tpu.memory_space<semaphore_mem>>) {add = true}
    %dma_start3A_75 = arith.constant 0 : i32
    %dma_start3A_76 = arith.constant 0 : i32
    %dma_start3A_77 = tpu.memref_slice %arg18[%dma_start3A_75, %dma_start3A_76] : memref<10112x144xf32, #tpu.memory_space<vmem_shared>> -> memref<10112x144xf32, #tpu.memory_space<vmem_shared>>
    tpu.enqueue_indirect_dma source(%arg17 : memref<48x144xf32, #tpu.memory_space<vmem>>) target(%dma_start3A_77 : memref<10112x144xf32, #tpu.memory_space<vmem_shared>>) offsets(%arg8 : memref<48xi32, #tpu.memory_space<vmem>>) semaphore(%arg29 : memref<!tpu.dma_semaphore, #tpu.memory_space<semaphore_mem>>) {add = true}
    %dma_start3A_78 = arith.constant 0 : i32
    %dma_start3A_79 = arith.constant 0 : i32
    %dma_start3A_80 = arith.constant 0 : i32
    %dma_start3A_81 = tpu.memref_slice %arg7[%dma_start3A_78, %dma_start3A_79, %dma_start3A_80] : memref<4x2x48xi32, #tpu.memory_space<vmem>> -> memref<1x1x48xi32, #tpu.memory_space<vmem>>
    %dma_start3A_82 = tpu.memref_squeeze %dma_start3A_81 : memref<1x1x48xi32, #tpu.memory_space<vmem>> -> memref<48xi32, #tpu.memory_space<vmem>>
    %dma_start3A_83 = arith.constant 0 : i32
    %dma_start3A_84 = arith.constant 0 : i32
    %dma_start3A_85 = tpu.memref_slice %arg19[%dma_start3A_83, %dma_start3A_84] : memref<10112x16xf32, #tpu.memory_space<vmem_shared>> -> memref<10112x16xf32, #tpu.memory_space<vmem_shared>>
    tpu.enqueue_indirect_dma source(%dma_start3A_85 : memref<10112x16xf32, #tpu.memory_space<vmem_shared>>) target(%arg10 : memref<48x16xf32, #tpu.memory_space<vmem>>) offsets(%dma_start3A_82 : memref<48xi32, #tpu.memory_space<vmem>>) semaphore(%arg22 : memref<!tpu.dma_semaphore, #tpu.memory_space<semaphore_mem>>)
    %dma_start3A_86 = arith.constant 0 : i32
    %dma_start3A_87 = arith.constant 1 : i32
    %dma_start3A_88 = arith.constant 0 : i32
    %dma_start3A_89 = tpu.memref_slice %arg7[%dma_start3A_86, %dma_start3A_87, %dma_start3A_88] : memref<4x2x48xi32, #tpu.memory_space<vmem>> -> memref<1x1x48xi32, #tpu.memory_space<vmem>>
    %dma_start3A_90 = tpu.memref_squeeze %dma_start3A_89 : memref<1x1x48xi32, #tpu.memory_space<vmem>> -> memref<48xi32, #tpu.memory_space<vmem>>
    %dma_start3A_91 = arith.constant 0 : i32
    %dma_start3A_92 = arith.constant 0 : i32
    %dma_start3A_93 = tpu.memref_slice %arg19[%dma_start3A_91, %dma_start3A_92] : memref<10112x16xf32, #tpu.memory_space<vmem_shared>> -> memref<10112x16xf32, #tpu.memory_space<vmem_shared>>
    tpu.enqueue_indirect_dma source(%dma_start3A_93 : memref<10112x16xf32, #tpu.memory_space<vmem_shared>>) target(%arg12 : memref<48x16xf32, #tpu.memory_space<vmem>>) offsets(%dma_start3A_90 : memref<48xi32, #tpu.memory_space<vmem>>) semaphore(%arg24 : memref<!tpu.dma_semaphore, #tpu.memory_space<semaphore_mem>>)
    %dma_start3A_94 = arith.constant 0 : i32
    %dma_start3A_95 = arith.constant 0 : i32
    %dma_start3A_96 = arith.constant 0 : i32
    %dma_start3A_97 = tpu.memref_slice %arg7[%dma_start3A_94, %dma_start3A_95, %dma_start3A_96] : memref<4x2x48xi32, #tpu.memory_space<vmem>> -> memref<1x1x48xi32, #tpu.memory_space<vmem>>
    %dma_start3A_98 = tpu.memref_squeeze %dma_start3A_97 : memref<1x1x48xi32, #tpu.memory_space<vmem>> -> memref<48xi32, #tpu.memory_space<vmem>>
    %dma_start3A_99 = arith.constant 0 : i32
    %dma_start3A_100 = arith.constant 0 : i32
    %dma_start3A_101 = tpu.memref_slice %arg3[%dma_start3A_99, %dma_start3A_100] : memref<10000x64xi32, #tpu.memory_space<hbm>> -> memref<10000x64xi32, #tpu.memory_space<hbm>>
    tpu.enqueue_indirect_dma source(%dma_start3A_101 : memref<10000x64xi32, #tpu.memory_space<hbm>>) target(%arg14 : memref<48x64xi32, #tpu.memory_space<vmem>>) offsets(%dma_start3A_98 : memref<48xi32, #tpu.memory_space<vmem>>) semaphore(%arg26 : memref<!tpu.dma_semaphore, #tpu.memory_space<semaphore_mem>>)
    %dma_start3A_102 = arith.constant 1 : i32
    %dma_start3A_103 = arith.constant 0 : i32
    %dma_start3A_104 = arith.constant 0 : i32
    %dma_start3A_105 = tpu.memref_slice %arg7[%dma_start3A_102, %dma_start3A_103, %dma_start3A_104] : memref<4x2x48xi32, #tpu.memory_space<vmem>> -> memref<1x1x48xi32, #tpu.memory_space<vmem>>
    %dma_start3A_106 = tpu.memref_squeeze %dma_start3A_105 : memref<1x1x48xi32, #tpu.memory_space<vmem>> -> memref<48xi32, #tpu.memory_space<vmem>>
    %dma_start3A_107 = arith.constant 0 : i32
    %dma_start3A_108 = arith.constant 0 : i32
    %dma_start3A_109 = tpu.memref_slice %arg19[%dma_start3A_107, %dma_start3A_108] : memref<10112x16xf32, #tpu.memory_space<vmem_shared>> -> memref<10112x16xf32, #tpu.memory_space<vmem_shared>>
    tpu.enqueue_indirect_dma source(%dma_start3A_109 : memref<10112x16xf32, #tpu.memory_space<vmem_shared>>) target(%arg11 : memref<48x16xf32, #tpu.memory_space<vmem>>) offsets(%dma_start3A_106 : memref<48xi32, #tpu.memory_space<vmem>>) semaphore(%arg23 : memref<!tpu.dma_semaphore, #tpu.memory_space<semaphore_mem>>)
    %dma_start3A_110 = arith.constant 1 : i32
    %dma_start3A_111 = arith.constant 1 : i32
    %dma_start3A_112 = arith.constant 0 : i32
    %dma_start3A_113 = tpu.memref_slice %arg7[%dma_start3A_110, %dma_start3A_111, %dma_start3A_112] : memref<4x2x48xi32, #tpu.memory_space<vmem>> -> memref<1x1x48xi32, #tpu.memory_space<vmem>>
    %dma_start3A_114 = tpu.memref_squeeze %dma_start3A_113 : memref<1x1x48xi32, #tpu.memory_space<vmem>> -> memref<48xi32, #tpu.memory_space<vmem>>
    %dma_start3A_115 = arith.constant 0 : i32
    %dma_start3A_116 = arith.constant 0 : i32
    %dma_start3A_117 = tpu.memref_slice %arg19[%dma_start3A_115, %dma_start3A_116] : memref<10112x16xf32, #tpu.memory_space<vmem_shared>> -> memref<10112x16xf32, #tpu.memory_space<vmem_shared>>
    tpu.enqueue_indirect_dma source(%dma_start3A_117 : memref<10112x16xf32, #tpu.memory_space<vmem_shared>>) target(%arg13 : memref<48x16xf32, #tpu.memory_space<vmem>>) offsets(%dma_start3A_114 : memref<48xi32, #tpu.memory_space<vmem>>) semaphore(%arg25 : memref<!tpu.dma_semaphore, #tpu.memory_space<semaphore_mem>>)
    %dma_start3A_118 = arith.constant 1 : i32
    %dma_start3A_119 = arith.constant 0 : i32
    %dma_start3A_120 = arith.constant 0 : i32
    %dma_start3A_121 = tpu.memref_slice %arg7[%dma_start3A_118, %dma_start3A_119, %dma_start3A_120] : memref<4x2x48xi32, #tpu.memory_space<vmem>> -> memref<1x1x48xi32, #tpu.memory_space<vmem>>
    %dma_start3A_122 = tpu.memref_squeeze %dma_start3A_121 : memref<1x1x48xi32, #tpu.memory_space<vmem>> -> memref<48xi32, #tpu.memory_space<vmem>>
    %dma_start3A_123 = arith.constant 0 : i32
    %dma_start3A_124 = arith.constant 0 : i32
    %dma_start3A_125 = tpu.memref_slice %arg3[%dma_start3A_123, %dma_start3A_124] : memref<10000x64xi32, #tpu.memory_space<hbm>> -> memref<10000x64xi32, #tpu.memory_space<hbm>>
    tpu.enqueue_indirect_dma source(%dma_start3A_125 : memref<10000x64xi32, #tpu.memory_space<hbm>>) target(%arg15 : memref<48x64xi32, #tpu.memory_space<vmem>>) offsets(%dma_start3A_122 : memref<48xi32, #tpu.memory_space<vmem>>) semaphore(%arg27 : memref<!tpu.dma_semaphore, #tpu.memory_space<semaphore_mem>>)
    %scan3A_126 = arith.constant 0 : i32
    %scan3A_127 = arith.constant 0 : i32
    %scan3A_128 = arith.constant 105 : i32
    %scan3A_129 = arith.addi %scan3A_127, %scan3A_128 : i32
    %scan3A_130 = arith.constant 1 : i32
    scf.for %scan3A_189 = %scan3A_127 to %scan3A_129 step %scan3A_130  : i32 {
      %mul3A_190 = arith.constant 2 : i32
      %mul3A_191 = arith.muli %mul3A_190, %scan3A_189 : i32
      %add3A_192 = arith.constant 0 : i32
      %add3A_193 = arith.addi %mul3A_191, %add3A_192 : i32
      %jit3A_194 = arith.constant 4 : i32
      %eq3A_195 = arith.constant 0 : i32
      %eq3A_196 = arith.cmpi eq, %jit3A_194, %eq3A_195 : i32
      %jit3A_197 = arith.constant 1 : i32
      %select_n3A_198 = arith.select %eq3A_196, %jit3A_197, %jit3A_194 : i32
      %rem3A = arith.remsi %add3A_193, %select_n3A_198 : i32
      %ne3A = arith.constant 0 : i32
      %ne3A_199 = arith.cmpi ne, %rem3A, %ne3A : i32
      %lt3A_200 = arith.constant 0 : i32
      %lt3A_201 = arith.cmpi slt, %rem3A, %lt3A_200 : i32
      %lt3A_202 = arith.constant 0 : i32
      %lt3A_203 = arith.cmpi slt, %select_n3A_198, %lt3A_202 : i32
      %ne3A_204 = arith.xori %lt3A_201, %lt3A_203 : i1
      %and3A_205 = arith.andi %ne3A_204, %ne3A_199 : i1
      %add3A_206 = arith.addi %rem3A, %select_n3A_198 : i32
      %select_n3A_207 = arith.select %and3A_205, %add3A_206, %rem3A : i32
      %rem3A_208 = arith.constant 4 : i32
      %rem3A_209 = arith.remsi %add3A_193, %rem3A_208 : i32
      %dma_wait3A_210 = arith.constant 0 : i32
      %dma_wait3A_211 = arith.constant 0 : i32
      %dma_wait3A_212 = tpu.memref_slice %arg7[%rem3A_209, %dma_wait3A_210, %dma_wait3A_211] : memref<4x2x48xi32, #tpu.memory_space<vmem>> -> memref<1x1x48xi32, #tpu.memory_space<vmem>>
      %dma_wait3A_213 = tpu.memref_squeeze %dma_wait3A_212 : memref<1x1x48xi32, #tpu.memory_space<vmem>> -> memref<48xi32, #tpu.memory_space<vmem>>
      %dma_wait3A_214 = arith.constant 0 : i32
      %dma_wait3A_215 = arith.constant 0 : i32
      %dma_wait3A_216 = tpu.memref_slice %arg19[%dma_wait3A_214, %dma_wait3A_215] : memref<10112x16xf32, #tpu.memory_space<vmem_shared>> -> memref<10112x16xf32, #tpu.memory_space<vmem_shared>>
      tpu.wait_indirect_dma semaphore(%arg22 : memref<!tpu.dma_semaphore, #tpu.memory_space<semaphore_mem>>) src(%dma_wait3A_216 : memref<10112x16xf32, #tpu.memory_space<vmem_shared>>) dst(%arg10 : memref<48x16xf32, #tpu.memory_space<vmem>>)
      %dma_wait3A_217 = arith.constant 1 : i32
      %dma_wait3A_218 = arith.constant 0 : i32
      %dma_wait3A_219 = tpu.memref_slice %arg7[%rem3A_209, %dma_wait3A_217, %dma_wait3A_218] : memref<4x2x48xi32, #tpu.memory_space<vmem>> -> memref<1x1x48xi32, #tpu.memory_space<vmem>>
      %dma_wait3A_220 = tpu.memref_squeeze %dma_wait3A_219 : memref<1x1x48xi32, #tpu.memory_space<vmem>> -> memref<48xi32, #tpu.memory_space<vmem>>
      %dma_wait3A_221 = arith.constant 0 : i32
      %dma_wait3A_222 = arith.constant 0 : i32
      %dma_wait3A_223 = tpu.memref_slice %arg19[%dma_wait3A_221, %dma_wait3A_222] : memref<10112x16xf32, #tpu.memory_space<vmem_shared>> -> memref<10112x16xf32, #tpu.memory_space<vmem_shared>>
      tpu.wait_indirect_dma semaphore(%arg24 : memref<!tpu.dma_semaphore, #tpu.memory_space<semaphore_mem>>) src(%dma_wait3A_223 : memref<10112x16xf32, #tpu.memory_space<vmem_shared>>) dst(%arg12 : memref<48x16xf32, #tpu.memory_space<vmem>>)
      %dma_wait3A_224 = arith.constant 0 : i32
      %dma_wait3A_225 = arith.constant 0 : i32
      %dma_wait3A_226 = tpu.memref_slice %arg7[%rem3A_209, %dma_wait3A_224, %dma_wait3A_225] : memref<4x2x48xi32, #tpu.memory_space<vmem>> -> memref<1x1x48xi32, #tpu.memory_space<vmem>>
      %dma_wait3A_227 = tpu.memref_squeeze %dma_wait3A_226 : memref<1x1x48xi32, #tpu.memory_space<vmem>> -> memref<48xi32, #tpu.memory_space<vmem>>
      %dma_wait3A_228 = arith.constant 0 : i32
      %dma_wait3A_229 = arith.constant 0 : i32
      %dma_wait3A_230 = tpu.memref_slice %arg3[%dma_wait3A_228, %dma_wait3A_229] : memref<10000x64xi32, #tpu.memory_space<hbm>> -> memref<10000x64xi32, #tpu.memory_space<hbm>>
      tpu.wait_indirect_dma semaphore(%arg26 : memref<!tpu.dma_semaphore, #tpu.memory_space<semaphore_mem>>) src(%dma_wait3A_230 : memref<10000x64xi32, #tpu.memory_space<hbm>>) dst(%arg14 : memref<48x64xi32, #tpu.memory_space<vmem>>)
      %dma_wait3A_231 = arith.constant 0 : i32
      %dma_wait3A_232 = arith.constant 0 : i32
      %dma_wait3A_233 = tpu.memref_slice %arg18[%dma_wait3A_231, %dma_wait3A_232] : memref<10112x144xf32, #tpu.memory_space<vmem_shared>> -> memref<10112x144xf32, #tpu.memory_space<vmem_shared>>
      tpu.wait_indirect_dma semaphore(%arg28 : memref<!tpu.dma_semaphore, #tpu.memory_space<semaphore_mem>>) src(%arg16 : memref<48x144xf32, #tpu.memory_space<vmem>>) dst(%dma_wait3A_233 : memref<10112x144xf32, #tpu.memory_space<vmem_shared>>)
      %add3A_234 = arith.constant 2 : i32
      %add3A_235 = arith.addi %add3A_193, %add3A_234 : i32
      %rem3A_236 = arith.constant 4 : i32
      %rem3A_237 = arith.remsi %add3A_235, %rem3A_236 : i32
      %add3A_238 = arith.addi %mul3A_2, %add3A_193 : i32
      %add3A_239 = arith.constant 2 : i32
      %add3A_240 = arith.addi %add3A_238, %add3A_239 : i32
      %dma_start3A_241 = arith.constant 0 : i32
      %dma_start3A_242 = arith.constant 0 : i32
      %dma_start3A_243 = tpu.memref_slice %arg7[%rem3A_237, %dma_start3A_241, %dma_start3A_242] : memref<4x2x48xi32, #tpu.memory_space<vmem>> -> memref<1x2x48xi32, #tpu.memory_space<vmem>>
      %dma_start3A_244 = tpu.memref_squeeze %dma_start3A_243 : memref<1x2x48xi32, #tpu.memory_space<vmem>> -> memref<2x48xi32, #tpu.memory_space<vmem>>
      %dma_start3A_245 = arith.constant 0 : i32
      %dma_start3A_246 = arith.constant 0 : i32
      %dma_start3A_247 = tpu.memref_slice %arg4[%add3A_240, %dma_start3A_245, %dma_start3A_246] : memref<6784x2x48xi32, #tpu.memory_space<hbm>> -> memref<1x2x48xi32, #tpu.memory_space<hbm>>
      %dma_start3A_248 = tpu.memref_squeeze %dma_start3A_247 : memref<1x2x48xi32, #tpu.memory_space<hbm>> -> memref<2x48xi32, #tpu.memory_space<hbm>>
      %dma_start3A_249 = arith.constant 0 : i32
      %dma_start3A_250 = arith.constant 0 : i32
      %dma_start3A_251 = tpu.memref_slice %arg7[%rem3A_237, %dma_start3A_249, %dma_start3A_250] : memref<4x2x48xi32, #tpu.memory_space<vmem>> -> memref<1x2x48xi32, #tpu.memory_space<vmem>>
      %dma_start3A_252 = tpu.memref_squeeze %dma_start3A_251 : memref<1x2x48xi32, #tpu.memory_space<vmem>> -> memref<2x48xi32, #tpu.memory_space<vmem>>
      %dma_start3A_253 = arith.constant 0 : i32
      %dma_start3A_254 = arith.constant 0 : i32
      %dma_start3A_255 = tpu.memref_slice %arg4[%add3A_240, %dma_start3A_253, %dma_start3A_254] : memref<6784x2x48xi32, #tpu.memory_space<hbm>> -> memref<1x2x48xi32, #tpu.memory_space<hbm>>
      %dma_start3A_256 = tpu.memref_squeeze %dma_start3A_255 : memref<1x2x48xi32, #tpu.memory_space<hbm>> -> memref<2x48xi32, #tpu.memory_space<hbm>>
      tpu.enqueue_dma source(%dma_start3A_256 : memref<2x48xi32, #tpu.memory_space<hbm>>) target(%dma_start3A_252 : memref<2x48xi32, #tpu.memory_space<vmem>>) target_semaphore(%arg20 : memref<!tpu.dma_semaphore, #tpu.memory_space<semaphore_mem>>)
      %parallel_loop3A = arith.constant 0 : i32
      %parallel_loop3A_257 = arith.constant 48 : i32
      %parallel_loop3A_258 = arith.constant 1 : i32
      scf.for %parallel_loop3A_429 = %parallel_loop3A to %parallel_loop3A_257 step %parallel_loop3A_258  : i32 {
        %parallel_loop3A_430 = arith.index_cast %parallel_loop3A_429 : i32 to index
        %parallel_loop3A_431 = arith.constant 0 : index
        %parallel_loop3A_432 = tpu.vector_load %arg10[%parallel_loop3A_430, %parallel_loop3A_431] {strides = array<i32>} : memref<48x16xf32, #tpu.memory_space<vmem>>, vector<16xf32>,
        %parallel_loop3A_433 = arith.index_cast %parallel_loop3A_429 : i32 to index
        %parallel_loop3A_434 = arith.constant 0 : index
        %parallel_loop3A_435 = tpu.vector_load %arg12[%parallel_loop3A_433, %parallel_loop3A_434] {strides = array<i32>} : memref<48x16xf32, #tpu.memory_space<vmem>>, vector<16xf32>,
        %parallel_loop3A_436 = vector.shape_cast %add3A_55 : vector<16xi32> to vector<16x1xi32>
        %parallel_loop3A_437 = vector.shape_cast %parallel_loop3A_436 : vector<16x1xi32> to vector<16xi32>
        %parallel_loop3A_438 = tpu.dynamic_gather %parallel_loop3A_435[%parallel_loop3A_437] in [0] : vector<16xf32>, vector<16xi32> -> vector<16xf32>
        %parallel_loop3A_439 = arith.addf %parallel_loop3A_432, %parallel_loop3A_438 : vector<16xf32>
        %parallel_loop3A_440 = arith.constant 0.000000e+00 : f32
        %parallel_loop3A_441 = vector.broadcast %parallel_loop3A_440 : f32 to vector<16xf32>
        %parallel_loop3A_442 = arith.cmpf ogt, %parallel_loop3A_439, %parallel_loop3A_441 : vector<16xf32>
        %parallel_loop3A_443 = arith.constant 2.000000e-01 : f32
        %parallel_loop3A_444 = vector.broadcast %parallel_loop3A_443 : f32 to vector<16xf32>
        %parallel_loop3A_445 = arith.mulf %parallel_loop3A_444, %parallel_loop3A_439 : vector<16xf32>
        %parallel_loop3A_446 = arith.select %parallel_loop3A_442, %parallel_loop3A_439, %parallel_loop3A_445 : vector<16xi1>, vector<16xf32>
        %parallel_loop3A_447 = arith.subf %parallel_loop3A_446, %select_n3A_67 : vector<16xf32>
        %parallel_loop3A_448 = math.exp %parallel_loop3A_447 : vector<16xf32>
        %parallel_loop3A_449 = arith.index_cast %parallel_loop3A_429 : i32 to index
        %parallel_loop3A_450 = arith.constant 128 : index
        %parallel_loop3A_451 = tpu.vector_load %arg16[%parallel_loop3A_449, %parallel_loop3A_450] {strides = array<i32>} : memref<48x144xf32, #tpu.memory_space<vmem>>, vector<16xf32>,
        tpu.vector_store %arg16[%parallel_loop3A_449, %parallel_loop3A_450], %parallel_loop3A_448 {strides = array<i32>} : memref<48x144xf32, #tpu.memory_space<vmem>>, vector<16xf32>,
        %parallel_loop3A_452 = arith.index_cast %parallel_loop3A_429 : i32 to index
        %parallel_loop3A_453 = arith.constant 0 : index
        %parallel_loop3A_454 = tpu.vector_load %arg14[%parallel_loop3A_452, %parallel_loop3A_453] {strides = array<i32>} : memref<48x64xi32, #tpu.memory_space<vmem>>, vector<16xi32>,
        %parallel_loop3A_455 = vector.bitcast %parallel_loop3A_454 : vector<16xi32> to vector<32xbf16>
        %parallel_loop3A_456 = tpu.unpack_subelements %parallel_loop3A_455, 0 {pack_format = #tpu.pack_format<interleaved>} : vector<32xbf16> -> vector<16xf32>
        %parallel_loop3A_457 = tpu.unpack_subelements %parallel_loop3A_455, 1 {pack_format = #tpu.pack_format<interleaved>} : vector<32xbf16> -> vector<16xf32>
        %parallel_loop3A_458 = arith.constant 0 : i32
        %parallel_loop3A_459 = vector.broadcast %parallel_loop3A_458 : i32 to vector<16xi32>
        %parallel_loop3A_460 = vector.shape_cast %parallel_loop3A_459 : vector<16xi32> to vector<16x1xi32>
        %parallel_loop3A_461 = vector.shape_cast %parallel_loop3A_460 : vector<16x1xi32> to vector<16xi32>
        %parallel_loop3A_462 = tpu.dynamic_gather %parallel_loop3A_448[%parallel_loop3A_461] in [0] : vector<16xf32>, vector<16xi32> -> vector<16xf32>
        %parallel_loop3A_463 = arith.constant 1 : i32
        %parallel_loop3A_464 = vector.broadcast %parallel_loop3A_463 : i32 to vector<16xi32>
        %parallel_loop3A_465 = vector.shape_cast %parallel_loop3A_464 : vector<16xi32> to vector<16x1xi32>
        %parallel_loop3A_466 = vector.shape_cast %parallel_loop3A_465 : vector<16x1xi32> to vector<16xi32>
        %parallel_loop3A_467 = tpu.dynamic_gather %parallel_loop3A_448[%parallel_loop3A_466] in [0] : vector<16xf32>, vector<16xi32> -> vector<16xf32>
        %parallel_loop3A_468 = arith.mulf %parallel_loop3A_456, %parallel_loop3A_462 : vector<16xf32>
        %parallel_loop3A_469 = arith.index_cast %parallel_loop3A_429 : i32 to index
        %parallel_loop3A_470 = arith.constant 0 : index
        %parallel_loop3A_471 = tpu.vector_load %arg16[%parallel_loop3A_469, %parallel_loop3A_470] {strides = array<i32>} : memref<48x144xf32, #tpu.memory_space<vmem>>, vector<16xf32>,
        tpu.vector_store %arg16[%parallel_loop3A_469, %parallel_loop3A_470], %parallel_loop3A_468 {strides = array<i32>} : memref<48x144xf32, #tpu.memory_space<vmem>>, vector<16xf32>,
        %parallel_loop3A_472 = arith.mulf %parallel_loop3A_457, %parallel_loop3A_467 : vector<16xf32>
        %parallel_loop3A_473 = arith.index_cast %parallel_loop3A_429 : i32 to index
        %parallel_loop3A_474 = arith.constant 16 : index
        %parallel_loop3A_475 = tpu.vector_load %arg16[%parallel_loop3A_473, %parallel_loop3A_474] {strides = array<i32>} : memref<48x144xf32, #tpu.memory_space<vmem>>, vector<16xf32>,
        tpu.vector_store %arg16[%parallel_loop3A_473, %parallel_loop3A_474], %parallel_loop3A_472 {strides = array<i32>} : memref<48x144xf32, #tpu.memory_space<vmem>>, vector<16xf32>,
        %parallel_loop3A_476 = arith.index_cast %parallel_loop3A_429 : i32 to index
        %parallel_loop3A_477 = arith.constant 16 : index
        %parallel_loop3A_478 = tpu.vector_load %arg14[%parallel_loop3A_476, %parallel_loop3A_477] {strides = array<i32>} : memref<48x64xi32, #tpu.memory_space<vmem>>, vector<16xi32>,
        %parallel_loop3A_479 = vector.bitcast %parallel_loop3A_478 : vector<16xi32> to vector<32xbf16>
        %parallel_loop3A_480 = tpu.unpack_subelements %parallel_loop3A_479, 0 {pack_format = #tpu.pack_format<interleaved>} : vector<32xbf16> -> vector<16xf32>
        %parallel_loop3A_481 = tpu.unpack_subelements %parallel_loop3A_479, 1 {pack_format = #tpu.pack_format<interleaved>} : vector<32xbf16> -> vector<16xf32>
        %parallel_loop3A_482 = arith.constant 2 : i32
        %parallel_loop3A_483 = vector.broadcast %parallel_loop3A_482 : i32 to vector<16xi32>
        %parallel_loop3A_484 = vector.shape_cast %parallel_loop3A_483 : vector<16xi32> to vector<16x1xi32>
        %parallel_loop3A_485 = vector.shape_cast %parallel_loop3A_484 : vector<16x1xi32> to vector<16xi32>
        %parallel_loop3A_486 = tpu.dynamic_gather %parallel_loop3A_448[%parallel_loop3A_485] in [0] : vector<16xf32>, vector<16xi32> -> vector<16xf32>
        %parallel_loop3A_487 = arith.constant 3 : i32
        %parallel_loop3A_488 = vector.broadcast %parallel_loop3A_487 : i32 to vector<16xi32>
        %parallel_loop3A_489 = vector.shape_cast %parallel_loop3A_488 : vector<16xi32> to vector<16x1xi32>
        %parallel_loop3A_490 = vector.shape_cast %parallel_loop3A_489 : vector<16x1xi32> to vector<16xi32>
        %parallel_loop3A_491 = tpu.dynamic_gather %parallel_loop3A_448[%parallel_loop3A_490] in [0] : vector<16xf32>, vector<16xi32> -> vector<16xf32>
        %parallel_loop3A_492 = arith.mulf %parallel_loop3A_480, %parallel_loop3A_486 : vector<16xf32>
        %parallel_loop3A_493 = arith.index_cast %parallel_loop3A_429 : i32 to index
        %parallel_loop3A_494 = arith.constant 32 : index
        %parallel_loop3A_495 = tpu.vector_load %arg16[%parallel_loop3A_493, %parallel_loop3A_494] {strides = array<i32>} : memref<48x144xf32, #tpu.memory_space<vmem>>, vector<16xf32>,
        tpu.vector_store %arg16[%parallel_loop3A_493, %parallel_loop3A_494], %parallel_loop3A_492 {strides = array<i32>} : memref<48x144xf32, #tpu.memory_space<vmem>>, vector<16xf32>,
        %parallel_loop3A_496 = arith.mulf %parallel_loop3A_481, %parallel_loop3A_491 : vector<16xf32>
        %parallel_loop3A_497 = arith.index_cast %parallel_loop3A_429 : i32 to index
        %parallel_loop3A_498 = arith.constant 48 : index
        %parallel_loop3A_499 = tpu.vector_load %arg16[%parallel_loop3A_497, %parallel_loop3A_498] {strides = array<i32>} : memref<48x144xf32, #tpu.memory_space<vmem>>, vector<16xf32>,
        tpu.vector_store %arg16[%parallel_loop3A_497, %parallel_loop3A_498], %parallel_loop3A_496 {strides = array<i32>} : memref<48x144xf32, #tpu.memory_space<vmem>>, vector<16xf32>,
        %parallel_loop3A_500 = arith.index_cast %parallel_loop3A_429 : i32 to index
        %parallel_loop3A_501 = arith.constant 32 : index
        %parallel_loop3A_502 = tpu.vector_load %arg14[%parallel_loop3A_500, %parallel_loop3A_501] {strides = array<i32>} : memref<48x64xi32, #tpu.memory_space<vmem>>, vector<16xi32>,
        %parallel_loop3A_503 = vector.bitcast %parallel_loop3A_502 : vector<16xi32> to vector<32xbf16>
        %parallel_loop3A_504 = tpu.unpack_subelements %parallel_loop3A_503, 0 {pack_format = #tpu.pack_format<interleaved>} : vector<32xbf16> -> vector<16xf32>
        %parallel_loop3A_505 = tpu.unpack_subelements %parallel_loop3A_503, 1 {pack_format = #tpu.pack_format<interleaved>} : vector<32xbf16> -> vector<16xf32>
        %parallel_loop3A_506 = arith.constant 4 : i32
        %parallel_loop3A_507 = vector.broadcast %parallel_loop3A_506 : i32 to vector<16xi32>
        %parallel_loop3A_508 = vector.shape_cast %parallel_loop3A_507 : vector<16xi32> to vector<16x1xi32>
        %parallel_loop3A_509 = vector.shape_cast %parallel_loop3A_508 : vector<16x1xi32> to vector<16xi32>
        %parallel_loop3A_510 = tpu.dynamic_gather %parallel_loop3A_448[%parallel_loop3A_509] in [0] : vector<16xf32>, vector<16xi32> -> vector<16xf32>
        %parallel_loop3A_511 = arith.constant 5 : i32
        %parallel_loop3A_512 = vector.broadcast %parallel_loop3A_511 : i32 to vector<16xi32>
        %parallel_loop3A_513 = vector.shape_cast %parallel_loop3A_512 : vector<16xi32> to vector<16x1xi32>
        %parallel_loop3A_514 = vector.shape_cast %parallel_loop3A_513 : vector<16x1xi32> to vector<16xi32>
        %parallel_loop3A_515 = tpu.dynamic_gather %parallel_loop3A_448[%parallel_loop3A_514] in [0] : vector<16xf32>, vector<16xi32> -> vector<16xf32>
        %parallel_loop3A_516 = arith.mulf %parallel_loop3A_504, %parallel_loop3A_510 : vector<16xf32>
        %parallel_loop3A_517 = arith.index_cast %parallel_loop3A_429 : i32 to index
        %parallel_loop3A_518 = arith.constant 64 : index
        %parallel_loop3A_519 = tpu.vector_load %arg16[%parallel_loop3A_517, %parallel_loop3A_518] {strides = array<i32>} : memref<48x144xf32, #tpu.memory_space<vmem>>, vector<16xf32>,
        tpu.vector_store %arg16[%parallel_loop3A_517, %parallel_loop3A_518], %parallel_loop3A_516 {strides = array<i32>} : memref<48x144xf32, #tpu.memory_space<vmem>>, vector<16xf32>,
        %parallel_loop3A_520 = arith.mulf %parallel_loop3A_505, %parallel_loop3A_515 : vector<16xf32>
        %parallel_loop3A_521 = arith.index_cast %parallel_loop3A_429 : i32 to index
        %parallel_loop3A_522 = arith.constant 80 : index
        %parallel_loop3A_523 = tpu.vector_load %arg16[%parallel_loop3A_521, %parallel_loop3A_522] {strides = array<i32>} : memref<48x144xf32, #tpu.memory_space<vmem>>, vector<16xf32>,
        tpu.vector_store %arg16[%parallel_loop3A_521, %parallel_loop3A_522], %parallel_loop3A_520 {strides = array<i32>} : memref<48x144xf32, #tpu.memory_space<vmem>>, vector<16xf32>,
        %parallel_loop3A_524 = arith.index_cast %parallel_loop3A_429 : i32 to index
        %parallel_loop3A_525 = arith.constant 48 : index
        %parallel_loop3A_526 = tpu.vector_load %arg14[%parallel_loop3A_524, %parallel_loop3A_525] {strides = array<i32>} : memref<48x64xi32, #tpu.memory_space<vmem>>, vector<16xi32>,
        %parallel_loop3A_527 = vector.bitcast %parallel_loop3A_526 : vector<16xi32> to vector<32xbf16>
        %parallel_loop3A_528 = tpu.unpack_subelements %parallel_loop3A_527, 0 {pack_format = #tpu.pack_format<interleaved>} : vector<32xbf16> -> vector<16xf32>
        %parallel_loop3A_529 = tpu.unpack_subelements %parallel_loop3A_527, 1 {pack_format = #tpu.pack_format<interleaved>} : vector<32xbf16> -> vector<16xf32>
        %parallel_loop3A_530 = arith.constant 6 : i32
        %parallel_loop3A_531 = vector.broadcast %parallel_loop3A_530 : i32 to vector<16xi32>
        %parallel_loop3A_532 = vector.shape_cast %parallel_loop3A_531 : vector<16xi32> to vector<16x1xi32>
        %parallel_loop3A_533 = vector.shape_cast %parallel_loop3A_532 : vector<16x1xi32> to vector<16xi32>
        %parallel_loop3A_534 = tpu.dynamic_gather %parallel_loop3A_448[%parallel_loop3A_533] in [0] : vector<16xf32>, vector<16xi32> -> vector<16xf32>
        %parallel_loop3A_535 = arith.constant 7 : i32
        %parallel_loop3A_536 = vector.broadcast %parallel_loop3A_535 : i32 to vector<16xi32>
        %parallel_loop3A_537 = vector.shape_cast %parallel_loop3A_536 : vector<16xi32> to vector<16x1xi32>
        %parallel_loop3A_538 = vector.shape_cast %parallel_loop3A_537 : vector<16x1xi32> to vector<16xi32>
        %parallel_loop3A_539 = tpu.dynamic_gather %parallel_loop3A_448[%parallel_loop3A_538] in [0] : vector<16xf32>, vector<16xi32> -> vector<16xf32>
        %parallel_loop3A_540 = arith.mulf %parallel_loop3A_528, %parallel_loop3A_534 : vector<16xf32>
        %parallel_loop3A_541 = arith.index_cast %parallel_loop3A_429 : i32 to index
        %parallel_loop3A_542 = arith.constant 96 : index
        %parallel_loop3A_543 = tpu.vector_load %arg16[%parallel_loop3A_541, %parallel_loop3A_542] {strides = array<i32>} : memref<48x144xf32, #tpu.memory_space<vmem>>, vector<16xf32>,
        tpu.vector_store %arg16[%parallel_loop3A_541, %parallel_loop3A_542], %parallel_loop3A_540 {strides = array<i32>} : memref<48x144xf32, #tpu.memory_space<vmem>>, vector<16xf32>,
        %parallel_loop3A_544 = arith.mulf %parallel_loop3A_529, %parallel_loop3A_539 : vector<16xf32>
        %parallel_loop3A_545 = arith.index_cast %parallel_loop3A_429 : i32 to index
        %parallel_loop3A_546 = arith.constant 112 : index
        %parallel_loop3A_547 = tpu.vector_load %arg16[%parallel_loop3A_545, %parallel_loop3A_546] {strides = array<i32>} : memref<48x144xf32, #tpu.memory_space<vmem>>, vector<16xf32>,
        tpu.vector_store %arg16[%parallel_loop3A_545, %parallel_loop3A_546], %parallel_loop3A_544 {strides = array<i32>} : memref<48x144xf32, #tpu.memory_space<vmem>>, vector<16xf32>,
      } {sc.loop_unroll_factor = 4 : i64, sc.parallel_access}
      %dma_start3A_259 = arith.constant 1 : i32
      %dma_start3A_260 = arith.constant 0 : i32
      %dma_start3A_261 = tpu.memref_slice %arg7[%rem3A_209, %dma_start3A_259, %dma_start3A_260] : memref<4x2x48xi32, #tpu.memory_space<vmem>> -> memref<1x1x48xi32, #tpu.memory_space<vmem>>
      %dma_start3A_262 = tpu.memref_squeeze %dma_start3A_261 : memref<1x1x48xi32, #tpu.memory_space<vmem>> -> memref<48xi32, #tpu.memory_space<vmem>>
      %dma_start3A_263 = arith.constant 0 : i32
      %dma_start3A_264 = arith.constant 0 : i32
      %dma_start3A_265 = tpu.memref_slice %arg18[%dma_start3A_263, %dma_start3A_264] : memref<10112x144xf32, #tpu.memory_space<vmem_shared>> -> memref<10112x144xf32, #tpu.memory_space<vmem_shared>>
      tpu.enqueue_indirect_dma source(%arg16 : memref<48x144xf32, #tpu.memory_space<vmem>>) target(%dma_start3A_265 : memref<10112x144xf32, #tpu.memory_space<vmem_shared>>) offsets(%dma_start3A_262 : memref<48xi32, #tpu.memory_space<vmem>>) semaphore(%arg28 : memref<!tpu.dma_semaphore, #tpu.memory_space<semaphore_mem>>) {add = true}
      %add3A_266 = arith.addi %mul3A_2, %add3A_193 : i32
      %add3A_267 = arith.constant 2 : i32
      %add3A_268 = arith.addi %add3A_266, %add3A_267 : i32
      %dma_wait3A_269 = arith.constant 0 : i32
      %dma_wait3A_270 = arith.constant 0 : i32
      %dma_wait3A_271 = tpu.memref_slice %arg7[%rem3A_237, %dma_wait3A_269, %dma_wait3A_270] : memref<4x2x48xi32, #tpu.memory_space<vmem>> -> memref<1x2x48xi32, #tpu.memory_space<vmem>>
      %dma_wait3A_272 = tpu.memref_squeeze %dma_wait3A_271 : memref<1x2x48xi32, #tpu.memory_space<vmem>> -> memref<2x48xi32, #tpu.memory_space<vmem>>
      %dma_wait3A_273 = arith.constant 0 : i32
      %dma_wait3A_274 = arith.constant 0 : i32
      %dma_wait3A_275 = tpu.memref_slice %arg4[%add3A_268, %dma_wait3A_273, %dma_wait3A_274] : memref<6784x2x48xi32, #tpu.memory_space<hbm>> -> memref<1x2x48xi32, #tpu.memory_space<hbm>>
      %dma_wait3A_276 = tpu.memref_squeeze %dma_wait3A_275 : memref<1x2x48xi32, #tpu.memory_space<hbm>> -> memref<2x48xi32, #tpu.memory_space<hbm>>
      %dma_wait3A_277 = arith.constant 0 : i32
      %dma_wait3A_278 = arith.constant 0 : i32
      %dma_wait3A_279 = tpu.memref_slice %arg7[%rem3A_237, %dma_wait3A_277, %dma_wait3A_278] : memref<4x2x48xi32, #tpu.memory_space<vmem>> -> memref<1x2x48xi32, #tpu.memory_space<vmem>>
      %dma_wait3A_280 = tpu.memref_squeeze %dma_wait3A_279 : memref<1x2x48xi32, #tpu.memory_space<vmem>> -> memref<2x48xi32, #tpu.memory_space<vmem>>
      %dma_wait3A_281 = arith.constant 0 : i32
      %dma_wait3A_282 = arith.constant 0 : i32
      %dma_wait3A_283 = tpu.memref_slice %arg4[%add3A_268, %dma_wait3A_281, %dma_wait3A_282] : memref<6784x2x48xi32, #tpu.memory_space<hbm>> -> memref<1x2x48xi32, #tpu.memory_space<hbm>>
      %dma_wait3A_284 = tpu.memref_squeeze %dma_wait3A_283 : memref<1x2x48xi32, #tpu.memory_space<hbm>> -> memref<2x48xi32, #tpu.memory_space<hbm>>
      tpu.wait_dma2 semaphore(%arg20 : memref<!tpu.dma_semaphore, #tpu.memory_space<semaphore_mem>>) src(%dma_wait3A_284 : memref<2x48xi32, #tpu.memory_space<hbm>>) dst(%dma_wait3A_280 : memref<2x48xi32, #tpu.memory_space<vmem>>)
      %add3A_285 = arith.constant 2 : i32
      %add3A_286 = arith.addi %add3A_193, %add3A_285 : i32
      %dma_start3A_287 = arith.constant 0 : i32
      %dma_start3A_288 = arith.constant 0 : i32
      %dma_start3A_289 = tpu.memref_slice %arg7[%rem3A_237, %dma_start3A_287, %dma_start3A_288] : memref<4x2x48xi32, #tpu.memory_space<vmem>> -> memref<1x1x48xi32, #tpu.memory_space<vmem>>
      %dma_start3A_290 = tpu.memref_squeeze %dma_start3A_289 : memref<1x1x48xi32, #tpu.memory_space<vmem>> -> memref<48xi32, #tpu.memory_space<vmem>>
      %dma_start3A_291 = arith.constant 0 : i32
      %dma_start3A_292 = arith.constant 0 : i32
      %dma_start3A_293 = tpu.memref_slice %arg19[%dma_start3A_291, %dma_start3A_292] : memref<10112x16xf32, #tpu.memory_space<vmem_shared>> -> memref<10112x16xf32, #tpu.memory_space<vmem_shared>>
      tpu.enqueue_indirect_dma source(%dma_start3A_293 : memref<10112x16xf32, #tpu.memory_space<vmem_shared>>) target(%arg10 : memref<48x16xf32, #tpu.memory_space<vmem>>) offsets(%dma_start3A_290 : memref<48xi32, #tpu.memory_space<vmem>>) semaphore(%arg22 : memref<!tpu.dma_semaphore, #tpu.memory_space<semaphore_mem>>)
      %dma_start3A_294 = arith.constant 1 : i32
      %dma_start3A_295 = arith.constant 0 : i32
      %dma_start3A_296 = tpu.memref_slice %arg7[%rem3A_237, %dma_start3A_294, %dma_start3A_295] : memref<4x2x48xi32, #tpu.memory_space<vmem>> -> memref<1x1x48xi32, #tpu.memory_space<vmem>>
      %dma_start3A_297 = tpu.memref_squeeze %dma_start3A_296 : memref<1x1x48xi32, #tpu.memory_space<vmem>> -> memref<48xi32, #tpu.memory_space<vmem>>
      %dma_start3A_298 = arith.constant 0 : i32
      %dma_start3A_299 = arith.constant 0 : i32
      %dma_start3A_300 = tpu.memref_slice %arg19[%dma_start3A_298, %dma_start3A_299] : memref<10112x16xf32, #tpu.memory_space<vmem_shared>> -> memref<10112x16xf32, #tpu.memory_space<vmem_shared>>
      tpu.enqueue_indirect_dma source(%dma_start3A_300 : memref<10112x16xf32, #tpu.memory_space<vmem_shared>>) target(%arg12 : memref<48x16xf32, #tpu.memory_space<vmem>>) offsets(%dma_start3A_297 : memref<48xi32, #tpu.memory_space<vmem>>) semaphore(%arg24 : memref<!tpu.dma_semaphore, #tpu.memory_space<semaphore_mem>>)
      %dma_start3A_301 = arith.constant 0 : i32
      %dma_start3A_302 = arith.constant 0 : i32
      %dma_start3A_303 = tpu.memref_slice %arg7[%rem3A_237, %dma_start3A_301, %dma_start3A_302] : memref<4x2x48xi32, #tpu.memory_space<vmem>> -> memref<1x1x48xi32, #tpu.memory_space<vmem>>
      %dma_start3A_304 = tpu.memref_squeeze %dma_start3A_303 : memref<1x1x48xi32, #tpu.memory_space<vmem>> -> memref<48xi32, #tpu.memory_space<vmem>>
      %dma_start3A_305 = arith.constant 0 : i32
      %dma_start3A_306 = arith.constant 0 : i32
      %dma_start3A_307 = tpu.memref_slice %arg3[%dma_start3A_305, %dma_start3A_306] : memref<10000x64xi32, #tpu.memory_space<hbm>> -> memref<10000x64xi32, #tpu.memory_space<hbm>>
      tpu.enqueue_indirect_dma source(%dma_start3A_307 : memref<10000x64xi32, #tpu.memory_space<hbm>>) target(%arg14 : memref<48x64xi32, #tpu.memory_space<vmem>>) offsets(%dma_start3A_304 : memref<48xi32, #tpu.memory_space<vmem>>) semaphore(%arg26 : memref<!tpu.dma_semaphore, #tpu.memory_space<semaphore_mem>>)
      %mul3A_308 = arith.constant 2 : i32
      %mul3A_309 = arith.muli %mul3A_308, %scan3A_189 : i32
      %add3A_310 = arith.constant 1 : i32
      %add3A_311 = arith.addi %mul3A_309, %add3A_310 : i32
      %jit3A_312 = arith.constant 4 : i32
      %eq3A_313 = arith.constant 0 : i32
      %eq3A_314 = arith.cmpi eq, %jit3A_312, %eq3A_313 : i32
      %jit3A_315 = arith.constant 1 : i32
      %select_n3A_316 = arith.select %eq3A_314, %jit3A_315, %jit3A_312 : i32
      %rem3A_317 = arith.remsi %add3A_311, %select_n3A_316 : i32
      %ne3A_318 = arith.constant 0 : i32
      %ne3A_319 = arith.cmpi ne, %rem3A_317, %ne3A_318 : i32
      %lt3A_320 = arith.constant 0 : i32
      %lt3A_321 = arith.cmpi slt, %rem3A_317, %lt3A_320 : i32
      %lt3A_322 = arith.constant 0 : i32
      %lt3A_323 = arith.cmpi slt, %select_n3A_316, %lt3A_322 : i32
      %ne3A_324 = arith.xori %lt3A_321, %lt3A_323 : i1
      %and3A_325 = arith.andi %ne3A_324, %ne3A_319 : i1
      %add3A_326 = arith.addi %rem3A_317, %select_n3A_316 : i32
      %select_n3A_327 = arith.select %and3A_325, %add3A_326, %rem3A_317 : i32
      %rem3A_328 = arith.constant 4 : i32
      %rem3A_329 = arith.remsi %add3A_311, %rem3A_328 : i32
      %dma_wait3A_330 = arith.constant 0 : i32
      %dma_wait3A_331 = arith.constant 0 : i32
      %dma_wait3A_332 = tpu.memref_slice %arg7[%rem3A_329, %dma_wait3A_330, %dma_wait3A_331] : memref<4x2x48xi32, #tpu.memory_space<vmem>> -> memref<1x1x48xi32, #tpu.memory_space<vmem>>
      %dma_wait3A_333 = tpu.memref_squeeze %dma_wait3A_332 : memref<1x1x48xi32, #tpu.memory_space<vmem>> -> memref<48xi32, #tpu.memory_space<vmem>>
      %dma_wait3A_334 = arith.constant 0 : i32
      %dma_wait3A_335 = arith.constant 0 : i32
      %dma_wait3A_336 = tpu.memref_slice %arg19[%dma_wait3A_334, %dma_wait3A_335] : memref<10112x16xf32, #tpu.memory_space<vmem_shared>> -> memref<10112x16xf32, #tpu.memory_space<vmem_shared>>
      tpu.wait_indirect_dma semaphore(%arg23 : memref<!tpu.dma_semaphore, #tpu.memory_space<semaphore_mem>>) src(%dma_wait3A_336 : memref<10112x16xf32, #tpu.memory_space<vmem_shared>>) dst(%arg11 : memref<48x16xf32, #tpu.memory_space<vmem>>)
      %dma_wait3A_337 = arith.constant 1 : i32
      %dma_wait3A_338 = arith.constant 0 : i32
      %dma_wait3A_339 = tpu.memref_slice %arg7[%rem3A_329, %dma_wait3A_337, %dma_wait3A_338] : memref<4x2x48xi32, #tpu.memory_space<vmem>> -> memref<1x1x48xi32, #tpu.memory_space<vmem>>
      %dma_wait3A_340 = tpu.memref_squeeze %dma_wait3A_339 : memref<1x1x48xi32, #tpu.memory_space<vmem>> -> memref<48xi32, #tpu.memory_space<vmem>>
      %dma_wait3A_341 = arith.constant 0 : i32
      %dma_wait3A_342 = arith.constant 0 : i32
      %dma_wait3A_343 = tpu.memref_slice %arg19[%dma_wait3A_341, %dma_wait3A_342] : memref<10112x16xf32, #tpu.memory_space<vmem_shared>> -> memref<10112x16xf32, #tpu.memory_space<vmem_shared>>
      tpu.wait_indirect_dma semaphore(%arg25 : memref<!tpu.dma_semaphore, #tpu.memory_space<semaphore_mem>>) src(%dma_wait3A_343 : memref<10112x16xf32, #tpu.memory_space<vmem_shared>>) dst(%arg13 : memref<48x16xf32, #tpu.memory_space<vmem>>)
      %dma_wait3A_344 = arith.constant 0 : i32
      %dma_wait3A_345 = arith.constant 0 : i32
      %dma_wait3A_346 = tpu.memref_slice %arg7[%rem3A_329, %dma_wait3A_344, %dma_wait3A_345] : memref<4x2x48xi32, #tpu.memory_space<vmem>> -> memref<1x1x48xi32, #tpu.memory_space<vmem>>
      %dma_wait3A_347 = tpu.memref_squeeze %dma_wait3A_346 : memref<1x1x48xi32, #tpu.memory_space<vmem>> -> memref<48xi32, #tpu.memory_space<vmem>>
      %dma_wait3A_348 = arith.constant 0 : i32
      %dma_wait3A_349 = arith.constant 0 : i32
      %dma_wait3A_350 = tpu.memref_slice %arg3[%dma_wait3A_348, %dma_wait3A_349] : memref<10000x64xi32, #tpu.memory_space<hbm>> -> memref<10000x64xi32, #tpu.memory_space<hbm>>
      tpu.wait_indirect_dma semaphore(%arg27 : memref<!tpu.dma_semaphore, #tpu.memory_space<semaphore_mem>>) src(%dma_wait3A_350 : memref<10000x64xi32, #tpu.memory_space<hbm>>) dst(%arg15 : memref<48x64xi32, #tpu.memory_space<vmem>>)
      %dma_wait3A_351 = arith.constant 0 : i32
      %dma_wait3A_352 = arith.constant 0 : i32
      %dma_wait3A_353 = tpu.memref_slice %arg18[%dma_wait3A_351, %dma_wait3A_352] : memref<10112x144xf32, #tpu.memory_space<vmem_shared>> -> memref<10112x144xf32, #tpu.memory_space<vmem_shared>>
      tpu.wait_indirect_dma semaphore(%arg29 : memref<!tpu.dma_semaphore, #tpu.memory_space<semaphore_mem>>) src(%arg17 : memref<48x144xf32, #tpu.memory_space<vmem>>) dst(%dma_wait3A_353 : memref<10112x144xf32, #tpu.memory_space<vmem_shared>>)
      %add3A_354 = arith.constant 2 : i32
      %add3A_355 = arith.addi %add3A_311, %add3A_354 : i32
      %rem3A_356 = arith.constant 4 : i32
      %rem3A_357 = arith.remsi %add3A_355, %rem3A_356 : i32
      %add3A_358 = arith.addi %mul3A_2, %add3A_311 : i32
      %add3A_359 = arith.constant 2 : i32
      %add3A_360 = arith.addi %add3A_358, %add3A_359 : i32
      %dma_start3A_361 = arith.constant 0 : i32
      %dma_start3A_362 = arith.constant 0 : i32
      %dma_start3A_363 = tpu.memref_slice %arg7[%rem3A_357, %dma_start3A_361, %dma_start3A_362] : memref<4x2x48xi32, #tpu.memory_space<vmem>> -> memref<1x2x48xi32, #tpu.memory_space<vmem>>
      %dma_start3A_364 = tpu.memref_squeeze %dma_start3A_363 : memref<1x2x48xi32, #tpu.memory_space<vmem>> -> memref<2x48xi32, #tpu.memory_space<vmem>>
      %dma_start3A_365 = arith.constant 0 : i32
      %dma_start3A_366 = arith.constant 0 : i32
      %dma_start3A_367 = tpu.memref_slice %arg4[%add3A_360, %dma_start3A_365, %dma_start3A_366] : memref<6784x2x48xi32, #tpu.memory_space<hbm>> -> memref<1x2x48xi32, #tpu.memory_space<hbm>>
      %dma_start3A_368 = tpu.memref_squeeze %dma_start3A_367 : memref<1x2x48xi32, #tpu.memory_space<hbm>> -> memref<2x48xi32, #tpu.memory_space<hbm>>
      %dma_start3A_369 = arith.constant 0 : i32
      %dma_start3A_370 = arith.constant 0 : i32
      %dma_start3A_371 = tpu.memref_slice %arg7[%rem3A_357, %dma_start3A_369, %dma_start3A_370] : memref<4x2x48xi32, #tpu.memory_space<vmem>> -> memref<1x2x48xi32, #tpu.memory_space<vmem>>
      %dma_start3A_372 = tpu.memref_squeeze %dma_start3A_371 : memref<1x2x48xi32, #tpu.memory_space<vmem>> -> memref<2x48xi32, #tpu.memory_space<vmem>>
      %dma_start3A_373 = arith.constant 0 : i32
      %dma_start3A_374 = arith.constant 0 : i32
      %dma_start3A_375 = tpu.memref_slice %arg4[%add3A_360, %dma_start3A_373, %dma_start3A_374] : memref<6784x2x48xi32, #tpu.memory_space<hbm>> -> memref<1x2x48xi32, #tpu.memory_space<hbm>>
      %dma_start3A_376 = tpu.memref_squeeze %dma_start3A_375 : memref<1x2x48xi32, #tpu.memory_space<hbm>> -> memref<2x48xi32, #tpu.memory_space<hbm>>
      tpu.enqueue_dma source(%dma_start3A_376 : memref<2x48xi32, #tpu.memory_space<hbm>>) target(%dma_start3A_372 : memref<2x48xi32, #tpu.memory_space<vmem>>) target_semaphore(%arg21 : memref<!tpu.dma_semaphore, #tpu.memory_space<semaphore_mem>>)
      %parallel_loop3A_377 = arith.constant 0 : i32
      %parallel_loop3A_378 = arith.constant 48 : i32
      %parallel_loop3A_379 = arith.constant 1 : i32
      scf.for %parallel_loop3A_429 = %parallel_loop3A_377 to %parallel_loop3A_378 step %parallel_loop3A_379  : i32 {
        %parallel_loop3A_430 = arith.index_cast %parallel_loop3A_429 : i32 to index
        %parallel_loop3A_431 = arith.constant 0 : index
        %parallel_loop3A_432 = tpu.vector_load %arg11[%parallel_loop3A_430, %parallel_loop3A_431] {strides = array<i32>} : memref<48x16xf32, #tpu.memory_space<vmem>>, vector<16xf32>,
        %parallel_loop3A_433 = arith.index_cast %parallel_loop3A_429 : i32 to index
        %parallel_loop3A_434 = arith.constant 0 : index
        %parallel_loop3A_435 = tpu.vector_load %arg13[%parallel_loop3A_433, %parallel_loop3A_434] {strides = array<i32>} : memref<48x16xf32, #tpu.memory_space<vmem>>, vector<16xf32>,
        %parallel_loop3A_436 = vector.shape_cast %add3A_55 : vector<16xi32> to vector<16x1xi32>
        %parallel_loop3A_437 = vector.shape_cast %parallel_loop3A_436 : vector<16x1xi32> to vector<16xi32>
        %parallel_loop3A_438 = tpu.dynamic_gather %parallel_loop3A_435[%parallel_loop3A_437] in [0] : vector<16xf32>, vector<16xi32> -> vector<16xf32>
        %parallel_loop3A_439 = arith.addf %parallel_loop3A_432, %parallel_loop3A_438 : vector<16xf32>
        %parallel_loop3A_440 = arith.constant 0.000000e+00 : f32
        %parallel_loop3A_441 = vector.broadcast %parallel_loop3A_440 : f32 to vector<16xf32>
        %parallel_loop3A_442 = arith.cmpf ogt, %parallel_loop3A_439, %parallel_loop3A_441 : vector<16xf32>
        %parallel_loop3A_443 = arith.constant 2.000000e-01 : f32
        %parallel_loop3A_444 = vector.broadcast %parallel_loop3A_443 : f32 to vector<16xf32>
        %parallel_loop3A_445 = arith.mulf %parallel_loop3A_444, %parallel_loop3A_439 : vector<16xf32>
        %parallel_loop3A_446 = arith.select %parallel_loop3A_442, %parallel_loop3A_439, %parallel_loop3A_445 : vector<16xi1>, vector<16xf32>
        %parallel_loop3A_447 = arith.subf %parallel_loop3A_446, %select_n3A_67 : vector<16xf32>
        %parallel_loop3A_448 = math.exp %parallel_loop3A_447 : vector<16xf32>
        %parallel_loop3A_449 = arith.index_cast %parallel_loop3A_429 : i32 to index
        %parallel_loop3A_450 = arith.constant 128 : index
        %parallel_loop3A_451 = tpu.vector_load %arg17[%parallel_loop3A_449, %parallel_loop3A_450] {strides = array<i32>} : memref<48x144xf32, #tpu.memory_space<vmem>>, vector<16xf32>,
        tpu.vector_store %arg17[%parallel_loop3A_449, %parallel_loop3A_450], %parallel_loop3A_448 {strides = array<i32>} : memref<48x144xf32, #tpu.memory_space<vmem>>, vector<16xf32>,
        %parallel_loop3A_452 = arith.index_cast %parallel_loop3A_429 : i32 to index
        %parallel_loop3A_453 = arith.constant 0 : index
        %parallel_loop3A_454 = tpu.vector_load %arg15[%parallel_loop3A_452, %parallel_loop3A_453] {strides = array<i32>} : memref<48x64xi32, #tpu.memory_space<vmem>>, vector<16xi32>,
        %parallel_loop3A_455 = vector.bitcast %parallel_loop3A_454 : vector<16xi32> to vector<32xbf16>
        %parallel_loop3A_456 = tpu.unpack_subelements %parallel_loop3A_455, 0 {pack_format = #tpu.pack_format<interleaved>} : vector<32xbf16> -> vector<16xf32>
        %parallel_loop3A_457 = tpu.unpack_subelements %parallel_loop3A_455, 1 {pack_format = #tpu.pack_format<interleaved>} : vector<32xbf16> -> vector<16xf32>
        %parallel_loop3A_458 = arith.constant 0 : i32
        %parallel_loop3A_459 = vector.broadcast %parallel_loop3A_458 : i32 to vector<16xi32>
        %parallel_loop3A_460 = vector.shape_cast %parallel_loop3A_459 : vector<16xi32> to vector<16x1xi32>
        %parallel_loop3A_461 = vector.shape_cast %parallel_loop3A_460 : vector<16x1xi32> to vector<16xi32>
        %parallel_loop3A_462 = tpu.dynamic_gather %parallel_loop3A_448[%parallel_loop3A_461] in [0] : vector<16xf32>, vector<16xi32> -> vector<16xf32>
        %parallel_loop3A_463 = arith.constant 1 : i32
        %parallel_loop3A_464 = vector.broadcast %parallel_loop3A_463 : i32 to vector<16xi32>
        %parallel_loop3A_465 = vector.shape_cast %parallel_loop3A_464 : vector<16xi32> to vector<16x1xi32>
        %parallel_loop3A_466 = vector.shape_cast %parallel_loop3A_465 : vector<16x1xi32> to vector<16xi32>
        %parallel_loop3A_467 = tpu.dynamic_gather %parallel_loop3A_448[%parallel_loop3A_466] in [0] : vector<16xf32>, vector<16xi32> -> vector<16xf32>
        %parallel_loop3A_468 = arith.mulf %parallel_loop3A_456, %parallel_loop3A_462 : vector<16xf32>
        %parallel_loop3A_469 = arith.index_cast %parallel_loop3A_429 : i32 to index
        %parallel_loop3A_470 = arith.constant 0 : index
        %parallel_loop3A_471 = tpu.vector_load %arg17[%parallel_loop3A_469, %parallel_loop3A_470] {strides = array<i32>} : memref<48x144xf32, #tpu.memory_space<vmem>>, vector<16xf32>,
        tpu.vector_store %arg17[%parallel_loop3A_469, %parallel_loop3A_470], %parallel_loop3A_468 {strides = array<i32>} : memref<48x144xf32, #tpu.memory_space<vmem>>, vector<16xf32>,
        %parallel_loop3A_472 = arith.mulf %parallel_loop3A_457, %parallel_loop3A_467 : vector<16xf32>
        %parallel_loop3A_473 = arith.index_cast %parallel_loop3A_429 : i32 to index
        %parallel_loop3A_474 = arith.constant 16 : index
        %parallel_loop3A_475 = tpu.vector_load %arg17[%parallel_loop3A_473, %parallel_loop3A_474] {strides = array<i32>} : memref<48x144xf32, #tpu.memory_space<vmem>>, vector<16xf32>,
        tpu.vector_store %arg17[%parallel_loop3A_473, %parallel_loop3A_474], %parallel_loop3A_472 {strides = array<i32>} : memref<48x144xf32, #tpu.memory_space<vmem>>, vector<16xf32>,
        %parallel_loop3A_476 = arith.index_cast %parallel_loop3A_429 : i32 to index
        %parallel_loop3A_477 = arith.constant 16 : index
        %parallel_loop3A_478 = tpu.vector_load %arg15[%parallel_loop3A_476, %parallel_loop3A_477] {strides = array<i32>} : memref<48x64xi32, #tpu.memory_space<vmem>>, vector<16xi32>,
        %parallel_loop3A_479 = vector.bitcast %parallel_loop3A_478 : vector<16xi32> to vector<32xbf16>
        %parallel_loop3A_480 = tpu.unpack_subelements %parallel_loop3A_479, 0 {pack_format = #tpu.pack_format<interleaved>} : vector<32xbf16> -> vector<16xf32>
        %parallel_loop3A_481 = tpu.unpack_subelements %parallel_loop3A_479, 1 {pack_format = #tpu.pack_format<interleaved>} : vector<32xbf16> -> vector<16xf32>
        %parallel_loop3A_482 = arith.constant 2 : i32
        %parallel_loop3A_483 = vector.broadcast %parallel_loop3A_482 : i32 to vector<16xi32>
        %parallel_loop3A_484 = vector.shape_cast %parallel_loop3A_483 : vector<16xi32> to vector<16x1xi32>
        %parallel_loop3A_485 = vector.shape_cast %parallel_loop3A_484 : vector<16x1xi32> to vector<16xi32>
        %parallel_loop3A_486 = tpu.dynamic_gather %parallel_loop3A_448[%parallel_loop3A_485] in [0] : vector<16xf32>, vector<16xi32> -> vector<16xf32>
        %parallel_loop3A_487 = arith.constant 3 : i32
        %parallel_loop3A_488 = vector.broadcast %parallel_loop3A_487 : i32 to vector<16xi32>
        %parallel_loop3A_489 = vector.shape_cast %parallel_loop3A_488 : vector<16xi32> to vector<16x1xi32>
        %parallel_loop3A_490 = vector.shape_cast %parallel_loop3A_489 : vector<16x1xi32> to vector<16xi32>
        %parallel_loop3A_491 = tpu.dynamic_gather %parallel_loop3A_448[%parallel_loop3A_490] in [0] : vector<16xf32>, vector<16xi32> -> vector<16xf32>
        %parallel_loop3A_492 = arith.mulf %parallel_loop3A_480, %parallel_loop3A_486 : vector<16xf32>
        %parallel_loop3A_493 = arith.index_cast %parallel_loop3A_429 : i32 to index
        %parallel_loop3A_494 = arith.constant 32 : index
        %parallel_loop3A_495 = tpu.vector_load %arg17[%parallel_loop3A_493, %parallel_loop3A_494] {strides = array<i32>} : memref<48x144xf32, #tpu.memory_space<vmem>>, vector<16xf32>,
        tpu.vector_store %arg17[%parallel_loop3A_493, %parallel_loop3A_494], %parallel_loop3A_492 {strides = array<i32>} : memref<48x144xf32, #tpu.memory_space<vmem>>, vector<16xf32>,
        %parallel_loop3A_496 = arith.mulf %parallel_loop3A_481, %parallel_loop3A_491 : vector<16xf32>
        %parallel_loop3A_497 = arith.index_cast %parallel_loop3A_429 : i32 to index
        %parallel_loop3A_498 = arith.constant 48 : index
        %parallel_loop3A_499 = tpu.vector_load %arg17[%parallel_loop3A_497, %parallel_loop3A_498] {strides = array<i32>} : memref<48x144xf32, #tpu.memory_space<vmem>>, vector<16xf32>,
        tpu.vector_store %arg17[%parallel_loop3A_497, %parallel_loop3A_498], %parallel_loop3A_496 {strides = array<i32>} : memref<48x144xf32, #tpu.memory_space<vmem>>, vector<16xf32>,
        %parallel_loop3A_500 = arith.index_cast %parallel_loop3A_429 : i32 to index
        %parallel_loop3A_501 = arith.constant 32 : index
        %parallel_loop3A_502 = tpu.vector_load %arg15[%parallel_loop3A_500, %parallel_loop3A_501] {strides = array<i32>} : memref<48x64xi32, #tpu.memory_space<vmem>>, vector<16xi32>,
        %parallel_loop3A_503 = vector.bitcast %parallel_loop3A_502 : vector<16xi32> to vector<32xbf16>
        %parallel_loop3A_504 = tpu.unpack_subelements %parallel_loop3A_503, 0 {pack_format = #tpu.pack_format<interleaved>} : vector<32xbf16> -> vector<16xf32>
        %parallel_loop3A_505 = tpu.unpack_subelements %parallel_loop3A_503, 1 {pack_format = #tpu.pack_format<interleaved>} : vector<32xbf16> -> vector<16xf32>
        %parallel_loop3A_506 = arith.constant 4 : i32
        %parallel_loop3A_507 = vector.broadcast %parallel_loop3A_506 : i32 to vector<16xi32>
        %parallel_loop3A_508 = vector.shape_cast %parallel_loop3A_507 : vector<16xi32> to vector<16x1xi32>
        %parallel_loop3A_509 = vector.shape_cast %parallel_loop3A_508 : vector<16x1xi32> to vector<16xi32>
        %parallel_loop3A_510 = tpu.dynamic_gather %parallel_loop3A_448[%parallel_loop3A_509] in [0] : vector<16xf32>, vector<16xi32> -> vector<16xf32>
        %parallel_loop3A_511 = arith.constant 5 : i32
        %parallel_loop3A_512 = vector.broadcast %parallel_loop3A_511 : i32 to vector<16xi32>
        %parallel_loop3A_513 = vector.shape_cast %parallel_loop3A_512 : vector<16xi32> to vector<16x1xi32>
        %parallel_loop3A_514 = vector.shape_cast %parallel_loop3A_513 : vector<16x1xi32> to vector<16xi32>
        %parallel_loop3A_515 = tpu.dynamic_gather %parallel_loop3A_448[%parallel_loop3A_514] in [0] : vector<16xf32>, vector<16xi32> -> vector<16xf32>
        %parallel_loop3A_516 = arith.mulf %parallel_loop3A_504, %parallel_loop3A_510 : vector<16xf32>
        %parallel_loop3A_517 = arith.index_cast %parallel_loop3A_429 : i32 to index
        %parallel_loop3A_518 = arith.constant 64 : index
        %parallel_loop3A_519 = tpu.vector_load %arg17[%parallel_loop3A_517, %parallel_loop3A_518] {strides = array<i32>} : memref<48x144xf32, #tpu.memory_space<vmem>>, vector<16xf32>,
        tpu.vector_store %arg17[%parallel_loop3A_517, %parallel_loop3A_518], %parallel_loop3A_516 {strides = array<i32>} : memref<48x144xf32, #tpu.memory_space<vmem>>, vector<16xf32>,
        %parallel_loop3A_520 = arith.mulf %parallel_loop3A_505, %parallel_loop3A_515 : vector<16xf32>
        %parallel_loop3A_521 = arith.index_cast %parallel_loop3A_429 : i32 to index
        %parallel_loop3A_522 = arith.constant 80 : index
        %parallel_loop3A_523 = tpu.vector_load %arg17[%parallel_loop3A_521, %parallel_loop3A_522] {strides = array<i32>} : memref<48x144xf32, #tpu.memory_space<vmem>>, vector<16xf32>,
        tpu.vector_store %arg17[%parallel_loop3A_521, %parallel_loop3A_522], %parallel_loop3A_520 {strides = array<i32>} : memref<48x144xf32, #tpu.memory_space<vmem>>, vector<16xf32>,
        %parallel_loop3A_524 = arith.index_cast %parallel_loop3A_429 : i32 to index
        %parallel_loop3A_525 = arith.constant 48 : index
        %parallel_loop3A_526 = tpu.vector_load %arg15[%parallel_loop3A_524, %parallel_loop3A_525] {strides = array<i32>} : memref<48x64xi32, #tpu.memory_space<vmem>>, vector<16xi32>,
        %parallel_loop3A_527 = vector.bitcast %parallel_loop3A_526 : vector<16xi32> to vector<32xbf16>
        %parallel_loop3A_528 = tpu.unpack_subelements %parallel_loop3A_527, 0 {pack_format = #tpu.pack_format<interleaved>} : vector<32xbf16> -> vector<16xf32>
        %parallel_loop3A_529 = tpu.unpack_subelements %parallel_loop3A_527, 1 {pack_format = #tpu.pack_format<interleaved>} : vector<32xbf16> -> vector<16xf32>
        %parallel_loop3A_530 = arith.constant 6 : i32
        %parallel_loop3A_531 = vector.broadcast %parallel_loop3A_530 : i32 to vector<16xi32>
        %parallel_loop3A_532 = vector.shape_cast %parallel_loop3A_531 : vector<16xi32> to vector<16x1xi32>
        %parallel_loop3A_533 = vector.shape_cast %parallel_loop3A_532 : vector<16x1xi32> to vector<16xi32>
        %parallel_loop3A_534 = tpu.dynamic_gather %parallel_loop3A_448[%parallel_loop3A_533] in [0] : vector<16xf32>, vector<16xi32> -> vector<16xf32>
        %parallel_loop3A_535 = arith.constant 7 : i32
        %parallel_loop3A_536 = vector.broadcast %parallel_loop3A_535 : i32 to vector<16xi32>
        %parallel_loop3A_537 = vector.shape_cast %parallel_loop3A_536 : vector<16xi32> to vector<16x1xi32>
        %parallel_loop3A_538 = vector.shape_cast %parallel_loop3A_537 : vector<16x1xi32> to vector<16xi32>
        %parallel_loop3A_539 = tpu.dynamic_gather %parallel_loop3A_448[%parallel_loop3A_538] in [0] : vector<16xf32>, vector<16xi32> -> vector<16xf32>
        %parallel_loop3A_540 = arith.mulf %parallel_loop3A_528, %parallel_loop3A_534 : vector<16xf32>
        %parallel_loop3A_541 = arith.index_cast %parallel_loop3A_429 : i32 to index
        %parallel_loop3A_542 = arith.constant 96 : index
        %parallel_loop3A_543 = tpu.vector_load %arg17[%parallel_loop3A_541, %parallel_loop3A_542] {strides = array<i32>} : memref<48x144xf32, #tpu.memory_space<vmem>>, vector<16xf32>,
        tpu.vector_store %arg17[%parallel_loop3A_541, %parallel_loop3A_542], %parallel_loop3A_540 {strides = array<i32>} : memref<48x144xf32, #tpu.memory_space<vmem>>, vector<16xf32>,
        %parallel_loop3A_544 = arith.mulf %parallel_loop3A_529, %parallel_loop3A_539 : vector<16xf32>
        %parallel_loop3A_545 = arith.index_cast %parallel_loop3A_429 : i32 to index
        %parallel_loop3A_546 = arith.constant 112 : index
        %parallel_loop3A_547 = tpu.vector_load %arg17[%parallel_loop3A_545, %parallel_loop3A_546] {strides = array<i32>} : memref<48x144xf32, #tpu.memory_space<vmem>>, vector<16xf32>,
        tpu.vector_store %arg17[%parallel_loop3A_545, %parallel_loop3A_546], %parallel_loop3A_544 {strides = array<i32>} : memref<48x144xf32, #tpu.memory_space<vmem>>, vector<16xf32>,
      } {sc.loop_unroll_factor = 4 : i64, sc.parallel_access}
      %dma_start3A_380 = arith.constant 1 : i32
      %dma_start3A_381 = arith.constant 0 : i32
      %dma_start3A_382 = tpu.memref_slice %arg7[%rem3A_329, %dma_start3A_380, %dma_start3A_381] : memref<4x2x48xi32, #tpu.memory_space<vmem>> -> memref<1x1x48xi32, #tpu.memory_space<vmem>>
      %dma_start3A_383 = tpu.memref_squeeze %dma_start3A_382 : memref<1x1x48xi32, #tpu.memory_space<vmem>> -> memref<48xi32, #tpu.memory_space<vmem>>
      %dma_start3A_384 = arith.constant 0 : i32
      %dma_start3A_385 = arith.constant 0 : i32
      %dma_start3A_386 = tpu.memref_slice %arg18[%dma_start3A_384, %dma_start3A_385] : memref<10112x144xf32, #tpu.memory_space<vmem_shared>> -> memref<10112x144xf32, #tpu.memory_space<vmem_shared>>
      tpu.enqueue_indirect_dma source(%arg17 : memref<48x144xf32, #tpu.memory_space<vmem>>) target(%dma_start3A_386 : memref<10112x144xf32, #tpu.memory_space<vmem_shared>>) offsets(%dma_start3A_383 : memref<48xi32, #tpu.memory_space<vmem>>) semaphore(%arg29 : memref<!tpu.dma_semaphore, #tpu.memory_space<semaphore_mem>>) {add = true}
      %add3A_387 = arith.addi %mul3A_2, %add3A_311 : i32
      %add3A_388 = arith.constant 2 : i32
      %add3A_389 = arith.addi %add3A_387, %add3A_388 : i32
      %dma_wait3A_390 = arith.constant 0 : i32
      %dma_wait3A_391 = arith.constant 0 : i32
      %dma_wait3A_392 = tpu.memref_slice %arg7[%rem3A_357, %dma_wait3A_390, %dma_wait3A_391] : memref<4x2x48xi32, #tpu.memory_space<vmem>> -> memref<1x2x48xi32, #tpu.memory_space<vmem>>
      %dma_wait3A_393 = tpu.memref_squeeze %dma_wait3A_392 : memref<1x2x48xi32, #tpu.memory_space<vmem>> -> memref<2x48xi32, #tpu.memory_space<vmem>>
      %dma_wait3A_394 = arith.constant 0 : i32
      %dma_wait3A_395 = arith.constant 0 : i32
      %dma_wait3A_396 = tpu.memref_slice %arg4[%add3A_389, %dma_wait3A_394, %dma_wait3A_395] : memref<6784x2x48xi32, #tpu.memory_space<hbm>> -> memref<1x2x48xi32, #tpu.memory_space<hbm>>
      %dma_wait3A_397 = tpu.memref_squeeze %dma_wait3A_396 : memref<1x2x48xi32, #tpu.memory_space<hbm>> -> memref<2x48xi32, #tpu.memory_space<hbm>>
      %dma_wait3A_398 = arith.constant 0 : i32
      %dma_wait3A_399 = arith.constant 0 : i32
      %dma_wait3A_400 = tpu.memref_slice %arg7[%rem3A_357, %dma_wait3A_398, %dma_wait3A_399] : memref<4x2x48xi32, #tpu.memory_space<vmem>> -> memref<1x2x48xi32, #tpu.memory_space<vmem>>
      %dma_wait3A_401 = tpu.memref_squeeze %dma_wait3A_400 : memref<1x2x48xi32, #tpu.memory_space<vmem>> -> memref<2x48xi32, #tpu.memory_space<vmem>>
      %dma_wait3A_402 = arith.constant 0 : i32
      %dma_wait3A_403 = arith.constant 0 : i32
      %dma_wait3A_404 = tpu.memref_slice %arg4[%add3A_389, %dma_wait3A_402, %dma_wait3A_403] : memref<6784x2x48xi32, #tpu.memory_space<hbm>> -> memref<1x2x48xi32, #tpu.memory_space<hbm>>
      %dma_wait3A_405 = tpu.memref_squeeze %dma_wait3A_404 : memref<1x2x48xi32, #tpu.memory_space<hbm>> -> memref<2x48xi32, #tpu.memory_space<hbm>>
      tpu.wait_dma2 semaphore(%arg21 : memref<!tpu.dma_semaphore, #tpu.memory_space<semaphore_mem>>) src(%dma_wait3A_405 : memref<2x48xi32, #tpu.memory_space<hbm>>) dst(%dma_wait3A_401 : memref<2x48xi32, #tpu.memory_space<vmem>>)
      %add3A_406 = arith.constant 2 : i32
      %add3A_407 = arith.addi %add3A_311, %add3A_406 : i32
      %dma_start3A_408 = arith.constant 0 : i32
      %dma_start3A_409 = arith.constant 0 : i32
      %dma_start3A_410 = tpu.memref_slice %arg7[%rem3A_357, %dma_start3A_408, %dma_start3A_409] : memref<4x2x48xi32, #tpu.memory_space<vmem>> -> memref<1x1x48xi32, #tpu.memory_space<vmem>>
      %dma_start3A_411 = tpu.memref_squeeze %dma_start3A_410 : memref<1x1x48xi32, #tpu.memory_space<vmem>> -> memref<48xi32, #tpu.memory_space<vmem>>
      %dma_start3A_412 = arith.constant 0 : i32
      %dma_start3A_413 = arith.constant 0 : i32
      %dma_start3A_414 = tpu.memref_slice %arg19[%dma_start3A_412, %dma_start3A_413] : memref<10112x16xf32, #tpu.memory_space<vmem_shared>> -> memref<10112x16xf32, #tpu.memory_space<vmem_shared>>
      tpu.enqueue_indirect_dma source(%dma_start3A_414 : memref<10112x16xf32, #tpu.memory_space<vmem_shared>>) target(%arg11 : memref<48x16xf32, #tpu.memory_space<vmem>>) offsets(%dma_start3A_411 : memref<48xi32, #tpu.memory_space<vmem>>) semaphore(%arg23 : memref<!tpu.dma_semaphore, #tpu.memory_space<semaphore_mem>>)
      %dma_start3A_415 = arith.constant 1 : i32
      %dma_start3A_416 = arith.constant 0 : i32
      %dma_start3A_417 = tpu.memref_slice %arg7[%rem3A_357, %dma_start3A_415, %dma_start3A_416] : memref<4x2x48xi32, #tpu.memory_space<vmem>> -> memref<1x1x48xi32, #tpu.memory_space<vmem>>
      %dma_start3A_418 = tpu.memref_squeeze %dma_start3A_417 : memref<1x1x48xi32, #tpu.memory_space<vmem>> -> memref<48xi32, #tpu.memory_space<vmem>>
      %dma_start3A_419 = arith.constant 0 : i32
      %dma_start3A_420 = arith.constant 0 : i32
      %dma_start3A_421 = tpu.memref_slice %arg19[%dma_start3A_419, %dma_start3A_420] : memref<10112x16xf32, #tpu.memory_space<vmem_shared>> -> memref<10112x16xf32, #tpu.memory_space<vmem_shared>>
      tpu.enqueue_indirect_dma source(%dma_start3A_421 : memref<10112x16xf32, #tpu.memory_space<vmem_shared>>) target(%arg13 : memref<48x16xf32, #tpu.memory_space<vmem>>) offsets(%dma_start3A_418 : memref<48xi32, #tpu.memory_space<vmem>>) semaphore(%arg25 : memref<!tpu.dma_semaphore, #tpu.memory_space<semaphore_mem>>)
      %dma_start3A_422 = arith.constant 0 : i32
      %dma_start3A_423 = arith.constant 0 : i32
      %dma_start3A_424 = tpu.memref_slice %arg7[%rem3A_357, %dma_start3A_422, %dma_start3A_423] : memref<4x2x48xi32, #tpu.memory_space<vmem>> -> memref<1x1x48xi32, #tpu.memory_space<vmem>>
      %dma_start3A_425 = tpu.memref_squeeze %dma_start3A_424 : memref<1x1x48xi32, #tpu.memory_space<vmem>> -> memref<48xi32, #tpu.memory_space<vmem>>
      %dma_start3A_426 = arith.constant 0 : i32
      %dma_start3A_427 = arith.constant 0 : i32
      %dma_start3A_428 = tpu.memref_slice %arg3[%dma_start3A_426, %dma_start3A_427] : memref<10000x64xi32, #tpu.memory_space<hbm>> -> memref<10000x64xi32, #tpu.memory_space<hbm>>
      tpu.enqueue_indirect_dma source(%dma_start3A_428 : memref<10000x64xi32, #tpu.memory_space<hbm>>) target(%arg15 : memref<48x64xi32, #tpu.memory_space<vmem>>) offsets(%dma_start3A_425 : memref<48xi32, #tpu.memory_space<vmem>>) semaphore(%arg27 : memref<!tpu.dma_semaphore, #tpu.memory_space<semaphore_mem>>)
    }
    %scan3A_131 = arith.constant 105 : i32
    %dma_wait3A = arith.constant 0 : i32
    %dma_wait3A_132 = arith.constant 0 : i32
    %dma_wait3A_133 = tpu.memref_slice %arg18[%dma_wait3A, %dma_wait3A_132] : memref<10112x144xf32, #tpu.memory_space<vmem_shared>> -> memref<10112x144xf32, #tpu.memory_space<vmem_shared>>
    tpu.wait_indirect_dma semaphore(%arg28 : memref<!tpu.dma_semaphore, #tpu.memory_space<semaphore_mem>>) src(%arg16 : memref<48x144xf32, #tpu.memory_space<vmem>>) dst(%dma_wait3A_133 : memref<10112x144xf32, #tpu.memory_space<vmem_shared>>)
    %dma_wait3A_134 = arith.constant 2 : i32
    %dma_wait3A_135 = arith.constant 0 : i32
    %dma_wait3A_136 = arith.constant 0 : i32
    %dma_wait3A_137 = tpu.memref_slice %arg7[%dma_wait3A_134, %dma_wait3A_135, %dma_wait3A_136] : memref<4x2x48xi32, #tpu.memory_space<vmem>> -> memref<1x1x48xi32, #tpu.memory_space<vmem>>
    %dma_wait3A_138 = tpu.memref_squeeze %dma_wait3A_137 : memref<1x1x48xi32, #tpu.memory_space<vmem>> -> memref<48xi32, #tpu.memory_space<vmem>>
    %dma_wait3A_139 = arith.constant 0 : i32
    %dma_wait3A_140 = arith.constant 0 : i32
    %dma_wait3A_141 = tpu.memref_slice %arg19[%dma_wait3A_139, %dma_wait3A_140] : memref<10112x16xf32, #tpu.memory_space<vmem_shared>> -> memref<10112x16xf32, #tpu.memory_space<vmem_shared>>
    tpu.wait_indirect_dma semaphore(%arg22 : memref<!tpu.dma_semaphore, #tpu.memory_space<semaphore_mem>>) src(%dma_wait3A_141 : memref<10112x16xf32, #tpu.memory_space<vmem_shared>>) dst(%arg10 : memref<48x16xf32, #tpu.memory_space<vmem>>)
    %dma_wait3A_142 = arith.constant 2 : i32
    %dma_wait3A_143 = arith.constant 1 : i32
    %dma_wait3A_144 = arith.constant 0 : i32
    %dma_wait3A_145 = tpu.memref_slice %arg7[%dma_wait3A_142, %dma_wait3A_143, %dma_wait3A_144] : memref<4x2x48xi32, #tpu.memory_space<vmem>> -> memref<1x1x48xi32, #tpu.memory_space<vmem>>
    %dma_wait3A_146 = tpu.memref_squeeze %dma_wait3A_145 : memref<1x1x48xi32, #tpu.memory_space<vmem>> -> memref<48xi32, #tpu.memory_space<vmem>>
    %dma_wait3A_147 = arith.constant 0 : i32
    %dma_wait3A_148 = arith.constant 0 : i32
    %dma_wait3A_149 = tpu.memref_slice %arg19[%dma_wait3A_147, %dma_wait3A_148] : memref<10112x16xf32, #tpu.memory_space<vmem_shared>> -> memref<10112x16xf32, #tpu.memory_space<vmem_shared>>
    tpu.wait_indirect_dma semaphore(%arg24 : memref<!tpu.dma_semaphore, #tpu.memory_space<semaphore_mem>>) src(%dma_wait3A_149 : memref<10112x16xf32, #tpu.memory_space<vmem_shared>>) dst(%arg12 : memref<48x16xf32, #tpu.memory_space<vmem>>)
    %dma_wait3A_150 = arith.constant 2 : i32
    %dma_wait3A_151 = arith.constant 0 : i32
    %dma_wait3A_152 = arith.constant 0 : i32
    %dma_wait3A_153 = tpu.memref_slice %arg7[%dma_wait3A_150, %dma_wait3A_151, %dma_wait3A_152] : memref<4x2x48xi32, #tpu.memory_space<vmem>> -> memref<1x1x48xi32, #tpu.memory_space<vmem>>
    %dma_wait3A_154 = tpu.memref_squeeze %dma_wait3A_153 : memref<1x1x48xi32, #tpu.memory_space<vmem>> -> memref<48xi32, #tpu.memory_space<vmem>>
    %dma_wait3A_155 = arith.constant 0 : i32
    %dma_wait3A_156 = arith.constant 0 : i32
    %dma_wait3A_157 = tpu.memref_slice %arg3[%dma_wait3A_155, %dma_wait3A_156] : memref<10000x64xi32, #tpu.memory_space<hbm>> -> memref<10000x64xi32, #tpu.memory_space<hbm>>
    tpu.wait_indirect_dma semaphore(%arg26 : memref<!tpu.dma_semaphore, #tpu.memory_space<semaphore_mem>>) src(%dma_wait3A_157 : memref<10000x64xi32, #tpu.memory_space<hbm>>) dst(%arg14 : memref<48x64xi32, #tpu.memory_space<vmem>>)
    %dma_wait3A_158 = arith.constant 0 : i32
    %dma_wait3A_159 = arith.constant 0 : i32
    %dma_wait3A_160 = tpu.memref_slice %arg18[%dma_wait3A_158, %dma_wait3A_159] : memref<10112x144xf32, #tpu.memory_space<vmem_shared>> -> memref<10112x144xf32, #tpu.memory_space<vmem_shared>>
    tpu.wait_indirect_dma semaphore(%arg29 : memref<!tpu.dma_semaphore, #tpu.memory_space<semaphore_mem>>) src(%arg17 : memref<48x144xf32, #tpu.memory_space<vmem>>) dst(%dma_wait3A_160 : memref<10112x144xf32, #tpu.memory_space<vmem_shared>>)
    %dma_wait3A_161 = arith.constant 3 : i32
    %dma_wait3A_162 = arith.constant 0 : i32
    %dma_wait3A_163 = arith.constant 0 : i32
    %dma_wait3A_164 = tpu.memref_slice %arg7[%dma_wait3A_161, %dma_wait3A_162, %dma_wait3A_163] : memref<4x2x48xi32, #tpu.memory_space<vmem>> -> memref<1x1x48xi32, #tpu.memory_space<vmem>>
    %dma_wait3A_165 = tpu.memref_squeeze %dma_wait3A_164 : memref<1x1x48xi32, #tpu.memory_space<vmem>> -> memref<48xi32, #tpu.memory_space<vmem>>
    %dma_wait3A_166 = arith.constant 0 : i32
    %dma_wait3A_167 = arith.constant 0 : i32
    %dma_wait3A_168 = tpu.memref_slice %arg19[%dma_wait3A_166, %dma_wait3A_167] : memref<10112x16xf32, #tpu.memory_space<vmem_shared>> -> memref<10112x16xf32, #tpu.memory_space<vmem_shared>>
    tpu.wait_indirect_dma semaphore(%arg23 : memref<!tpu.dma_semaphore, #tpu.memory_space<semaphore_mem>>) src(%dma_wait3A_168 : memref<10112x16xf32, #tpu.memory_space<vmem_shared>>) dst(%arg11 : memref<48x16xf32, #tpu.memory_space<vmem>>)
    %dma_wait3A_169 = arith.constant 3 : i32
    %dma_wait3A_170 = arith.constant 1 : i32
    %dma_wait3A_171 = arith.constant 0 : i32
    %dma_wait3A_172 = tpu.memref_slice %arg7[%dma_wait3A_169, %dma_wait3A_170, %dma_wait3A_171] : memref<4x2x48xi32, #tpu.memory_space<vmem>> -> memref<1x1x48xi32, #tpu.memory_space<vmem>>
    %dma_wait3A_173 = tpu.memref_squeeze %dma_wait3A_172 : memref<1x1x48xi32, #tpu.memory_space<vmem>> -> memref<48xi32, #tpu.memory_space<vmem>>
    %dma_wait3A_174 = arith.constant 0 : i32
    %dma_wait3A_175 = arith.constant 0 : i32
    %dma_wait3A_176 = tpu.memref_slice %arg19[%dma_wait3A_174, %dma_wait3A_175] : memref<10112x16xf32, #tpu.memory_space<vmem_shared>> -> memref<10112x16xf32, #tpu.memory_space<vmem_shared>>
    tpu.wait_indirect_dma semaphore(%arg25 : memref<!tpu.dma_semaphore, #tpu.memory_space<semaphore_mem>>) src(%dma_wait3A_176 : memref<10112x16xf32, #tpu.memory_space<vmem_shared>>) dst(%arg13 : memref<48x16xf32, #tpu.memory_space<vmem>>)
    %dma_wait3A_177 = arith.constant 3 : i32
    %dma_wait3A_178 = arith.constant 0 : i32
    %dma_wait3A_179 = arith.constant 0 : i32
    %dma_wait3A_180 = tpu.memref_slice %arg7[%dma_wait3A_177, %dma_wait3A_178, %dma_wait3A_179] : memref<4x2x48xi32, #tpu.memory_space<vmem>> -> memref<1x1x48xi32, #tpu.memory_space<vmem>>
    %dma_wait3A_181 = tpu.memref_squeeze %dma_wait3A_180 : memref<1x1x48xi32, #tpu.memory_space<vmem>> -> memref<48xi32, #tpu.memory_space<vmem>>
    %dma_wait3A_182 = arith.constant 0 : i32
    %dma_wait3A_183 = arith.constant 0 : i32
    %dma_wait3A_184 = tpu.memref_slice %arg3[%dma_wait3A_182, %dma_wait3A_183] : memref<10000x64xi32, #tpu.memory_space<hbm>> -> memref<10000x64xi32, #tpu.memory_space<hbm>>
    tpu.wait_indirect_dma semaphore(%arg27 : memref<!tpu.dma_semaphore, #tpu.memory_space<semaphore_mem>>) src(%dma_wait3A_184 : memref<10000x64xi32, #tpu.memory_space<hbm>>) dst(%arg15 : memref<48x64xi32, #tpu.memory_space<vmem>>)
    %barrier3A_185 = arith.constant 0 : index
    tpu.barrier barrier_id(%barrier3A_185)
    %mul3A_186 = arith.constant 10112 : i32
    %mul3A_187 = arith.muli %arg0, %mul3A_186 : i32
    %add3A_188 = arith.addi %mul3A_187, %mul3A_9 : i32
    "tpu.region"() ({
      %run_scoped3A_189 = tpu.sem_alloc : memref<!tpu.dma_semaphore, #tpu.memory_space<semaphore_mem>>
      %dma_start3A_190 = arith.constant 0 : i32
      %dma_start3A_191 = tpu.memref_slice %arg6[%add3A_188, %dma_start3A_190] : memref<20224x144xf32, #tpu.memory_space<hbm>> -> memref<632x144xf32, #tpu.memory_space<hbm>>
      %dma_start3A_192 = arith.constant 0 : i32
      %dma_start3A_193 = tpu.memref_slice %arg18[%mul3A_9, %dma_start3A_192] : memref<10112x144xf32, #tpu.memory_space<vmem_shared>> -> memref<632x144xf32, #tpu.memory_space<vmem_shared>>
      tpu.enqueue_dma source(%dma_start3A_193 : memref<632x144xf32, #tpu.memory_space<vmem_shared>>) target(%dma_start3A_191 : memref<632x144xf32, #tpu.memory_space<hbm>>) target_semaphore(%run_scoped3A_189 : memref<!tpu.dma_semaphore, #tpu.memory_space<semaphore_mem>>)
      %dma_wait3A_194 = arith.constant 0 : i32
      %dma_wait3A_195 = tpu.memref_slice %arg6[%add3A_188, %dma_wait3A_194] : memref<20224x144xf32, #tpu.memory_space<hbm>> -> memref<632x144xf32, #tpu.memory_space<hbm>>
      %dma_wait3A_196 = arith.constant 0 : i32
      %dma_wait3A_197 = tpu.memref_slice %arg18[%mul3A_9, %dma_wait3A_196] : memref<10112x144xf32, #tpu.memory_space<vmem_shared>> -> memref<632x144xf32, #tpu.memory_space<vmem_shared>>
      tpu.wait_dma2 semaphore(%run_scoped3A_189 : memref<!tpu.dma_semaphore, #tpu.memory_space<semaphore_mem>>) src(%dma_wait3A_197 : memref<632x144xf32, #tpu.memory_space<vmem_shared>>) dst(%dma_wait3A_195 : memref<632x144xf32, #tpu.memory_space<hbm>>)
      tpu.yield
    }) : () -> ()
    return
  }
}

module attributes {stable_mosaic.version = 14 : i64} {
  func.func @_tc1_body(%arg0: i32, %arg1: memref<1000x128xf32, #tpu.memory_space<vmem>>, %arg2: memref<128x128xf32, #tpu.memory_space<vmem>>, %arg3: memref<1x128xf32, #tpu.memory_space<vmem>>, %arg4: memref<128x128xf32, #tpu.memory_space<vmem>>, %arg5: memref<128x16xf32, #tpu.memory_space<vmem>>, %arg6: memref<1000x128xf32, #tpu.memory_space<vmem>>, %arg7: memref<1000x128xf32, #tpu.memory_space<vmem>>, %arg8: memref<1000x16xf32, #tpu.memory_space<vmem>>, %arg9: memref<8x16xf32, #tpu.memory_space<vmem>>) attributes {dimension_semantics = [#tpu.dimension_semantics<arbitrary>], iteration_bounds = array<i64: 10>, scalar_prefetch = 0 : i64, scratch_operands = 0 : i64, tpu.core_type = #tpu.core_type<tc>, window_params = [{transform_indices = @transform_0, window_bounds = array<i64: 1000, 128>}, {pipeline_mode = #tpu.pipeline_mode<synchronous>, transform_indices = @transform_1, window_bounds = array<i64: 128, 128>}, {pipeline_mode = #tpu.pipeline_mode<synchronous>, transform_indices = @transform_2, window_bounds = array<i64: 1, 128>}, {pipeline_mode = #tpu.pipeline_mode<synchronous>, transform_indices = @transform_3, window_bounds = array<i64: 128, 128>}, {pipeline_mode = #tpu.pipeline_mode<synchronous>, transform_indices = @transform_4, window_bounds = array<i64: 128, 16>}, {transform_indices = @transform_5, window_bounds = array<i64: 1000, 128>}, {transform_indices = @transform_6, window_bounds = array<i64: 1000, 128>}, {transform_indices = @transform_7, window_bounds = array<i64: 1000, 16>}, {pipeline_mode = #tpu.pipeline_mode<synchronous>, transform_indices = @transform_8, window_bounds = array<i64: 8, 16>}]} {
    %get3A = arith.constant 0 : index
    %get3A_0 = arith.constant 0 : index
    %get3A_1 = vector.load %arg1[%get3A, %get3A_0] : memref<1000x128xf32, #tpu.memory_space<vmem>>, vector<1000x128xf32>
    %get3A_2 = arith.constant 0 : index
    %get3A_3 = arith.constant 0 : index
    %get3A_4 = vector.load %arg2[%get3A_2, %get3A_3] : memref<128x128xf32, #tpu.memory_space<vmem>>, vector<128x128xf32>
    %dot_general3A = arith.constant dense<0.000000e+00> : vector<1000x128xf32>
    %dot_general3A_5 = tpu.matmul %get3A_1, %get3A_4, %dot_general3A {dimension_numbers = #tpu.dot_dimension_numbers<[1], [0], [0], [1], [0, 0, 1, 1], [], []>, transpose_lhs_hint = false} : vector<1000x128xf32>, vector<128x128xf32>, vector<1000x128xf32> -> vector<1000x128xf32>
    %get3A_6 = arith.constant 0 : index
    %get3A_7 = arith.constant 0 : index
    %get3A_8 = vector.load %arg3[%get3A_6, %get3A_7] : memref<1x128xf32, #tpu.memory_space<vmem>>, vector<1x128xf32>
    %add3A = vector.broadcast %get3A_8 : vector<1x128xf32> to vector<1000x128xf32>
    %add3A_9 = arith.addf %dot_general3A_5, %add3A : vector<1000x128xf32>
    %get3A_10 = arith.constant 0 : index
    %get3A_11 = arith.constant 0 : index
    %get3A_12 = vector.load %arg4[%get3A_10, %get3A_11] : memref<128x128xf32, #tpu.memory_space<vmem>>, vector<128x128xf32>
    %dot_general3A_13 = arith.constant dense<0.000000e+00> : vector<1000x128xf32>
    %dot_general3A_14 = tpu.matmul %add3A_9, %get3A_12, %dot_general3A_13 {dimension_numbers = #tpu.dot_dimension_numbers<[1], [0], [0], [1], [0, 0, 1, 1], [], []>, transpose_lhs_hint = false} : vector<1000x128xf32>, vector<128x128xf32>, vector<1000x128xf32> -> vector<1000x128xf32>
    %get3A_15 = arith.constant 0 : index
    %get3A_16 = arith.constant 0 : index
    %get3A_17 = vector.load %arg5[%get3A_15, %get3A_16] : memref<128x16xf32, #tpu.memory_space<vmem>>, vector<128x16xf32>
    %dot_general3A_18 = arith.constant dense<0.000000e+00> : vector<1000x16xf32>
    %dot_general3A_19 = tpu.matmul %dot_general3A_14, %get3A_17, %dot_general3A_18 {dimension_numbers = #tpu.dot_dimension_numbers<[1], [0], [0], [1], [0, 0, 1, 1], [], []>, transpose_lhs_hint = false} : vector<1000x128xf32>, vector<128x16xf32>, vector<1000x16xf32> -> vector<1000x16xf32>
    %swap3A = arith.constant 0 : index
    %swap3A_20 = arith.constant 0 : index
    %swap3A_21 = vector.load %arg6[%swap3A, %swap3A_20] : memref<1000x128xf32, #tpu.memory_space<vmem>>, vector<1000x128xf32>
    tpu.vector_store %arg6[%swap3A, %swap3A_20], %add3A_9 {strides = array<i32>} : memref<1000x128xf32, #tpu.memory_space<vmem>>, vector<1000x128xf32>,
    %swap3A_22 = arith.constant 0 : index
    %swap3A_23 = arith.constant 0 : index
    %swap3A_24 = vector.load %arg7[%swap3A_22, %swap3A_23] : memref<1000x128xf32, #tpu.memory_space<vmem>>, vector<1000x128xf32>
    tpu.vector_store %arg7[%swap3A_22, %swap3A_23], %dot_general3A_14 {strides = array<i32>} : memref<1000x128xf32, #tpu.memory_space<vmem>>, vector<1000x128xf32>,
    %swap3A_25 = arith.constant 0 : index
    %swap3A_26 = arith.constant 0 : index
    %swap3A_27 = vector.load %arg8[%swap3A_25, %swap3A_26] : memref<1000x16xf32, #tpu.memory_space<vmem>>, vector<1000x16xf32>
    tpu.vector_store %arg8[%swap3A_25, %swap3A_26], %dot_general3A_19 {strides = array<i32>} : memref<1000x16xf32, #tpu.memory_space<vmem>>, vector<1000x16xf32>,
    %reduce_max3A = arith.constant dense<0xFF800000> : vector<16xf32>
    %reduce_max3A_28 = vector.multi_reduction <maximumf>, %dot_general3A_19, %reduce_max3A [0] : vector<1000x16xf32> to vector<16xf32>
    %broadcast_in_dim3A = vector.shape_cast %reduce_max3A_28 : vector<16xf32> to vector<1x16xf32>
    %broadcast_in_dim3A_29 = vector.shape_cast %broadcast_in_dim3A : vector<1x16xf32> to vector<1x16xf32>
    %broadcast_in_dim3A_30 = vector.broadcast %broadcast_in_dim3A_29 : vector<1x16xf32> to vector<8x16xf32>
    %eq3A = arith.constant 0 : i32
    %eq3A_31 = arith.cmpi eq, %arg0, %eq3A : i32
    %convert_element_type3A = arith.extui %eq3A_31 : i1 to i32
    %cond3A = arith.constant 0 : i32
    %cond3A_32 = arith.cmpi ne, %convert_element_type3A, %cond3A : i32
    scf.if %cond3A_32 {
      %swap3A_37 = arith.constant 0 : index
      %swap3A_38 = arith.constant 0 : index
      %swap3A_39 = vector.load %arg9[%swap3A_37, %swap3A_38] : memref<8x16xf32, #tpu.memory_space<vmem>>, vector<8x16xf32>
      tpu.vector_store %arg9[%swap3A_37, %swap3A_38], %broadcast_in_dim3A_30 {strides = array<i32>} : memref<8x16xf32, #tpu.memory_space<vmem>>, vector<8x16xf32>,
    } else {
    }
    %gt3A = arith.constant 0 : i32
    %gt3A_33 = arith.cmpi sgt, %arg0, %gt3A : i32
    %convert_element_type3A_34 = arith.extui %gt3A_33 : i1 to i32
    %cond3A_35 = arith.constant 0 : i32
    %cond3A_36 = arith.cmpi ne, %convert_element_type3A_34, %cond3A_35 : i32
    scf.if %cond3A_36 {
      %get3A_37 = arith.constant 0 : index
      %get3A_38 = arith.constant 0 : index
      %get3A_39 = vector.load %arg9[%get3A_37, %get3A_38] : memref<8x16xf32, #tpu.memory_space<vmem>>, vector<8x16xf32>
      %max3A = arith.maximumf %get3A_39, %broadcast_in_dim3A_30 : vector<8x16xf32>
      %swap3A_40 = arith.constant 0 : index
      %swap3A_41 = arith.constant 0 : index
      %swap3A_42 = vector.load %arg9[%swap3A_40, %swap3A_41] : memref<8x16xf32, #tpu.memory_space<vmem>>, vector<8x16xf32>
      tpu.vector_store %arg9[%swap3A_40, %swap3A_41], %max3A {strides = array<i32>} : memref<8x16xf32, #tpu.memory_space<vmem>>, vector<8x16xf32>,
    } else {
    }
    return
  }
  func.func @transform_0(%arg0: i32) -> (i32, i32) {
    %c0_i32 = arith.constant 0 : i32
    %c0_i32_0 = arith.constant 0 : i32
    return %arg0, %c0_i32 : i32, i32
  }
  func.func @transform_1(%arg0: i32) -> (i32, i32) {
    %c0_i32 = arith.constant 0 : i32
    %c0_i32_0 = arith.constant 0 : i32
    %c0_i32_1 = arith.constant 0 : i32
    return %c0_i32, %c0_i32_0 : i32, i32
  }
  func.func @transform_2(%arg0: i32) -> (i32, i32) {
    %c0_i32 = arith.constant 0 : i32
    %c0_i32_0 = arith.constant 0 : i32
    %c0_i32_1 = arith.constant 0 : i32
    return %c0_i32, %c0_i32_0 : i32, i32
  }
  func.func @transform_3(%arg0: i32) -> (i32, i32) {
    %c0_i32 = arith.constant 0 : i32
    %c0_i32_0 = arith.constant 0 : i32
    %c0_i32_1 = arith.constant 0 : i32
    return %c0_i32, %c0_i32_0 : i32, i32
  }
  func.func @transform_4(%arg0: i32) -> (i32, i32) {
    %c0_i32 = arith.constant 0 : i32
    %c0_i32_0 = arith.constant 0 : i32
    %c0_i32_1 = arith.constant 0 : i32
    return %c0_i32, %c0_i32_0 : i32, i32
  }
  func.func @transform_5(%arg0: i32) -> (i32, i32) {
    %c0_i32 = arith.constant 0 : i32
    %c0_i32_0 = arith.constant 0 : i32
    return %arg0, %c0_i32 : i32, i32
  }
  func.func @transform_6(%arg0: i32) -> (i32, i32) {
    %c0_i32 = arith.constant 0 : i32
    %c0_i32_0 = arith.constant 0 : i32
    return %arg0, %c0_i32 : i32, i32
  }
  func.func @transform_7(%arg0: i32) -> (i32, i32) {
    %c0_i32 = arith.constant 0 : i32
    %c0_i32_0 = arith.constant 0 : i32
    return %arg0, %c0_i32 : i32, i32
  }
  func.func @transform_8(%arg0: i32) -> (i32, i32) {
    %c0_i32 = arith.constant 0 : i32
    %c0_i32_0 = arith.constant 0 : i32
    %c0_i32_1 = arith.constant 0 : i32
    return %c0_i32, %c0_i32_0 : i32, i32
  }
}

module attributes {stable_mosaic.version = 14 : i64} {
  func.func @_tc2_body(%arg0: i32, %arg1: memref<1000x128xf32, #tpu.memory_space<vmem>>, %arg2: memref<2x1000x128xf32, #tpu.memory_space<vmem>>, %arg3: memref<2x1000x16xf32, #tpu.memory_space<vmem>>, %arg4: memref<1x128xf32, #tpu.memory_space<vmem>>, %arg5: memref<16x128xf32, #tpu.memory_space<vmem>>, %arg6: memref<1000x128xf32, #tpu.memory_space<vmem>>) attributes {dimension_semantics = [#tpu.dimension_semantics<arbitrary>], iteration_bounds = array<i64: 10>, scalar_prefetch = 0 : i64, scratch_operands = 0 : i64, tpu.core_type = #tpu.core_type<tc>, window_params = [{transform_indices = @transform_0, window_bounds = array<i64: 1000, 128>}, {transform_indices = @transform_1, window_bounds = array<i64: 2, 1000, 128>}, {transform_indices = @transform_2, window_bounds = array<i64: 2, 1000, 16>}, {pipeline_mode = #tpu.pipeline_mode<synchronous>, transform_indices = @transform_3, window_bounds = array<i64: 1, 128>}, {pipeline_mode = #tpu.pipeline_mode<synchronous>, transform_indices = @transform_4, window_bounds = array<i64: 16, 128>}, {transform_indices = @transform_5, window_bounds = array<i64: 1000, 128>}]} {
    %get3A = arith.constant 0 : index
    %get3A_0 = arith.constant 0 : index
    %get3A_1 = arith.constant 0 : index
    %get3A_2 = vector.load %arg2[%get3A, %get3A_0, %get3A_1] : memref<2x1000x128xf32, #tpu.memory_space<vmem>>, vector<1x1000x128xf32>
    %get3A_3 = vector.shape_cast %get3A_2 : vector<1x1000x128xf32> to vector<1000x128xf32>
    %get3A_4 = arith.constant 1 : index
    %get3A_5 = arith.constant 0 : index
    %get3A_6 = arith.constant 0 : index
    %get3A_7 = vector.load %arg2[%get3A_4, %get3A_5, %get3A_6] : memref<2x1000x128xf32, #tpu.memory_space<vmem>>, vector<1x1000x128xf32>
    %get3A_8 = vector.shape_cast %get3A_7 : vector<1x1000x128xf32> to vector<1000x128xf32>
    %add3A = arith.addf %get3A_3, %get3A_8 : vector<1000x128xf32>
    %get3A_9 = arith.constant 0 : index
    %get3A_10 = arith.constant 0 : index
    %get3A_11 = arith.constant 0 : index
    %get3A_12 = vector.load %arg3[%get3A_9, %get3A_10, %get3A_11] : memref<2x1000x16xf32, #tpu.memory_space<vmem>>, vector<1x1000x16xf32>
    %get3A_13 = vector.shape_cast %get3A_12 : vector<1x1000x16xf32> to vector<1000x16xf32>
    %get3A_14 = arith.constant 1 : index
    %get3A_15 = arith.constant 0 : index
    %get3A_16 = arith.constant 0 : index
    %get3A_17 = vector.load %arg3[%get3A_14, %get3A_15, %get3A_16] : memref<2x1000x16xf32, #tpu.memory_space<vmem>>, vector<1x1000x16xf32>
    %get3A_18 = vector.shape_cast %get3A_17 : vector<1x1000x16xf32> to vector<1000x16xf32>
    %add3A_19 = arith.addf %get3A_13, %get3A_18 : vector<1000x16xf32>
    %eq3A = arith.constant 0.000000e+00 : f32
    %eq3A_20 = vector.broadcast %eq3A : f32 to vector<1000x16xf32>
    %eq3A_21 = arith.cmpf oeq, %add3A_19, %eq3A_20 : vector<1000x16xf32>
    %jit3A = arith.constant 1.000000e+00 : f32
    %broadcast_in_dim3A = vector.broadcast %jit3A : f32 to vector<1000x16xf32>
    %select_n3A = arith.select %eq3A_21, %broadcast_in_dim3A, %add3A_19 : vector<1000x16xi1>, vector<1000x16xf32>
    %div3A = arith.constant 1.000000e+00 : f32
    %div3A_22 = vector.broadcast %div3A : f32 to vector<1000x16xf32>
    %div3A_23 = arith.divf %div3A_22, %select_n3A : vector<1000x16xf32>
    %get3A_24 = arith.constant 0 : index
    %get3A_25 = arith.constant 0 : index
    %get3A_26 = vector.load %arg5[%get3A_24, %get3A_25] : memref<16x128xf32, #tpu.memory_space<vmem>>, vector<16x128xf32>
    %dot_general3A = arith.constant dense<0.000000e+00> : vector<1000x128xf32>
    %dot_general3A_27 = tpu.matmul %div3A_23, %get3A_26, %dot_general3A {dimension_numbers = #tpu.dot_dimension_numbers<[1], [0], [0], [1], [0, 0, 1, 1], [], []>, transpose_lhs_hint = false} : vector<1000x16xf32>, vector<16x128xf32>, vector<1000x128xf32> -> vector<1000x128xf32>
    %mul3A = arith.mulf %add3A, %dot_general3A_27 : vector<1000x128xf32>
    %get3A_28 = arith.constant 0 : index
    %get3A_29 = arith.constant 0 : index
    %get3A_30 = vector.load %arg4[%get3A_28, %get3A_29] : memref<1x128xf32, #tpu.memory_space<vmem>>, vector<1x128xf32>
    %add3A_31 = vector.broadcast %get3A_30 : vector<1x128xf32> to vector<1000x128xf32>
    %add3A_32 = arith.addf %mul3A, %add3A_31 : vector<1000x128xf32>
    %gt3A = arith.constant 0.000000e+00 : f32
    %gt3A_33 = vector.broadcast %gt3A : f32 to vector<1000x128xf32>
    %gt3A_34 = arith.cmpf ogt, %add3A_32, %gt3A_33 : vector<1000x128xf32>
    %mul3A_35 = arith.constant 0.00999999977 : f32
    %mul3A_36 = vector.broadcast %mul3A_35 : f32 to vector<1000x128xf32>
    %mul3A_37 = arith.mulf %mul3A_36, %add3A_32 : vector<1000x128xf32>
    %select_n3A_38 = arith.select %gt3A_34, %add3A_32, %mul3A_37 : vector<1000x128xi1>, vector<1000x128xf32>
    %get3A_39 = arith.constant 0 : index
    %get3A_40 = arith.constant 0 : index
    %get3A_41 = vector.load %arg1[%get3A_39, %get3A_40] : memref<1000x128xf32, #tpu.memory_space<vmem>>, vector<1000x128xf32>
    %add3A_42 = arith.addf %get3A_41, %select_n3A_38 : vector<1000x128xf32>
    %swap3A = arith.constant 0 : index
    %swap3A_43 = arith.constant 0 : index
    %swap3A_44 = vector.load %arg6[%swap3A, %swap3A_43] : memref<1000x128xf32, #tpu.memory_space<vmem>>, vector<1000x128xf32>
    tpu.vector_store %arg6[%swap3A, %swap3A_43], %add3A_42 {strides = array<i32>} : memref<1000x128xf32, #tpu.memory_space<vmem>>, vector<1000x128xf32>,
    return
  }
  func.func @transform_0(%arg0: i32) -> (i32, i32) {
    %c0_i32 = arith.constant 0 : i32
    %c0_i32_0 = arith.constant 0 : i32
    return %arg0, %c0_i32 : i32, i32
  }
  func.func @transform_1(%arg0: i32) -> (i32, i32, i32) {
    %c0_i32 = arith.constant 0 : i32
    %c0_i32_0 = arith.constant 0 : i32
    %c0_i32_1 = arith.constant 0 : i32
    return %c0_i32, %arg0, %c0_i32_0 : i32, i32, i32
  }
  func.func @transform_2(%arg0: i32) -> (i32, i32, i32) {
    %c0_i32 = arith.constant 0 : i32
    %c0_i32_0 = arith.constant 0 : i32
    %c0_i32_1 = arith.constant 0 : i32
    return %c0_i32, %arg0, %c0_i32_0 : i32, i32, i32
  }
  func.func @transform_3(%arg0: i32) -> (i32, i32) {
    %c0_i32 = arith.constant 0 : i32
    %c0_i32_0 = arith.constant 0 : i32
    %c0_i32_1 = arith.constant 0 : i32
    return %c0_i32, %c0_i32_0 : i32, i32
  }
  func.func @transform_4(%arg0: i32) -> (i32, i32) {
    %c0_i32 = arith.constant 0 : i32
    %c0_i32_0 = arith.constant 0 : i32
    %c0_i32_1 = arith.constant 0 : i32
    return %c0_i32, %c0_i32_0 : i32, i32
  }
  func.func @transform_5(%arg0: i32) -> (i32, i32) {
    %c0_i32 = arith.constant 0 : i32
    %c0_i32_0 = arith.constant 0 : i32
    return %arg0, %c0_i32 : i32, i32
  }
}

</mosaic_0001>

<sc_bundles>
// kernel: kernel.5.cloned.1.call-start
scs
__scs_entry_jumppad:
0x0: {  	(pc) =	sbr.rel $0x88, $3  }
0x1: {  	(tag) =	ssettag $0x0;
	lr =	simm.s32 $0x1  }
0x2: {  	[smem:$0x3F99] =	sst lr;
	_ =	strace $0xD0000000  }
0x3: {  	_ = 	snop  }
0x4: {  	_ = 	snop  }
0x5: {  	_ = 	snop  }
0x6: {  	_ = 	snop  }
0x7: {  	_ = 	snop  }
__scs_overlays_trampoline_lowered:
0x8: {  	[smem:$0x3FA8] =	sst s0  }
0x9: {  	[smem:$0x3FA9] =	sst s1  }
0xa: {  	[smem:$0x3FAA] =	sst s2  }
0xb: {  	[smem:$0x3FAB] =	sst s3  }
0xc: {  	[smem:$0x3FAC] =	sst s4  }
0xd: {  	[smem:$0x3FAD] =	sst s5  }
0xe: {  	[smem:$0x3FAE] =	sst s6  }
0xf: {  	[smem:$0x3FAF] =	sst s7  }
0x10: {  	[smem:$0x3FB0] =	sst s8  }
0x11: {  	[smem:$0x3FB1] =	sst s9;
	s0 =	simm.s32 @!p0 $0x0  }
0x12: {  	s1 =	sld [smem:$0x3F97];
	s0 =	simm.s32 @p0 $0x1  }
0x13: {  	[smem:$0x3FB2] =	sst s0;
	s0 =	simm.s32 @!p1 $0x0  }
0x14: {  	s2 =	sld [smem:$0x3F96];
	s0 =	simm.s32 @p1 $0x1  }
0x15: {  	[smem:$0x3FB3] =	sst s0;
	s0 =	simm.s32 @!p2 $0x0  }
0x16: {  	s3 =	sld [smem:$0x3FDB];
	s0 =	simm.s32 @p2 $0x1  }
0x17: {  	s4 =	simm.s32 $0x1BF5;
	[smem:$0x3FB5] =	sst s0  }
0x18: {  	s0 =	sld [smem:$0x3F98];
	_ =	swait.ge [sflag:s4], $0x0  }
0x19: {  	s7 =	sld [smem:$0x3F99]  }
0x1a: {  	s8 =	sadd.s32 $0xFFFFE003, lr  }
0x1b: {  	s9 =	sadd.s32 $0xFFFFFEF7, lr;
	s5 =	simm.s32 $0xFFFFFFFF;
	p2 =	slt.u32 s8, $0xFFFFF086  }
0x1c: {  	p1 =	slt.u32 s9, $0xF7A;
	s5 =	simm.s32 @!p2 $0x0  }
0x1d: {  	s5 =	simm.s32 @p1 $0x1;
	p0 =	seq.s32 s7, s2  }
0x1e: {  	s7 =	smul.u32 @!p0 $0xF7A, s2;
	p2 =	seq.s32 @!p0 s5, $0x0  }
0x1f: {  	s9 =	smul.u32 $0xF7A, s1;
	s8 =	simm.s32 @!p0 $0x1BF5;
	p2 =	por !p2, p0  }
0x20: {  	[sflag:s8] =	ssyncset.s32 @!p0 $0xFFFFF086;
	s6 =	sadd.s32 @!p0 s3, s7;
	s7 =	simm.s32 @!p0 $0x108  }
0x21: {  	s3 =	sadd.s32 s3, s9;
	s6 =	sadd.s32 @!p0 $0x88, s6;
	s7 =	simm.s32 @p2 $0x1082  }
0x22: {  	[simem:s7], [sflag:s8] =	dma.local @!p0 [hbm:s6], $0xF7A  }
0x23: {  	s9 =	sor.u32 $0xD0000000, s2;
	s6 =	simm.s32 $0x108;
	_ =	swait.ge @!p0 [sflag:s8], $0x0  }
0x24: {  	s3 =	sadd.s32 $0x88, s3;
	s6 =	simm.s32 @!p1 $0x1082;
	[sflag:s4] =	ssyncset.s32 $0xFFFFF086  }
0x25: {  	[simem:s6], [sflag:s4] =	dma.local [hbm:s3], $0xF7A  }
0x26: {  	[smem:$0x3F99] =	sst s1;
	(tag) =	ssettag s2;
	_ =	strace s9  }
0x27: {  	s1 =	sld [smem:$0x3FA9]  }
0x28: {  	s2 =	sld [smem:$0x3FAA]  }
0x29: {  	s4 =	sld [smem:$0x3FAC]  }
0x2a: {  	p0 =	seq.s32 s5, $0x0;
	s5 =	sld [smem:$0x3FAD]  }
0x2b: {  	s6 =	sld [smem:$0x3FAE]  }
0x2c: {  	s7 =	sld [smem:$0x3FAF]  }
0x2d: {  	s3 =	simm.s32 $0x108;
	s8 =	sld [smem:$0x3FB0]  }
0x2e: {  	s3 =	simm.s32 @!p0 $0x1082;
	s9 =	sld [smem:$0x3FB1]  }
0x2f: {  	lr =	sadd.s32 s0, s3;
	s0 =	sld [smem:$0x3FA8]  }
0x30: {  	s3 =	sld [smem:$0x3FAB]  }
0x31: {  	[smem:$0x3FB4] =	sst s10  }
0x32: {  	s10 =	sld [smem:$0x3FB2];
	_ =	sdelay $0x3  }
0x33: {  	p0 =	seq.s32 s10, $0x1;
	s10 =	sld [smem:$0x3FB4];
	_ =	sdelay $0x3  }
0x34: {  	[smem:$0x3FB4] =	sst s10  }
0x35: {  	s10 =	sld [smem:$0x3FB3];
	_ =	sdelay $0x3  }
0x36: {  	p1 =	seq.s32 s10, $0x1;
	s10 =	sld [smem:$0x3FB4];
	_ =	sdelay $0x3  }
0x37: {  	[smem:$0x3FB4] =	sst s10  }
0x38: {  	s10 =	sld [smem:$0x3FB5]  }
0x39: {  	_ = 	snop;
	(pc) =	sbr.ind lr, $3  }
0x3a: {  	_ = 	snop  }
0x3b: {  	_ = 	snop  }
0x3c: {  	p2 =	seq.s32 s10, $0x1;
	s10 =	sld [smem:$0x3FB4]  }
0x3d: {  	_ =	shalt  }
0x3e: {  	_ =	shalt  }
0x3f: {  	_ =	shalt  }
0x40: {  	_ =	shalt  }
0x41: {  	_ =	shalt  }
0x42: {  	_ =	shalt  }
0x43: {  	_ =	shalt  }
0x44: {  	_ =	shalt  }
0x45: {  	_ =	shalt  }
0x46: {  	_ =	shalt  }
0x47: {  	_ =	shalt  }
0x48: {  	_ =	shalt  }
0x49: {  	_ =	shalt  }
0x4a: {  	_ =	shalt  }
0x4b: {  	_ =	shalt  }
0x4c: {  	_ =	shalt  }
0x4d: {  	_ =	shalt  }
0x4e: {  	_ =	shalt  }
0x4f: {  	_ =	shalt  }
0x50: {  	_ =	shalt  }
0x51: {  	_ =	shalt  }
0x52: {  	_ =	shalt  }
0x53: {  	_ =	shalt  }
0x54: {  	_ =	shalt  }
0x55: {  	_ =	shalt  }
0x56: {  	_ =	shalt  }
0x57: {  	_ =	shalt  }
0x58: {  	_ =	shalt  }
0x59: {  	_ =	shalt  }
0x5a: {  	_ =	shalt  }
0x5b: {  	_ =	shalt  }
0x5c: {  	_ =	shalt  }
0x5d: {  	_ =	shalt  }
0x5e: {  	_ =	shalt  }
0x5f: {  	_ =	shalt  }
0x60: {  	_ =	shalt  }
0x61: {  	_ =	shalt  }
0x62: {  	_ =	shalt  }
0x63: {  	_ =	shalt  }
0x64: {  	_ =	shalt  }
0x65: {  	_ =	shalt  }
0x66: {  	_ =	shalt  }
0x67: {  	_ =	shalt  }
0x68: {  	_ =	shalt  }
0x69: {  	_ =	shalt  }
0x6a: {  	_ =	shalt  }
0x6b: {  	_ =	shalt  }
0x6c: {  	_ =	shalt  }
0x6d: {  	_ =	shalt  }
0x6e: {  	_ =	shalt  }
0x6f: {  	_ =	shalt  }
0x70: {  	_ =	shalt  }
0x71: {  	_ =	shalt  }
0x72: {  	_ =	shalt  }
0x73: {  	_ =	shalt  }
0x74: {  	_ =	shalt  }
0x75: {  	_ =	shalt  }
0x76: {  	_ =	shalt  }
0x77: {  	_ =	shalt  }
0x78: {  	_ =	shalt  }
0x79: {  	_ =	shalt  }
0x7a: {  	_ =	shalt  }
0x7b: {  	_ =	shalt  }
0x7c: {  	_ =	shalt  }
0x7d: {  	_ =	shalt  }
0x7e: {  	_ =	shalt  }
0x7f: {  	_ =	shalt  }
0x80: {  	_ =	shalt  }
0x81: {  	_ =	shalt  }
0x82: {  	_ =	shalt  }
0x83: {  	_ =	shalt  }
0x84: {  	_ =	shalt  }
0x85: {  	_ =	shalt  }
0x86: {  	_ =	shalt  }
0x87: {  	_ =	shalt  }
.Lfunc_end0:
.L_simem_size_0:
called_computation_lowered:
.L_overlay_start_0:
0x88: {  	s2 =	sld [smem:$0x3FD9]  }
0x89: {  	s3 =	sld [smem:$0x3FFE];
	_ =	sdelay $0x1  }
0x8a: {  	s1 =	srdreg.scid  }
0x8b: {  	s0 =	sand.u32 $0x1, s1  }
0x8c: {  	s17 =	sshll.u32 s0, $0xA;
	s2 =	sadd.s32 s3, s2  }
0x8d: {  	s2 =	sadd.s32 s2, s17  }
0x8e: {  	[smem:$0x3FC0] =	sst s2  }
0x8f: {  	_ = 	snop  }
0x90: {  	s2 =	sld [smem:$0x3FD0];
	(tm) =	ssettm $0x1  }
0x91: {  	s18 =	sld [smem:$0x3FFB];
	_ =	sdelay $0x3  }
0x92: {  	_ =	strace s18  }
0x93: {  	s3 =	sld [smem:$0x3FFC];
	_ =	sdelay $0x3  }
0x94: {  	_ =	strace s3  }
0x95: {  	s3 =	sld [smem:$0x3FFD];
	_ =	sdelay $0x3  }
0x96: {  	_ =	strace s3  }
0x97: {  	_ =	strace $0x8FFFFFFF  }
0x98: {  	s19 =	sld [smem:$0x3FDB];
	_ =	sdelay $0x1  }
0x99: {  	s4 =	simm.s32 $_scs_section_size  }
0x9a: {  	s5 =	simm.s32 $_size__tile_overlayer_lowered;
	s6 =	simm.s32 $_tile_overlayer_lowered  }
0x9b: {  	s22 =	simm.s32 $0x1BFF;
	s21 =	sshll.u32 s6, $0x1;
	s3 =	sadd.s32 s4, s19  }
0x9c: {  	s7 =	simm.s32 $0x0;
	s20 =	sshll.u32 s5, $0x1;
	s5 =	sadd.s32 s21, s3  }
0x9d: {  	[timem:s7], [sflag:s22] =	dma.local [hbm:s5], s20  }
0x9e: {  	_ =	swait.ge [sflag:s22], s20  }
0x9f: {  	s4 =	ssub.s32 $0x0, s20;
	[sflag:s22] =	ssyncset.done $0x0  }
0xa0: {  	[sflag:s22] =	ssyncadd.s32 s4;
	_ =	sdelay $0x1  }
0xa1: {  	s23 =	simm.s32 $0x1B8B  }
0xa2: {  	_ =	swait.ge [sflag:s23], $0x1  }
0xa3: {  	[sflag:s23] =	ssyncset.done $0x0  }
0xa4: {  	s25 =	simm.s32 $0x1B8E;
	s24 =	sld [smem:$0x3FFE];
	[sflag:s23] =	ssyncadd.s32 $0xFFFFFFFF  }
0xa5: {  	s26 =	simm.s32 $execute0_lowered;
	[smem:$0x3FD2] =	sst s25  }
0xa6: {  	s5 =	sshll.u32 s26, $0x1;
	_ =	strace $0x80000046;
	[dreg:$0x1] =	wrdreg $0xFFFFFFFF  }
0xa7: {  	s28 =	simm.s32 $_size_execute0_lowered;
	s3 =	sadd.s32 s3, s5;
	[dreg:$0x0] =	wrdreg $0x0  }
0xa8: {  	s5 =	sshll.u32 s28, $0x1;
	[dreg:$0x2] =	wrdreg s3  }
0xa9: {  	[dreg:$0x3] =	wrdreg s5  }
0xaa: {  	[dreg:$0x4] =	wrdreg $0xC0  }
0xab: {  	_ =	task [dreg:s7], $0x5FFFF  }
0xac: {  	[dreg:$0x1] =	wrdreg $0xFFFFFFFF  }
0xad: {  	[dreg:$0x0] =	wrdreg $0x60  }
0xae: {  	[dreg:$0x2] =	wrdreg s24  }
0xaf: {  	[dreg:$0x3] =	wrdreg s2  }
0xb0: {  	[dreg:$0x4] =	wrdreg $0x5BC00  }
0xb1: {  	[dreg:$0x5] =	wrdreg $0x1BF400  }
0xb2: {  	[dreg:$0x6] =	wrdreg $0x9  }
0xb3: {  	_ =	task.clear_ibuf [dreg:s7], $0x7FFFF;
	_ =	strace $0x90000046  }
0xb4: {  	s29 =	simm.s32 $0x9;
	_ =	strace $0x80000048  }
0xb5: {  	_ =	swait.ge [sflag:s29], $0x1  }
0xb6: {  	[sflag:s29] =	ssyncadd.s32 $0xFFFFFFFF  }
0xb7: {  	_ =	strace $0x90000048  }
0xb8: {  	_ =	sfence  }
0xb9: {  	s30 =	sld [smem:$0x0];
	_ =	sdelay $0x2  }
0xba: {  	s31 =	sshll.u32 s1, $0xD;
	s1 =	sshrl.u32 s1, $0x2  }
0xbb: {  	s3 =	sand.u32 $0x4000, s31;
	s1 =	sadd.s32 s1, s30  }
0xbc: {  	s0 =	sor.u32 s3, s0;
	s1 =	sshll.u32 s1, $0x11  }
0xbd: {  	s0 =	sor.u32 s1, s0  }
0xbe: {  	s0 =	sadd.s32 $0x8F2B, s0  }
0xbf: {  	[sflag:s0] =	ssyncadd.remote.s32 $0x1  }
0xc0: {  	_ =	sfence.sel $0xFFFF  }
0xc1: {  	[dreg:$0x0] =	wrdreg $0xFFFFFFFF;
	(pc) =	sbr.abs _section_cstart, $3  }
0xc2: {  	[dreg:$0x1] =	wrdreg $0xFFFFFFFF  }
0xc3: {  	_ =	task.clear_ibuf [dreg:s7], $0x2FFFF;
	_ =	strace $0x9FFFFFFF  }
0xc4: {  	(tm) =	ssettm $0x7FFFFFFF  }
0xc5: {  	_ =	shalt  }
tec
execute0_lowered:
.L_overlay_start_1:
0x0: {  	(tag) =	ssettag $0x1  }
0x1: {  	s8 =	rddreg [dreg:$0x0]  }
0x2: {  	s2 =	rddreg [dreg:$0x1]  }
0x3: {  	s3 =	rddreg [dreg:$0x2];
	s11 =	stileid.u32  }
0x4: {  	s0 =	srdreg.scid;
	s1 =	smul.u32 $0x2C70, s11  }
0x5: {  	s0 =	sand.u32 $0x1, s0;
	s12 =	smul.u32 $0x58E00, s11;
	s10 =	sshll.u32 s11, $0x1  }
0x6: {  	s5 =	smul.u32 $0x2C700, s0;
	s13 =	ssub.s32 $0x2, s0;
	s0 =	sor.u32 s0, s10  }
0x7: {  	s4 =	rddreg [dreg:$0x3];
	s6 =	simm.s32 $0x0;
	s10 =	smul.u32 $0xD4, s0  }
0x8: {  	[smem:$0x7FF] =	sst s6;
	s9 =	sadd.s32 $0x18A00, s8;
	s0 =	smul.u32 $0x9F0, s0  }
0x9: {  	_ =	strace $0x80000047;
	[dreg:$0x5] =	wrdreg s9  }
0xa: {  	s1 =	sadd.s32 s1, s5;
	s5 =	sshrl.u32 s12, $0x2;
	s0 =	sadd.s32 s2, s0  }
0xb: {  	s5 =	sadd.s32 s5, s3;
	[dreg:$0x13] =	wrdreg s0  }
0xc: {  	s15 =	sadd.s32 $0x1B00, s5;
	[dreg:$0x6] =	wrdreg s5  }
0xd: {  	s16 =	sadd.s32 $0x3600, s5;
	[dreg:$0x7] =	wrdreg s15  }
0xe: {  	s17 =	sadd.s32 $0x5100, s5;
	[dreg:$0x8] =	wrdreg s16  }
0xf: {  	s18 =	sadd.s32 $0x6C00, s5;
	[dreg:$0x9] =	wrdreg s17  }
0x10: {  	s19 =	sadd.s32 $0x8700, s5;
	[dreg:$0xa] =	wrdreg s18  }
0x11: {  	s20 =	sadd.s32 $0xA200, s5;
	[dreg:$0xb] =	wrdreg s19  }
0x12: {  	s21 =	sadd.s32 $0xBD00, s5;
	[dreg:$0xc] =	wrdreg s20  }
0x13: {  	s22 =	sadd.s32 $0xD800, s5;
	[dreg:$0xd] =	wrdreg s21  }
0x14: {  	s23 =	sadd.s32 $0xF300, s5;
	[dreg:$0xe] =	wrdreg s22  }
0x15: {  	s7 =	sadd.s32 $0x5000, s8;
	s24 =	sadd.s32 $0x10E00, s5;
	[dreg:$0xf] =	wrdreg s23  }
0x16: {  	s14 =	sshrl.u32 s13, $0x1;
	s25 =	sadd.s32 $0x12900, s5;
	[dreg:$0x10] =	wrdreg s24  }
0x17: {  	s1 =	sadd.s32 s1, s8;
	s26 =	sadd.s32 $0x14400, s5;
	[dreg:$0x11] =	wrdreg s25  }
0x18: {  	s8 =	ssub.s32 s13, s14;
	s1 =	sadd.s32 $0x18C00, s1;
	[dreg:$0x12] =	wrdreg s26  }
0x19: {  	s30 =	simm.s32 $0xB;
	s28 =	smax.u32 s8, $0x1;
	[dreg:$0x14] =	wrdreg s1  }
0x1a: {  	s31 =	simm.s32 $0x30;
	s29 =	sadd.s32 $0x15F00, s5;
	[dreg:$0x15] =	wrdreg s28  }
0x1b: {  	p0 =	sne.s32 s11, $0x0;
	s0 =	sadd.s32 $0xC, s0;
	[dreg:$0x16] =	wrdreg s29  }
0x1c: {  	v0 =	vlaneseq.u32;
	v1 =	vimm.f32 $0.0e+00;
	vm0 =	vmmov $0xff;
	[dreg:$0x17] =	wrdreg s0;
	s15 =	simm.s32 $0x3;
	s16 =	simm.s32 $0x5  }
0x1d: {  	v16 =	vimm.s32 $0x0;
	v14 =	vimm.s32 $0x1;
	v18 =	vimm.s32 $0x2;
	s17 =	simm.s32 $0x7;
	s18 =	simm.s32 $0x9;
	s19 =	simm.s32 $0x1  }
0x1e: {  	v15 =	vimm.s32 $0x3;
	v19 =	vimm.s32 $0x4;
	v0 =	vor.u32 $0x8, v0;
	s20 =	simm.s32 $0x4;
	s21 =	simm.s32 $0x6;
	s22 =	simm.s32 $0x8  }
0x1f: {  	v8 =	vimm.s32 $0x5;
	v9 =	vimm.s32 $0x6;
	v10 =	vimm.s32 $0x7;
	[tilespmem:$0x1FFF0] =	vst v0;
	s24 =	simm.s32 $0xA;
	s25 =	simm.s32 $0x2;
	s1 =	simm.s32 $0x0  }
.LBB2_1:
0x20: {  	[dreg:$0x18] =	wrdreg s1;
	s0 =	simm.s32 $0x0;
	s1 =	simm.s32 $0x240  }
.LBB2_2:
0x21: {  	p1 =	sne.s32 s1, $0x69C0;
	[tilespmem:s0+$0x4140] =	vst v1  }
0x22: {  	[tilespmem:s0+$0x25C0] =	vst v1  }
0x23: {  	[tilespmem:s0+$0x40C0] =	vst v1  }
0x24: {  	[tilespmem:s0+$0x25D0] =	vst v1  }
0x25: {  	[tilespmem:s0+$0x40D0] =	vst v1  }
0x26: {  	[tilespmem:s0+$0x25E0] =	vst v1  }
0x27: {  	[tilespmem:s0+$0x40E0] =	vst v1  }
0x28: {  	[tilespmem:s0+$0x25F0] =	vst v1  }
0x29: {  	[tilespmem:s0+$0x40F0] =	vst v1  }
0x2a: {  	[tilespmem:s0+$0x2600] =	vst v1  }
0x2b: {  	[tilespmem:s0+$0x4100] =	vst v1  }
0x2c: {  	[tilespmem:s0+$0x2610] =	vst v1  }
0x2d: {  	[tilespmem:s0+$0x4110] =	vst v1  }
.Ltmp0:
0x2e: {  	[tilespmem:s0+$0x2620] =	vst v1;
	(pc) =	sbr.rel @p1 .LBB2_2-.Ltmp0, $4  }
0x2f: {  	[tilespmem:s0+$0x4120] =	vst v1  }
0x30: {  	[tilespmem:s0+$0x2630] =	vst v1  }
0x31: {  	[tilespmem:s0+$0x4130] =	vst v1  }
0x32: {  	[tilespmem:s0+$0x2640] =	vst v1;
	s0 =	sshra.s32 s1, $0x2;
	s1 =	sadd.s32 $0x240, s1  }
0x33: {  	[tilespmem:s0+$0x4140] =	vst v1  }
0x34: {  	[tilespmem:s0+$0x25C0] =	vst v1  }
0x35: {  	[tilespmem:s0+$0x40C0] =	vst v1  }
0x36: {  	[tilespmem:s0+$0x25D0] =	vst v1  }
0x37: {  	[tilespmem:s0+$0x40D0] =	vst v1  }
0x38: {  	[tilespmem:s0+$0x25E0] =	vst v1  }
0x39: {  	[tilespmem:s0+$0x40E0] =	vst v1  }
0x3a: {  	[tilespmem:s0+$0x25F0] =	vst v1  }
0x3b: {  	[tilespmem:s0+$0x40F0] =	vst v1  }
0x3c: {  	[tilespmem:s0+$0x2600] =	vst v1  }
0x3d: {  	[tilespmem:s0+$0x4100] =	vst v1  }
0x3e: {  	[tilespmem:s0+$0x2610] =	vst v1  }
0x3f: {  	[tilespmem:s0+$0x4110] =	vst v1  }
0x40: {  	[tilespmem:s0+$0x2620] =	vst v1  }
0x41: {  	[tilespmem:s0+$0x4120] =	vst v1  }
0x42: {  	[tilespmem:s0+$0x2630] =	vst v1  }
0x43: {  	[tilespmem:s0+$0x4130] =	vst v1  }
0x44: {  	[tilespmem:s0+$0x2640] =	vst v1;
	s8 =	simm.s32 $0x25C0  }
0x45: {  	[spmem:s5] =	stream.linear.scatter [tilespmem:s8], [sflag:$0xB], $0x1B00, $0x38;
	[tilespmem:$0x1E6C0] =	vst v63  }
0x46: {  	_ =	swait.ge [sflag:s30], $0x1B00  }
0x47: {  	[sflag:s30] =	ssyncset.done $0x0  }
0x48: {  	s11 =	rddreg [dreg:$0x7];
	[sflag:s30] =	ssyncadd.s32 $0xFFFFE500  }
0x49: {  	[spmem:s11] =	stream.linear.scatter [tilespmem:s8], [sflag:$0xB], $0x1B00, $0x38;
	[tilespmem:$0x1E6C0] =	vst v63  }
0x4a: {  	_ =	swait.ge [sflag:s30], $0x1B00  }
0x4b: {  	[sflag:s30] =	ssyncset.done $0x0  }
0x4c: {  	s12 =	rddreg [dreg:$0x8];
	[sflag:s30] =	ssyncadd.s32 $0xFFFFE500  }
0x4d: {  	[spmem:s12] =	stream.linear.scatter [tilespmem:s8], [sflag:$0xB], $0x1B00, $0x38;
	[tilespmem:$0x1E6C0] =	vst v63  }
0x4e: {  	_ =	swait.ge [sflag:s30], $0x1B00  }
0x4f: {  	[sflag:s30] =	ssyncset.done $0x0  }
0x50: {  	s13 =	rddreg [dreg:$0x9];
	[sflag:s30] =	ssyncadd.s32 $0xFFFFE500  }
0x51: {  	[spmem:s13] =	stream.linear.scatter [tilespmem:s8], [sflag:$0xB], $0x1B00, $0x38;
	[tilespmem:$0x1E6C0] =	vst v63  }
0x52: {  	_ =	swait.ge [sflag:s30], $0x1B00  }
0x53: {  	[sflag:s30] =	ssyncset.done $0x0  }
0x54: {  	s14 =	rddreg [dreg:$0xa];
	[sflag:s30] =	ssyncadd.s32 $0xFFFFE500  }
0x55: {  	[spmem:s14] =	stream.linear.scatter [tilespmem:s8], [sflag:$0xB], $0x1B00, $0x38;
	[tilespmem:$0x1E6C0] =	vst v63  }
0x56: {  	_ =	swait.ge [sflag:s30], $0x1B00  }
0x57: {  	[sflag:s30] =	ssyncset.done $0x0  }
0x58: {  	s23 =	rddreg [dreg:$0xb];
	[sflag:s30] =	ssyncadd.s32 $0xFFFFE500  }
0x59: {  	[spmem:s23] =	stream.linear.scatter [tilespmem:s8], [sflag:$0xB], $0x1B00, $0x38;
	[tilespmem:$0x1E6C0] =	vst v63  }
0x5a: {  	_ =	swait.ge [sflag:s30], $0x1B00  }
0x5b: {  	[sflag:s30] =	ssyncset.done $0x0  }
0x5c: {  	s26 =	rddreg [dreg:$0xc];
	[sflag:s30] =	ssyncadd.s32 $0xFFFFE500  }
0x5d: {  	[spmem:s26] =	stream.linear.scatter [tilespmem:s8], [sflag:$0xB], $0x1B00, $0x38;
	[tilespmem:$0x1E6C0] =	vst v63  }
0x5e: {  	_ =	swait.ge [sflag:s30], $0x1B00  }
0x5f: {  	[sflag:s30] =	ssyncset.done $0x0  }
0x60: {  	s29 =	rddreg [dreg:$0xd];
	[sflag:s30] =	ssyncadd.s32 $0xFFFFE500  }
0x61: {  	[spmem:s29] =	stream.linear.scatter [tilespmem:s8], [sflag:$0xB], $0x1B00, $0x38;
	[tilespmem:$0x1E6C0] =	vst v63  }
0x62: {  	_ =	swait.ge [sflag:s30], $0x1B00  }
0x63: {  	[sflag:s30] =	ssyncset.done $0x0  }
0x64: {  	s1 =	rddreg [dreg:$0xe];
	[sflag:s30] =	ssyncadd.s32 $0xFFFFE500  }
0x65: {  	[spmem:s1] =	stream.linear.scatter [tilespmem:s8], [sflag:$0xB], $0x1B00, $0x38;
	[tilespmem:$0x1E6C0] =	vst v63  }
0x66: {  	_ =	swait.ge [sflag:s30], $0x1B00  }
0x67: {  	[sflag:s30] =	ssyncset.done $0x0  }
0x68: {  	s5 =	rddreg [dreg:$0xf];
	[sflag:s30] =	ssyncadd.s32 $0xFFFFE500  }
0x69: {  	[spmem:s5] =	stream.linear.scatter [tilespmem:s8], [sflag:$0xB], $0x1B00, $0x38;
	[tilespmem:$0x1E6C0] =	vst v63  }
0x6a: {  	_ =	swait.ge [sflag:s30], $0x1B00  }
0x6b: {  	[sflag:s30] =	ssyncset.done $0x0  }
0x6c: {  	s9 =	rddreg [dreg:$0x10];
	[sflag:s30] =	ssyncadd.s32 $0xFFFFE500  }
0x6d: {  	[spmem:s9] =	stream.linear.scatter [tilespmem:s8], [sflag:$0xB], $0x1B00, $0x38;
	[tilespmem:$0x1E6C0] =	vst v63  }
0x6e: {  	_ =	swait.ge [sflag:s30], $0x1B00  }
0x6f: {  	[sflag:s30] =	ssyncset.done $0x0  }
0x70: {  	s11 =	rddreg [dreg:$0x11];
	[sflag:s30] =	ssyncadd.s32 $0xFFFFE500  }
0x71: {  	[spmem:s11] =	stream.linear.scatter [tilespmem:s8], [sflag:$0xB], $0x1B00, $0x38;
	[tilespmem:$0x1E6C0] =	vst v63  }
0x72: {  	_ =	swait.ge [sflag:s30], $0x1B00  }
0x73: {  	[sflag:s30] =	ssyncset.done $0x0  }
0x74: {  	s12 =	rddreg [dreg:$0x12];
	[sflag:s30] =	ssyncadd.s32 $0xFFFFE500  }
0x75: {  	[spmem:s12] =	stream.linear.scatter [tilespmem:s8], [sflag:$0xB], $0x1B00, $0x38;
	[tilespmem:$0x1E6C0] =	vst v63  }
0x76: {  	_ =	swait.ge [sflag:s30], $0x1B00  }
0x77: {  	[sflag:s30] =	ssyncset.done $0x0  }
0x78: {  	s13 =	rddreg [dreg:$0x16];
	[sflag:s30] =	ssyncadd.s32 $0xFFFFE500  }
0x79: {  	[spmem:s13] =	stream.linear.scatter [tilespmem:s8], [sflag:$0xB], $0x480, $0x38;
	[tilespmem:$0x1E6C0] =	vst v63  }
0x7a: {  	_ =	swait.ge [sflag:s30], $0x480  }
0x7b: {  	[sflag:s30] =	ssyncset.done $0x0  }
0x7c: {  	v0 =	vimm.s32 $0x2710;
	[sflag:s30] =	ssyncadd.s32 $0xFFFFFB80  }
0x7d: {  	[tilespmem:$0x180] =	vst v0  }
0x7e: {  	[tilespmem:$0x190] =	vst v0  }
0x7f: {  	s0 =	sshrl.u32 @!p0 s4, $0x3;
	s1 =	simm.s32 @!p0 $0x1C0B;
	[tilespmem:$0x1A0] =	vst v0;
	s5 =	rddreg [dreg:$0x0]  }
0x80: {  	[spmem:s0], [sflag:s1] =	dma.local @!p0 [hbm:s5], $0x4F00  }
0x81: {  	s0 =	simm.s32 @!p0 $0xB  }
0x82: {  	_ =	swait.ge @!p0 [sflag:s0], $0x4F00  }
0x83: {  	[sflag:s0] =	ssyncset.done @!p0 $0x0  }
0x84: {  	[sflag:s0] =	ssyncadd.s32 @!p0 $0xFFFFB100  }
0x85: {  	[bflag:$0x0] =	sbarrier.arrive $0xFFFF  }
0x86: {  	s28 =	simm.s32 $0x0;
	s23 =	simm.s32 $0x1B0;
	s14 =	rddreg [dreg:$0x5]  }
0x87: {  	[tilespmem:s23], [sflag:$0xB] =	stream.linear.gather [hbm4b:s14+s28], $0x10, $0x38;
	[tilespmem:$0x1E6C0] =	vst v63  }
0x88: {  	_ =	swait.ge [sflag:s30], $0x10  }
0x89: {  	[sflag:s30] =	ssyncset.done $0x0  }
0x8a: {  	s26 =	rddreg [dreg:$0x13];
	[sflag:s30] =	ssyncadd.s32 $0xFFFFFFF0  }
0x8b: {  	v62 =	vld [tilespmem:$0x1B0];
	[tilespmem:s28], [sflag:$0xB] =	stream.linear.gather [hbm4b:s26+s28], $0x60, $0x38  }
0x8c: {  	_ =	swait.ge [sflag:s30], $0x60  }
0x8d: {  	[sflag:s30] =	ssyncset.done $0x0  }
0x8e: {  	s1 =	simm.s32 $0x60;
	s29 =	rddreg [dreg:$0x17];
	[sflag:s30] =	ssyncadd.s32 $0xFFFFFFA0  }
0x8f: {  	[tilespmem:s1], [sflag:$0xB] =	stream.linear.gather [hbm4b:s29+s28], $0x60, $0x38;
	[tilespmem:$0x1E6C0] =	vst v63  }
0x90: {  	_ =	swait.ge [sflag:s30], $0x60  }
0x91: {  	[sflag:s30] =	ssyncset.done $0x0  }
0x92: {  	s5 =	simm.s32 $0x180;
	[sflag:s30] =	ssyncadd.s32 $0xFFFFFFA0  }
0x93: {  	v63 =	vld [tilespmem:$0x1FFF0];
	[spmem:s3] =	stream.indirect.scatter.add.f32 [tilespmem:s8], [sflag:$0x9], $0x90, s5, s31, $0xb8  }
0x94: {  	s9 =	simm.s32 $0x40C0  }
0x95: {  	[spmem:s3] =	stream.indirect.scatter.add.f32 [tilespmem:s9], [sflag:$0xA], $0x90, s5, s31, $0xb8;
	[tilespmem:$0x1E6C0] =	vst v63  }
0x96: {  	s11 =	simm.s32 $0x1C0  }
0x97: {  	[tilespmem:s11], [sflag:$0x3] =	stream.indirect.gather [spmem:s4], $0x10, s28, s31, $0xb8;
	[tilespmem:$0x1E6C0] =	vst v63  }
0x98: {  	s12 =	simm.s32 $0x7C0;
	v1 =	vperm.xlane v62, v63  }
0x99: {  	[tilespmem:s12], [sflag:$0x5] =	stream.indirect.gather [spmem:s4], $0x10, s31, s31, $0xb8;
	[tilespmem:$0x1E6C0] =	vst v63  }
0x9a: {  	s13 =	simm.s32 $0xDC0;
	v0 =	vadd.f32 v1, v62  }
0x9b: {  	[tilespmem:s13], [sflag:$0x7] =	stream.indirect.gather [hbm4b:s7+s31], $0x40, s28, s31, $0xb8;
	[tilespmem:$0x1E6C0] =	vst v63  }
0x9c: {  	s14 =	simm.s32 $0x4C0;
	v1 =	vmul.f32 $2.000000030e-01, v0  }
0x9d: {  	vm1 =	vgt.f32 v0, $0.0e+00;
	[tilespmem:s14], [sflag:$0x4] =	stream.indirect.gather [spmem:s4], $0x10, s1, s31, $0xb8;
	[tilespmem:$0x1E6C0] =	vst v63  }
0x9e: {  	s23 =	simm.s32 $0x90;
	s26 =	simm.s32 $0xAC0;
	v0 =	vsel vm1, v0, v1  }
0x9f: {  	v20 =	vnsel vm0, $0x7149F2CA, v0;
	[tilespmem:s26], [sflag:$0x6] =	stream.indirect.gather [spmem:s4], $0x10, s23, s31, $0xb8;
	[tilespmem:$0x1E6C0] =	vst v63  }
0xa0: {  	s29 =	simm.s32 $0x19C0;
	[tilespmem:$0x1FFE0] =	vst v20  }
0xa1: {  	[tilespmem:s29], [sflag:$0x8] =	stream.indirect.gather [hbm4b:s7+s31], $0x40, s1, s31, $0xb8;
	[tilespmem:$0x1E6C0] =	vst v63  }
.LBB2_4:
0xa2: {  	_ =	swait.ge [sflag:s15], $0x300  }
0xa3: {  	[sflag:s15] =	ssyncset.done $0x0  }
0xa4: {  	[sflag:s15] =	ssyncadd.s32 $0xFFFFFD00  }
0xa5: {  	_ =	swait.ge [sflag:s16], $0x300  }
0xa6: {  	[sflag:s16] =	ssyncset.done $0x0  }
0xa7: {  	s23 =	sshll.u32 s28, $0x1;
	[sflag:s16] =	ssyncadd.s32 $0xFFFFFD00  }
0xa8: {  	s0 =	sadd.s32 s10, s23;
	_ =	swait.ge [sflag:s17], $0xC00  }
0xa9: {  	s9 =	sand.u32 $0x2, s23;
	s0 =	smul.u32 $0x60, s0;
	[sflag:s17] =	ssyncset.done $0x0  }
0xaa: {  	s1 =	sxor.u32 $0x2, s9;
	[sflag:s17] =	ssyncadd.s32 $0xFFFFF400  }
0xab: {  	s1 =	smul.u32 $0x180, s1;
	s0 =	sshrl.u32 s0, $0x3;
	_ =	swait.ge [sflag:s18], $0x1B00  }
0xac: {  	s11 =	simm.s32 $0x7E0;
	s5 =	sadd.s32 s2, s0;
	[sflag:s18] =	ssyncset.done $0x0  }
0xad: {  	s0 =	sshrl.u32 s1, $0x2;
	s8 =	sadd.s32 $0x18, s5;
	[sflag:s18] =	ssyncadd.s32 $0xFFFFE500  }
0xae: {  	v17 =	vld [tilespmem:$0x1FFF0];
	[tilespmem:s0], [sflag:$0x1] =	stream.linear.gather [hbm4b:s8+s6], $0x60, $0x38  }
0xaf: {  	s12 =	simm.s32 $0x1E0;
	v0 =	vld [tilespmem:s11+$0xFFFFFFF0]  }
0xb0: {  	v1 =	vld [tilespmem:s12+$0x10]  }
0xb1: {  	v2 =	vld [tilespmem:s12+$0xFFFFFFF0]  }
0xb2: {  	v3 =	vld [tilespmem:s11+$0xFFFFFFE0]  }
0xb3: {  	v4 =	vld [tilespmem:s11+$0x10]  }
0xb4: {  	v5 =	vld [tilespmem:s12+$0xFFFFFFE0]  }
0xb5: {  	v6 =	vld [tilespmem:s11+$0x0];
	_ =	sdelay $0x1  }
0xb6: {  	v7 =	vld [tilespmem:s12+$0x0];
	v0 =	vperm.xlane v0, v17;
	v3 =	vperm.xlane v3, v17  }
0xb7: {  	v4 =	vperm.xlane v4, v17  }
0xb8: {  	v0 =	vadd.f32 v0, v2;
	v2 =	vadd.f32 v3, v5  }
0xb9: {  	v3 =	vperm.xlane v6, v17;
	v1 =	vadd.f32 v4, v1  }
0xba: {  	vm1 =	vgt.f32 v0, $0.0e+00;
	v4 =	vmul.f32 $2.000000030e-01, v2  }
0xbb: {  	vm2 =	vgt.f32 v2, $0.0e+00;
	v5 =	vmul.f32 $2.000000030e-01, v1;
	v3 =	vadd.f32 v3, v7  }
0xbc: {  	v6 =	vmul.f32 $2.000000030e-01, v0;
	vm3 =	vgt.f32 v1, $0.0e+00;
	v2 =	vsel vm2, v2, v4  }
0xbd: {  	v1 =	vsel vm3, v1, v5;
	v4 =	vmul.f32 $2.000000030e-01, v3;
	v2 =	vsub.f32 v2, v20  }
0xbe: {  	v0 =	vsel vm1, v0, v6;
	vm1 =	vgt.f32 v3, $0.0e+00;
	v1 =	vsub.f32 v1, v20  }
0xbf: {  	v0 =	vsub.f32 v0, v20;
	v3 =	vsel vm1, v3, v4;
	v2 =	vmul.f32 $1.442695020e+00, v2  }
0xc0: {  	v1 =	vmul.f32 $1.442695020e+00, v1;
	v3 =	vsub.f32 v3, v20  }
0xc1: {  	v0 =	vmul.f32 $1.442695020e+00, v0;
	(erf) = vpow2.f32 v2  }
0xc2: {  	(erf) = vpow2.f32 v1;
	v1 =	vmul.f32 $1.442695020e+00, v3  }
0xc3: {  	(erf) = vpow2.f32 v0  }
0xc4: {  	(erf) = vpow2.f32 v1;
	_ =	sdelay $0x5  }
0xc5: {  	v35 =	vpop (erf)  }
0xc6: {  	s8 =	simm.s32 $0x26E0;
	v0 =	vpop (erf);
	v1 =	vperm.xlane v35, v10  }
0xc7: {  	[tilespmem:s8+$0xFFFFFF60] =	vst v35;
	v44 =	vpop (erf)  }
0xc8: {  	v38 =	vpop (erf);
	[tilespmem:$0x1FF20] =	vst v1;
	v1 =	vperm.xlane v0, v10  }
0xc9: {  	s1 =	simm.s32 $0xE40;
	[tilespmem:s8+$0x80] =	vst v38  }
0xca: {  	v2 =	vld [tilespmem:s1+$0xFFFFFF80];
	[tilespmem:$0x1FF30] =	vst v1;
	v1 =	vperm.xlane v0, v9;
	_ =	sdelay $0x1  }
0xcb: {  	v3 =	vld [tilespmem:s1+$0x0];
	[tilespmem:$0x1FF40] =	vst v1;
	v1 =	vperm.xlane v44, v9  }
0xcc: {  	s13 =	simm.s32 $0x820  }
0xcd: {  	v5 =	vld [tilespmem:s13+$0xFFFFFFE0];
	[tilespmem:$0x1FF50] =	vst v1;
	v1 =	vperm.xlane v44, v8  }
0xce: {  	s11 =	simm.s32 $0x220  }
0xcf: {  	v7 =	vld [tilespmem:s11+$0xFFFFFFE0];
	[tilespmem:$0x1FF60] =	vst v1;
	v1 =	vperm.xlane v44, v18;
	_ =	sdelay $0x1  }
0xd0: {  	[tilespmem:$0x1FFD0] =	vst v1;
	v1 =	vperm.xlane v44, v10  }
0xd1: {  	v50 =	vperm.xlane v0, v8;
	v8 =	vld [tilespmem:s13+$0x10]  }
0xd2: {  	[tilespmem:$0x1FF70] =	vst v1  }
0xd3: {  	v22 =	vperm.xlane v35, v9;
	v13 =	vld [tilespmem:s11+$0x10]  }
0xd4: {  	v6 =	vperm.xlane v35, v14;
	v5 =	vperm.xlane v5, v17  }
0xd5: {  	v4 =	vperm.xlane v35, v16;
	v11 =	vunpack.i.u.bf16.f32 v2;
	v2 =	vunpack.i.l.bf16.f32 v2;
	v9 =	vld [tilespmem:s13+$0xFFFFFFF0]  }
0xd6: {  	v6 =	vmul.f32 v6, v11;
	v5 =	vadd.f32 v5, v7;
	v11 =	vld [tilespmem:s11+$0xFFFFFFF0];
	v8 =	vperm.xlane v8, v17  }
0xd7: {  	v2 =	vmul.f32 v4, v2;
	v4 =	vld [tilespmem:s13+$0x0]  }
0xd8: {  	v41 =	vperm.xlane v35, v15;
	v8 =	vadd.f32 v8, v13;
	v13 =	vmul.f32 $2.000000030e-01, v5  }
0xd9: {  	v48 =	vperm.xlane v44, v14;
	v28 =	vperm.xlane v44, v19;
	v19 =	vld [tilespmem:s11+$0x0];
	vm1 =	vgt.f32 v5, $0.0e+00  }
0xda: {  	v15 =	vunpack.i.u.bf16.f32 v3;
	v9 =	vperm.xlane v9, v17;
	v5 =	vsel vm1, v5, v13  }
0xdb: {  	v3 =	vunpack.i.l.bf16.f32 v3;
	v10 =	vperm.xlane v0, v14;
	v5 =	vsub.f32 v5, v20  }
0xdc: {  	v7 =	vperm.xlane v38, v16;
	v4 =	vperm.xlane v4, v17;
	v9 =	vadd.f32 v9, v11  }
0xdd: {  	v1 =	vimm.s32 $0x1;
	v11 =	vmul.f32 $2.000000030e-01, v8;
	v5 =	vmul.f32 $1.442695020e+00, v5  }
0xde: {  	vm1 =	vgt.f32 v8, $0.0e+00;
	v4 =	vadd.f32 v4, v19;
	v13 =	vmul.f32 $2.000000030e-01, v9  }
0xdf: {  	vm2 =	vgt.f32 v9, $0.0e+00;
	v8 =	vsel vm1, v8, v11;
	(erf) = vpow2.f32 v5  }
0xe0: {  	v14 =	vperm.xlane v38, v1;
	v8 =	vsub.f32 v8, v20;
	v9 =	vsel vm2, v9, v13  }
0xe1: {  	v3 =	vmul.f32 v7, v3;
	v7 =	vmul.f32 $2.000000030e-01, v4;
	v9 =	vsub.f32 v9, v20  }
0xe2: {  	vm1 =	vgt.f32 v4, $0.0e+00;
	v8 =	vmul.f32 $1.442695020e+00, v8  }
0xe3: {  	v14 =	vmul.f32 v14, v15;
	[tilespmem:s8+$0x0] =	vst v3;
	v3 =	vsel vm1, v4, v7;
	v7 =	vmul.f32 $1.442695020e+00, v9  }
0xe4: {  	v46 =	vperm.xlane v35, v18;
	[tilespmem:s8+$0xFFFFFFF0] =	vst v44;
	(erf) = vpow2.f32 v8  }
0xe5: {  	v21 =	vimm.s32 $0x4;
	v12 =	vperm.xlane v0, v16;
	[tilespmem:s8+$0x10] =	vst v14;
	v5 =	vld [tilespmem:s1+$0xFFFFFFC0];
	(erf) = vpow2.f32 v7  }
0xe6: {  	v1 =	vimm.s32 $0x3;
	v19 =	vperm.xlane v0, v21;
	v4 =	vld [tilespmem:s1+$0x10];
	v3 =	vsub.f32 v3, v20  }
0xe7: {  	v52 =	vimm.s32 $0x5;
	[tilespmem:s8+$0x110] =	vst v0;
	v8 =	vperm.xlane v38, v1;
	v9 =	vperm.xlane v0, v18  }
0xe8: {  	v45 =	vimm.s32 $0x6;
	v13 =	vld [tilespmem:s1+$0x40];
	v3 =	vmul.f32 $1.442695020e+00, v3;
	v7 =	vperm.xlane v0, v1;
	v25 =	vpop (erf)  }
0xe9: {  	v47 =	vimm.s32 $0x7;
	v0 =	vperm.xlane v44, v16;
	v1 =	vperm.xlane v25, v45  }
0xea: {  	v15 =	vperm.xlane v38, v18;
	v14 =	vunpack.i.l.bf16.f32 v5;
	(erf) = vpow2.f32 v3  }
0xeb: {  	s26 =	simm.s32 $0x2920;
	v3 =	vmul.f32 v0, v14;
	v0 =	vunpack.i.u.bf16.f32 v4;
	[tilespmem:$0x1FF80] =	vst v1;
	v1 =	vperm.xlane v25, v47  }
0xec: {  	v49 =	vperm.xlane v35, v52;
	v4 =	vunpack.i.l.bf16.f32 v4;
	v0 =	vmul.f32 v8, v0;
	[tilespmem:s26+$0xFFFFFF60] =	vst v25  }
0xed: {  	v62 =	vperm.xlane v38, v45;
	v4 =	vmul.f32 v15, v4;
	v8 =	vunpack.i.u.bf16.f32 v13;
	v51 =	vpop (erf);
	[tilespmem:$0x1FF90] =	vst v1  }
0xee: {  	v11 =	vperm.xlane v38, v52;
	v8 =	vmul.f32 v10, v8;
	v31 =	vpop (erf);
	[tilespmem:s8+$0x30] =	vst v0  }
0xef: {  	v5 =	vunpack.i.u.bf16.f32 v5;
	v10 =	vunpack.i.l.bf16.f32 v13;
	v1 =	vperm.xlane v31, v45;
	[tilespmem:s8+$0x20] =	vst v4  }
0xf0: {  	s5 =	simm.s32 $0xF40;
	v5 =	vmul.f32 v48, v5;
	v15 =	vimm.s32 $0x3;
	v0 =	vmul.f32 v12, v10;
	[tilespmem:s8+$0xA0] =	vst v8  }
0xf1: {  	v14 =	vimm.s32 $0x1;
	v34 =	vperm.xlane v25, v18;
	v36 =	vperm.xlane v25, v15;
	v10 =	vld [tilespmem:s5+$0xFFFFFF80];
	[tilespmem:$0x1FFA0] =	vst v1  }
0xf2: {  	v27 =	vperm.xlane v25, v14;
	[tilespmem:s8+$0x90] =	vst v0;
	v0 =	vperm.xlane v31, v47  }
0xf3: {  	v23 =	vperm.xlane v51, v47;
	v29 =	vperm.xlane v51, v52;
	v8 =	vld [tilespmem:s1+$0x20]  }
0xf4: {  	v24 =	vperm.xlane v51, v45;
	v33 =	vperm.xlane v51, v21;
	v30 =	vpop (erf);
	v37 =	vld [tilespmem:s1+$0x50];
	[tilespmem:$0x1FFB0] =	vst v0  }
0xf5: {  	v26 =	vperm.xlane v31, v52;
	v32 =	vperm.xlane v31, v18;
	[tilespmem:s26+$0x80] =	vst v30  }
0xf6: {  	v42 =	vperm.xlane v31, v14;
	v0 =	vperm.xlane v31, v21;
	[tilespmem:s8+$0xFFFFFEF0] =	vst v6  }
0xf7: {  	v60 =	vperm.xlane v31, v16;
	v4 =	vperm.xlane v25, v16;
	[tilespmem:s8+$0xFFFFFEE0] =	vst v2  }
0xf8: {  	v12 =	vperm.xlane v51, v16;
	v40 =	vperm.xlane v30, v52;
	v43 =	vld [tilespmem:s5+$0x0];
	[tilespmem:$0x1FFC0] =	vst v0  }
0xf9: {  	s14 =	simm.s32 $0x860;
	v54 =	vperm.xlane v30, v15;
	v57 =	vperm.xlane v30, v16;
	v2 =	vld [tilespmem:s1+$0xFFFFFF90]  }
0xfa: {  	v1 =	vperm.xlane v51, v14;
	v6 =	vunpack.i.u.bf16.f32 v10;
	v10 =	vunpack.i.l.bf16.f32 v10;
	v53 =	vld [tilespmem:s14+$0xFFFFFFF0]  }
0xfb: {  	v6 =	vmul.f32 v27, v6;
	v27 =	vmul.f32 v4, v10;
	[tilespmem:s26+$0xFFFFFFF0] =	vst v31;
	v55 =	vunpack.i.u.bf16.f32 v8;
	v63 =	vld [tilespmem:s14+$0x10]  }
0xfc: {  	s12 =	simm.s32 $0x260;
	v4 =	vperm.xlane v30, v14;
	v39 =	vld [tilespmem:s5+$0xFFFFFFC0];
	v10 =	vunpack.i.u.bf16.f32 v37;
	v11 =	vmul.f32 v11, v55  }
0xfd: {  	v0 =	vld [tilespmem:s12+$0xFFFFFFF0];
	v59 =	vunpack.i.l.bf16.f32 v37;
	v37 =	vperm.xlane v51, v18;
	v7 =	vmul.f32 v7, v10  }
0xfe: {  	[tilespmem:s8+$0xFFFFFF70] =	vst v3;
	v55 =	vld [tilespmem:s14+$0xFFFFFFE0];
	v3 =	vmul.f32 v9, v59;
	v58 =	vunpack.i.u.bf16.f32 v43;
	v43 =	vunpack.i.l.bf16.f32 v43  }
0xff: {  	v56 =	vld [tilespmem:s12+$0x10];
	v4 =	vmul.f32 v4, v58;
	v57 =	vmul.f32 v57, v43;
	v10 =	vunpack.i.u.bf16.f32 v2  }
0x100: {  	[tilespmem:s8+$0xFFFFFF80] =	vst v5;
	v58 =	vld [tilespmem:s12+$0xFFFFFFE0];
	v53 =	vperm.xlane v53, v17;
	v2 =	vunpack.i.l.bf16.f32 v2;
	v63 =	vperm.xlane v63, v17  }
0x101: {  	v61 =	vunpack.i.l.bf16.f32 v39;
	v10 =	vmul.f32 v41, v10;
	v41 =	vld [tilespmem:s14+$0x0];
	v2 =	vmul.f32 v46, v2;
	[tilespmem:s26+$0x10] =	vst v4  }
0x102: {  	v46 =	vld [tilespmem:s12+$0x0];
	v60 =	vmul.f32 v60, v61;
	v61 =	vperm.xlane v38, v21;
	[tilespmem:s26+$0x0] =	vst v57  }
0x103: {  	[tilespmem:s26+$0x110] =	vst v51;
	v55 =	vperm.xlane v55, v17;
	v4 =	vunpack.i.l.bf16.f32 v8;
	v0 =	vadd.f32 v53, v0;
	v53 =	vld [tilespmem:s5+$0x10]  }
0x104: {  	v43 =	vperm.xlane v51, v15;
	[tilespmem:s8+$0xFFFFFF00] =	vst v2;
	v2 =	vld [tilespmem:s1+$0xFFFFFFD0];
	v4 =	vmul.f32 v61, v4;
	v61 =	vadd.f32 v63, v56  }
0x105: {  	[tilespmem:s8+$0x50] =	vst v11;
	v8 =	vperm.xlane v30, v18;
	v5 =	vmul.f32 $2.000000030e-01, v0;
	v55 =	vadd.f32 v55, v58  }
0x106: {  	[tilespmem:s8+$0xC0] =	vst v7;
	vm1 =	vgt.f32 v0, $0.0e+00;
	v41 =	vperm.xlane v41, v17;
	v9 =	vmul.f32 $2.000000030e-01, v61  }
0x107: {  	[tilespmem:s8+$0xB0] =	vst v3;
	v0 =	vsel vm1, v0, v5;
	v63 =	vmul.f32 $2.000000030e-01, v55;
	vm2 =	vgt.f32 v55, $0.0e+00  }
0x108: {  	[tilespmem:s8+$0xFFFFFF10] =	vst v10;
	v0 =	vsub.f32 v0, v20;
	v41 =	vadd.f32 v41, v46;
	v10 =	vunpack.i.u.bf16.f32 v53  }
0x109: {  	[tilespmem:s8+$0x40] =	vst v4;
	v4 =	vunpack.i.l.bf16.f32 v2;
	v55 =	vsel vm2, v55, v63;
	vm2 =	vgt.f32 v61, $0.0e+00  }
0x10a: {  	v13 =	vld [tilespmem:$0x1FFD0];
	v3 =	vmul.f32 v54, v10;
	v59 =	vsub.f32 v55, v20;
	v9 =	vsel vm2, v61, v9  }
0x10b: {  	v63 =	vld [tilespmem:s1+$0xFFFFFFA0];
	v61 =	vunpack.i.l.bf16.f32 v53;
	v7 =	vmul.f32 $2.000000030e-01, v41;
	v9 =	vsub.f32 v9, v20  }
0x10c: {  	v2 =	vunpack.i.u.bf16.f32 v2;
	v5 =	vmul.f32 v8, v61;
	v8 =	vld [tilespmem:s1+$0x60];
	v46 =	vmul.f32 $1.442695020e+00, v59  }
0x10d: {  	v10 =	vperm.xlane v44, v15;
	vm1 =	vgt.f32 v41, $0.0e+00;
	v9 =	vmul.f32 $1.442695020e+00, v9  }
0x10e: {  	v11 =	vld [tilespmem:s1+$0x30];
	v0 =	vmul.f32 $1.442695020e+00, v0;
	v7 =	vsel vm1, v41, v7;
	(erf) = vpow2.f32 v46  }
0x10f: {  	v2 =	vmul.f32 v10, v2;
	v7 =	vsub.f32 v7, v20;
	(erf) = vpow2.f32 v9;
	v9 =	vld [tilespmem:s5+$0x40]  }
0x110: {  	v4 =	vmul.f32 v13, v4;
	v61 =	vunpack.i.u.bf16.f32 v63;
	v46 =	vperm.xlane v25, v52  }
0x111: {  	[tilespmem:s26+$0xFFFFFEF0] =	vst v6;
	v6 =	vmul.f32 $1.442695020e+00, v7;
	(erf) = vpow2.f32 v0;
	v0 =	vunpack.i.l.bf16.f32 v8  }
0x112: {  	v54 =	vmul.f32 v49, v61;
	v7 =	vunpack.i.u.bf16.f32 v8;
	v0 =	vmul.f32 v19, v0  }
0x113: {  	[tilespmem:s8+$0xFFFFFF90] =	vst v4;
	v8 =	vunpack.i.l.bf16.f32 v11;
	(erf) = vpow2.f32 v6;
	v4 =	vmul.f32 v50, v7  }
0x114: {  	[tilespmem:s8+$0xFFFFFFA0] =	vst v2;
	v50 =	vperm.xlane v35, v21;
	v6 =	vperm.xlane v38, v47;
	v2 =	vunpack.i.u.bf16.f32 v9  }
0x115: {  	[tilespmem:s26+$0x20] =	vst v5;
	v5 =	vunpack.i.u.bf16.f32 v11;
	v10 =	vmul.f32 v62, v8;
	v1 =	vmul.f32 v1, v2  }
0x116: {  	[tilespmem:s26+$0x30] =	vst v3;
	v62 =	vunpack.i.l.bf16.f32 v63;
	v11 =	vmul.f32 v6, v5;
	v3 =	vunpack.i.l.bf16.f32 v9  }
0x117: {  	v3 =	vmul.f32 v12, v3;
	v35 =	vpop (erf);
	[tilespmem:s26+$0xA0] =	vst v1;
	v1 =	vmul.f32 v50, v62  }
0x118: {  	s11 =	simm.s32 $0x2B60;
	[tilespmem:s26+$0xFFFFFF70] =	vst v60;
	v7 =	vld [tilespmem:s1+$0xFFFFFFE0];
	v57 =	vperm.xlane v35, v18;
	v48 =	vperm.xlane v35, v45  }
0x119: {  	s12 =	simm.s32 $0x1040;
	v56 =	vperm.xlane v35, v15;
	v44 =	vperm.xlane v35, v47;
	[tilespmem:s11+$0xFFFFFF60] =	vst v35  }
0x11a: {  	[tilespmem:s26+$0x90] =	vst v3;
	v51 =	vpop (erf);
	v2 =	vperm.xlane v35, v16;
	v53 =	vperm.xlane v35, v14;
	v9 =	vld [tilespmem:s12+$0xFFFFFF80]  }
0x11b: {  	[tilespmem:s8+$0xE0] =	vst v4;
	v4 =	vld [tilespmem:s5+$0x50];
	v58 =	vperm.xlane v51, v47;
	v41 =	vperm.xlane v51, v52  }
0x11c: {  	[tilespmem:s8+$0xD0] =	vst v0;
	v59 =	vperm.xlane v51, v45;
	v49 =	vpop (erf);
	v55 =	vperm.xlane v51, v14  }
0x11d: {  	[tilespmem:s8+$0xFFFFFF30] =	vst v54;
	v0 =	vld [tilespmem:s1+$0x70];
	v8 =	vunpack.i.u.bf16.f32 v7;
	v54 =	vperm.xlane v51, v16;
	v45 =	vperm.xlane v49, v45  }
0x11e: {  	[tilespmem:s26+$0xFFFFFEE0] =	vst v27;
	v3 =	vunpack.i.l.bf16.f32 v7;
	v61 =	vperm.xlane v49, v52;
	v52 =	vperm.xlane v49, v18  }
0x11f: {  	v63 =	vld [tilespmem:s5+$0x20];
	[tilespmem:s8+$0x60] =	vst v10;
	v47 =	vperm.xlane v49, v47;
	v60 =	vperm.xlane v49, v14;
	v10 =	vunpack.i.u.bf16.f32 v9  }
0x120: {  	v5 =	vld [tilespmem:s5+$0xFFFFFF90];
	[tilespmem:s8+$0xFFFFFF20] =	vst v1;
	v38 =	vpop (erf);
	v6 =	vunpack.i.u.bf16.f32 v4;
	v62 =	vunpack.i.l.bf16.f32 v9;
	v10 =	vmul.f32 v53, v10  }
0x121: {  	[tilespmem:s11+$0x80] =	vst v38;
	v1 =	vunpack.i.l.bf16.f32 v4;
	v4 =	vld [tilespmem:s1+$0xFFFFFFB0];
	v50 =	vmul.f32 v2, v62;
	v62 =	vperm.xlane v49, v21  }
0x122: {  	s29 =	simm.s32 $0x2A0;
	s13 =	simm.s32 $0x8;
	s14 =	simm.s32 $0x8A0;
	v17 =	vmovc v25;
	v7 =	vunpack.i.u.bf16.f32 v0;
	[tilespmem:s11+$0xFFFFFFF0] =	vst v49;
	v9 =	vld [tilespmem:s12+$0x0];
	v2 =	vperm.xlane v38, v14;
	v53 =	vperm.xlane v51, v21  }
.LBB2_5:
0x123: {  	v14 =	vld [tilespmem:$0x1FF60];
	[tilespmem:s8+$0x70] =	vst v11;
	v11 =	vunpack.i.l.bf16.f32 v0;
	v0 =	vmov v26  }
0x124: {  	[tilespmem:$0x1FF60] =	vst v0;
	v0 =	vperm.xlane v38, v15;
	v15 =	vld [tilespmem:$0x1FF40];
	_ =	sdelay $0x4  }
0x125: {  	v12 =	vld [tilespmem:s12+$0xFFFFFFC0];
	v11 =	vmul.f32 v15, v11  }
0x126: {  	v25 =	vmov v59;
	v59 =	vld [tilespmem:s29+$0x10]  }
0x127: {  	[tilespmem:s8+$0xF0] =	vst v11;
	v11 =	vld [tilespmem:$0x1FF30]  }
0x128: {  	v20 =	vimm.s32 $0x5  }
0x129: {  	v27 =	vmovc v17;
	v17 =	vimm.s32 $0x3;
	v13 =	vperm.xlane v38, v20;
	[tilespmem:s11+$0xFFFFFEF0] =	vst v10;
	v19 =	vunpack.i.u.bf16.f32 v63;
	v15 =	vmovc v24  }
0x12a: {  	v8 =	vmul.f32 v14, v8;
	v10 =	vunpack.i.l.bf16.f32 v12;
	[tilespmem:$0x1FF40] =	vst v15;
	v15 =	vperm.xlane v38, v16  }
0x12b: {  	v16 =	vmul.f32 v40, v19;
	v40 =	vmovc v13;
	v13 =	vunpack.i.u.bf16.f32 v39;
	v39 =	vmovc v12;
	v12 =	vperm.xlane v51, v17;
	v17 =	vld [tilespmem:$0x1FF80]  }
0x12c: {  	v7 =	vmul.f32 v11, v7;
	v11 =	vmov v23;
	v23 =	vmul.f32 v28, v3  }
0x12d: {  	v14 =	vld [tilespmem:s14+$0xFFFFFFF0];
	[tilespmem:s8+$0xFFFFFFC0] =	vst v8;
	v8 =	vunpack.i.u.bf16.f32 v9  }
0x12e: {  	v2 =	vmul.f32 v2, v8;
	v8 =	vld [tilespmem:$0x1FFC0];
	[tilespmem:$0x1FF30] =	vst v11  }
0x12f: {  	v6 =	vmul.f32 v43, v6;
	v11 =	vld [tilespmem:s29+$0xFFFFFFF0];
	[tilespmem:s8+$0x100] =	vst v7  }
0x130: {  	[tilespmem:s8+$0xFFFFFFB0] =	vst v23;
	v23 =	vmov v17;
	v17 =	vld [tilespmem:s14+$0x10]  }
0x131: {  	[tilespmem:s26+$0xC0] =	vst v6;
	v6 =	vld [tilespmem:$0x1FF20];
	_ =	sdelay $0x1  }
0x132: {  	v9 =	vunpack.i.l.bf16.f32 v9  }
0x133: {  	v9 =	vmul.f32 v15, v9;
	[tilespmem:s11+$0x10] =	vst v2;
	v2 =	vunpack.i.u.bf16.f32 v5;
	v5 =	vunpack.i.l.bf16.f32 v5  }
0x134: {  	v15 =	vunpack.i.l.bf16.f32 v4;
	v4 =	vunpack.i.u.bf16.f32 v4;
	v5 =	vmul.f32 v34, v5;
	v28 =	vmovc v8;
	v8 =	vld [tilespmem:s29+$0xFFFFFFE0]  }
0x135: {  	v7 =	vld [tilespmem:s14+$0xFFFFFFE0];
	v4 =	vmul.f32 v6, v4  }
0x136: {  	v3 =	vmov v62;
	[tilespmem:s26+$0xFFFFFF00] =	vst v5;
	v62 =	vld [tilespmem:s1+$0xFFFFFFF0]  }
0x137: {  	v18 =	vimm.s32 $0x0;
	v5 =	vmul.f32 v42, v13;
	[tilespmem:s8+$0xFFFFFF50] =	vst v4;
	v4 =	vld [tilespmem:$0x1FF70]  }
0x138: {  	[tilespmem:$0x1FFC0] =	vst v3;
	v3 =	vperm.xlane v49, v18;
	v18 =	vld [tilespmem:$0x1FFF0]  }
0x139: {  	[tilespmem:s26+$0xFFFFFF80] =	vst v5;
	v5 =	vld [tilespmem:$0x1FF50];
	_ =	sdelay $0x1  }
0x13a: {  	[tilespmem:s26+$0x50] =	vst v16;
	v22 =	vmul.f32 v22, v15;
	v15 =	vmov v48;
	v13 =	vunpack.i.u.bf16.f32 v62  }
0x13b: {  	[tilespmem:$0x1FF80] =	vst v15;
	s1 =	smov.u32 s5;
	v4 =	vmul.f32 v4, v13  }
0x13c: {  	[tilespmem:s8+$0xFFFFFF40] =	vst v22;
	v16 =	vperm.xlane v17, v18;
	v17 =	vunpack.i.l.bf16.f32 v62;
	v13 =	vld [tilespmem:s1+$0xFFFFFFD0]  }
0x13d: {  	v2 =	vmul.f32 v36, v2;
	v22 =	vimm.s32 $0x4;
	v62 =	vmul.f32 v5, v17;
	v5 =	vmovc v45;
	[tilespmem:s8+$0xFFFFFFE0] =	vst v4;
	v4 =	vld [tilespmem:$0x1FFA0]  }
0x13e: {  	v3 =	vmul.f32 v3, v10;
	v10 =	vunpack.i.l.bf16.f32 v63;
	v15 =	vperm.xlane v30, v22;
	[tilespmem:$0x1FFA0] =	vst v5;
	v5 =	vld [tilespmem:$0x1FFB0]  }
0x13f: {  	v43 =	vmov v12;
	v12 =	vld [tilespmem:s14+$0x0];
	[tilespmem:s11+$0x0] =	vst v9;
	v14 =	vperm.xlane v14, v18  }
0x140: {  	[tilespmem:s26+$0xFFFFFF10] =	vst v2;
	v2 =	vmul.f32 v15, v10;
	v15 =	vld [tilespmem:$0x1FF90]  }
0x141: {  	v21 =	vimm.s32 $0x2;
	v10 =	vmovc v44;
	v11 =	vadd.f32 v14, v11;
	v14 =	vld [tilespmem:s12+$0x10];
	v6 =	vperm.xlane v7, v18  }
0x142: {  	v26 =	vmov v61;
	v61 =	vperm.xlane v51, v21;
	v19 =	vimm.s32 $0x6;
	[tilespmem:$0x1FF90] =	vst v10;
	v7 =	vld [tilespmem:s29+$0x0]  }
0x143: {  	v24 =	vmovc v58;
	v58 =	vperm.xlane v30, v19;
	v6 =	vadd.f32 v6, v8;
	[tilespmem:s8+$0xFFFFFFD0] =	vst v62;
	v17 =	vmov v5  }
0x144: {  	v63 =	vmul.f32 v37, v1;
	v8 =	vperm.xlane v12, v18;
	v12 =	vadd.f32 v16, v59;
	[tilespmem:$0x1FF70] =	vst v17;
	v17 =	vld [tilespmem:$0x1FFE0]  }
0x145: {  	v9 =	vperm.xlane v38, v21;
	v34 =	vmovc v57;
	vm1 =	vgt.f32 v11, $0.0e+00;
	v10 =	vmul.f32 $2.000000030e-01, v6;
	[tilespmem:s11+$0xFFFFFF70] =	vst v3;
	s8 =	smov.u32 s26  }
0x146: {  	v57 =	vmovc v15;
	vm2 =	vgt.f32 v6, $0.0e+00;
	vm3 =	vgt.f32 v12, $0.0e+00;
	[tilespmem:s8+$0xB0] =	vst v63;
	v15 =	vmovc v4;
	v4 =	vmul.f32 $2.000000030e-01, v11  }
0x147: {  	[tilespmem:s8+$0x40] =	vst v2;
	v2 =	vld [tilespmem:s1+$0x60];
	v5 =	vsel vm2, v6, v10;
	v6 =	vadd.f32 v8, v7;
	v7 =	vunpack.i.u.bf16.f32 v14  }
0x148: {  	v1 =	vmovc v47;
	v8 =	vunpack.i.l.bf16.f32 v14;
	[tilespmem:$0x1FF50] =	vst v15;
	v15 =	vmul.f32 $2.000000030e-01, v12;
	v0 =	vmul.f32 v0, v7  }
0x149: {  	[tilespmem:$0x1FFB0] =	vst v1;
	v7 =	vld [tilespmem:s1+$0xFFFFFFA0];
	v3 =	vmul.f32 v9, v8;
	v10 =	vmul.f32 $2.000000030e-01, v6;
	v1 =	vsub.f32 v5, v17  }
0x14a: {  	v4 =	vsel vm1, v11, v4;
	vm1 =	vgt.f32 v6, $0.0e+00;
	v5 =	vsel vm3, v12, v15  }
0x14b: {  	v15 =	vimm.s32 $0x3;
	v5 =	vsub.f32 v5, v17;
	v1 =	vmul.f32 $1.442695020e+00, v1  }
0x14c: {  	v9 =	vld [tilespmem:s1+$0x30];
	v11 =	vunpack.i.u.bf16.f32 v2;
	[tilespmem:s11+$0x30] =	vst v0;
	v0 =	vunpack.i.u.bf16.f32 v13;
	v8 =	vperm.xlane v31, v15  }
0x14d: {  	v4 =	vsub.f32 v4, v17;
	v5 =	vmul.f32 $1.442695020e+00, v5;
	(erf) = vpow2.f32 v1  }
0x14e: {  	v6 =	vsel vm1, v6, v10;
	v10 =	vunpack.i.u.bf16.f32 v7;
	v0 =	vmul.f32 v8, v0  }
0x14f: {  	s5 =	smov.u32 s12;
	[tilespmem:s11+$0x110] =	vst v51;
	v4 =	vmul.f32 $1.442695020e+00, v4;
	v1 =	vunpack.i.l.bf16.f32 v13;
	(erf) = vpow2.f32 v5  }
0x150: {  	v5 =	vsub.f32 v6, v17;
	v6 =	vld [tilespmem:s5+$0x40];
	v1 =	vmul.f32 v32, v1;
	[tilespmem:s8+$0xFFFFFFA0] =	vst v0;
	v0 =	vmul.f32 v29, v11  }
0x151: {  	v2 =	vunpack.i.l.bf16.f32 v2;
	(erf) = vpow2.f32 v4;
	v4 =	vmul.f32 v46, v10  }
0x152: {  	[tilespmem:$0x1FF20] =	vst v57;
	v10 =	vunpack.i.l.bf16.f32 v9;
	v46 =	vperm.xlane v35, v20;
	v5 =	vmul.f32 $1.442695020e+00, v5  }
0x153: {  	v13 =	vimm.s32 $0x7;
	[tilespmem:s8+$0xFFFFFF90] =	vst v1;
	v1 =	vmul.f32 v33, v2;
	v8 =	vmul.f32 v58, v10  }
0x154: {  	v10 =	vunpack.i.l.bf16.f32 v7;
	[tilespmem:s8+$0xFFFFFF30] =	vst v4;
	v4 =	vperm.xlane v27, v22;
	(erf) = vpow2.f32 v5  }
0x155: {  	s26 =	smov.u32 s11;
	[tilespmem:s8+$0xD0] =	vst v1;
	v2 =	vunpack.i.u.bf16.f32 v6;
	v1 =	vunpack.i.l.bf16.f32 v6;
	v6 =	vperm.xlane v30, v13  }
0x156: {  	[tilespmem:s26+$0x20] =	vst v3;
	v17 =	vmov v35;
	v4 =	vmul.f32 v4, v10;
	v2 =	vmul.f32 v55, v2;
	v35 =	vpop (erf)  }
0x157: {  	[tilespmem:s8+$0xE0] =	vst v0;
	v5 =	vld [tilespmem:s1+$0xFFFFFFE0];
	v1 =	vmul.f32 v54, v1;
	v57 =	vperm.xlane v35, v21  }
0x158: {  	v36 =	vmovc v56;
	v16 =	vimm.s32 $0x0;
	v0 =	vld [tilespmem:s1+$0x70];
	[tilespmem:s26+$0xA0] =	vst v2;
	v48 =	vperm.xlane v35, v19;
	v56 =	vperm.xlane v35, v15  }
0x159: {  	v14 =	vimm.s32 $0x1;
	s11 =	sadd.s32 $0x240, s11;
	[tilespmem:s26+$0x90] =	vst v1;
	v44 =	vperm.xlane v35, v13;
	v51 =	vpop (erf);
	v2 =	vperm.xlane v35, v16  }
0x15a: {  	v42 =	vmov v60;
	s12 =	sadd.s32 $0x100, s12;
	v63 =	vld [tilespmem:s5+$0x20];
	[tilespmem:s11+$0xFFFFFF60] =	vst v35;
	v1 =	vperm.xlane v35, v14;
	v58 =	vperm.xlane v51, v13  }
0x15b: {  	v37 =	vmovc v61;
	v31 =	vmovc v49;
	v29 =	vmov v41;
	v11 =	vld [tilespmem:s12+$0xFFFFFF80];
	v41 =	vperm.xlane v51, v20;
	v59 =	vperm.xlane v51, v19  }
0x15c: {  	s13 =	sadd.s32 $0x4, s13;
	[tilespmem:s8+$0x60] =	vst v8;
	v8 =	vunpack.i.u.bf16.f32 v5;
	v12 =	vld [tilespmem:s5+$0x50];
	v49 =	vpop (erf);
	v55 =	vperm.xlane v51, v14;
	v54 =	vperm.xlane v51, v16  }
0x15d: {  	p1 =	slt.u32 s13, $0x2C;
	v32 =	vmovc v52;
	v33 =	vmovc v53;
	v3 =	vunpack.i.l.bf16.f32 v5;
	v53 =	vperm.xlane v51, v22;
	v45 =	vperm.xlane v49, v19  }
.Ltmp1:
0x15e: {  	v30 =	vmovc v38;
	v5 =	vunpack.i.u.bf16.f32 v9;
	[tilespmem:s26+$0xFFFFFEE0] =	vst v50;
	v61 =	vperm.xlane v49, v20;
	v52 =	vperm.xlane v49, v21;
	(pc) =	sbr.rel @p1 .LBB2_5-.Ltmp1, $4  }
0x15f: {  	v7 =	vunpack.i.u.bf16.f32 v0;
	v47 =	vperm.xlane v49, v13;
	v60 =	vperm.xlane v49, v14;
	[tilespmem:s11+$0xFFFFFFF0] =	vst v49;
	v38 =	vpop (erf)  }
0x160: {  	[tilespmem:s11+$0x80] =	vst v38;
	v9 =	vunpack.i.u.bf16.f32 v11;
	v13 =	vunpack.i.l.bf16.f32 v11;
	v11 =	vmul.f32 v6, v5;
	v5 =	vld [tilespmem:s5+$0xFFFFFF90]  }
0x161: {  	v62 =	vperm.xlane v49, v22;
	v22 =	vmovc v23;
	v6 =	vunpack.i.u.bf16.f32 v12;
	[tilespmem:s8+$0xFFFFFF20] =	vst v4;
	v10 =	vmul.f32 v1, v9;
	v9 =	vld [tilespmem:s12+$0x0]  }
0x162: {  	s14 =	sadd.s32 $0x40, s14;
	s29 =	sadd.s32 $0x40, s29;
	v23 =	vmovc v24;
	v24 =	vmovc v25;
	v50 =	vmul.f32 v2, v13;
	v2 =	vperm.xlane v38, v14;
	v1 =	vunpack.i.l.bf16.f32 v12;
	v4 =	vld [tilespmem:s1+$0xFFFFFFB0]  }
0x163: {  	v12 =	vld [tilespmem:$0x1FF60];
	[tilespmem:s8+$0x70] =	vst v11  }
0x164: {  	v11 =	vld [tilespmem:$0x1FF40];
	_ =	sdelay $0x3  }
0x165: {  	v0 =	vunpack.i.l.bf16.f32 v0;
	v8 =	vmul.f32 v12, v8  }
0x166: {  	v0 =	vmul.f32 v11, v0  }
0x167: {  	[tilespmem:s8+$0xFFFFFFC0] =	vst v8  }
0x168: {  	[tilespmem:s8+$0xF0] =	vst v0  }
0x169: {  	v0 =	vld [tilespmem:$0x1FF30];
	_ =	sdelay $0x3  }
0x16a: {  	v3 =	vmul.f32 v28, v3  }
0x16b: {  	[tilespmem:s11+$0xFFFFFEF0] =	vst v10;
	v0 =	vmul.f32 v0, v7  }
0x16c: {  	v6 =	vmul.f32 v43, v6;
	[tilespmem:s8+$0xFFFFFFB0] =	vst v3;
	v7 =	vunpack.i.u.bf16.f32 v9  }
0x16d: {  	v8 =	vunpack.i.u.bf16.f32 v63;
	v2 =	vmul.f32 v2, v7;
	[tilespmem:s8+$0x100] =	vst v0;
	v0 =	vperm.xlane v38, v16  }
0x16e: {  	v3 =	vunpack.i.l.bf16.f32 v9;
	[tilespmem:s26+$0xC0] =	vst v6;
	v7 =	vmul.f32 v40, v8  }
0x16f: {  	v8 =	vunpack.i.l.bf16.f32 v4;
	[tilespmem:s11+$0x10] =	vst v2;
	v0 =	vmul.f32 v0, v3  }
0x170: {  	v2 =	vmul.f32 v22, v8;
	[tilespmem:s26+$0x50] =	vst v7;
	v7 =	vunpack.i.l.bf16.f32 v5  }
0x171: {  	[tilespmem:s11+$0x0] =	vst v0;
	v0 =	vmul.f32 v34, v7  }
0x172: {  	[tilespmem:s8+$0xFFFFFF40] =	vst v2  }
0x173: {  	v2 =	vunpack.i.u.bf16.f32 v5;
	v5 =	vunpack.i.u.bf16.f32 v39;
	[tilespmem:s26+$0xFFFFFF00] =	vst v0  }
0x174: {  	v0 =	vmul.f32 v42, v5;
	v5 =	vld [tilespmem:$0x1FF20]  }
0x175: {  	v2 =	vmul.f32 v36, v2;
	_ =	sdelay $0x1  }
0x176: {  	v3 =	vld [tilespmem:s1+$0xFFFFFFF0];
	[tilespmem:s26+$0xFFFFFF10] =	vst v2  }
0x177: {  	v4 =	vunpack.i.u.bf16.f32 v4;
	v7 =	vld [tilespmem:$0x1FF70]  }
0x178: {  	v4 =	vmul.f32 v5, v4  }
0x179: {  	[tilespmem:s26+$0xFFFFFF80] =	vst v0  }
0x17a: {  	v2 =	vld [tilespmem:s12+$0x10];
	[tilespmem:s8+$0xFFFFFF50] =	vst v4  }
0x17b: {  	v22 =	vimm.s32 $0x4;
	v5 =	vunpack.i.u.bf16.f32 v3;
	v9 =	vld [tilespmem:$0x1FF50]  }
0x17c: {  	v0 =	vperm.xlane v30, v22;
	v5 =	vmul.f32 v7, v5;
	v4 =	vld [tilespmem:s5+$0xFFFFFFD0]  }
0x17d: {  	v1 =	vmul.f32 v37, v1;
	v6 =	vld [tilespmem:s12+$0xFFFFFFC0];
	v8 =	vunpack.i.l.bf16.f32 v63  }
0x17e: {  	v0 =	vmul.f32 v0, v8;
	[tilespmem:s8+$0xFFFFFFE0] =	vst v5  }
0x17f: {  	v3 =	vunpack.i.l.bf16.f32 v3;
	[tilespmem:s26+$0xB0] =	vst v1;
	v1 =	vperm.xlane v38, v15  }
0x180: {  	v8 =	vunpack.i.u.bf16.f32 v2;
	v5 =	vld [tilespmem:s5+$0xFFFFFFA0];
	[tilespmem:s26+$0x40] =	vst v0;
	v3 =	vmul.f32 v9, v3  }
0x181: {  	v7 =	vperm.xlane v49, v16;
	[tilespmem:s11+$0x110] =	vst v51;
	v0 =	vmul.f32 v1, v8;
	v1 =	vunpack.i.l.bf16.f32 v4  }
0x182: {  	v9 =	vunpack.i.l.bf16.f32 v6;
	v1 =	vmul.f32 v32, v1;
	[tilespmem:s8+$0xFFFFFFD0] =	vst v3;
	v3 =	vld [tilespmem:s5+$0x60]  }
0x183: {  	v8 =	vperm.xlane v31, v15;
	[tilespmem:s11+$0x30] =	vst v0;
	v7 =	vmul.f32 v7, v9  }
0x184: {  	v31 =	vimm.s32 $0x2;
	v0 =	vunpack.i.u.bf16.f32 v4;
	[tilespmem:s26+$0xFFFFFF90] =	vst v1  }
0x185: {  	v0 =	vmul.f32 v8, v0;
	v9 =	vunpack.i.u.bf16.f32 v5;
	v1 =	vperm.xlane v38, v31;
	[tilespmem:s11+$0xFFFFFF70] =	vst v7;
	v7 =	vld [tilespmem:s5+$0x30]  }
0x186: {  	v2 =	vunpack.i.l.bf16.f32 v2;
	v4 =	vld [tilespmem:s12+$0x40];
	v9 =	vmul.f32 v46, v9  }
0x187: {  	[tilespmem:s26+$0xFFFFFFA0] =	vst v0;
	v1 =	vmul.f32 v1, v2;
	v10 =	vunpack.i.l.bf16.f32 v3  }
0x188: {  	v34 =	vimm.s32 $0x6;
	[tilespmem:s26+$0xFFFFFF30] =	vst v9;
	v3 =	vunpack.i.u.bf16.f32 v3;
	v8 =	vmul.f32 v33, v10  }
0x189: {  	v9 =	vperm.xlane v30, v34;
	[tilespmem:s11+$0x20] =	vst v1;
	v0 =	vmul.f32 v29, v3  }
0x18a: {  	v2 =	vunpack.i.l.bf16.f32 v7;
	[tilespmem:s26+$0xD0] =	vst v8  }
0x18b: {  	v1 =	vperm.xlane v17, v22;
	v3 =	vunpack.i.u.bf16.f32 v4;
	v2 =	vmul.f32 v9, v2;
	[tilespmem:s26+$0xE0] =	vst v0;
	v0 =	vld [tilespmem:s5+$0xFFFFFFE0]  }
0x18c: {  	[tilespmem:s11+$0xFFFFFEE0] =	vst v50;
	v5 =	vunpack.i.l.bf16.f32 v5;
	v3 =	vmul.f32 v55, v3;
	v9 =	vimm.s32 $0x7;
	v8 =	vld [tilespmem:s5+$0x70]  }
0x18d: {  	v4 =	vunpack.i.l.bf16.f32 v4;
	v1 =	vmul.f32 v1, v5;
	[tilespmem:s26+$0x60] =	vst v2;
	v2 =	vperm.xlane v30, v9  }
0x18e: {  	v4 =	vmul.f32 v54, v4;
	[tilespmem:s11+$0xA0] =	vst v3;
	v3 =	vunpack.i.u.bf16.f32 v7  }
0x18f: {  	[tilespmem:s26+$0xFFFFFF20] =	vst v1;
	v2 =	vmul.f32 v2, v3;
	v3 =	vunpack.i.u.bf16.f32 v6  }
0x190: {  	[tilespmem:s11+$0x90] =	vst v4;
	v1 =	vmul.f32 v60, v3;
	v5 =	vunpack.i.u.bf16.f32 v0  }
0x191: {  	[tilespmem:s26+$0x70] =	vst v2;
	v5 =	vmul.f32 v26, v5;
	v2 =	vunpack.i.l.bf16.f32 v8  }
0x192: {  	[tilespmem:s11+$0xFFFFFF80] =	vst v1;
	v2 =	vmul.f32 v24, v2  }
0x193: {  	[tilespmem:s26+$0xFFFFFFC0] =	vst v5  }
0x194: {  	v4 =	vld [tilespmem:s12+$0x50];
	[tilespmem:s26+$0xF0] =	vst v2  }
0x195: {  	v2 =	vld [tilespmem:$0x1FFC0];
	_ =	sdelay $0x1  }
0x196: {  	v3 =	vld [tilespmem:s12+$0xFFFFFF90]  }
0x197: {  	v6 =	vunpack.i.u.bf16.f32 v8  }
0x198: {  	v0 =	vunpack.i.l.bf16.f32 v0;
	v1 =	vperm.xlane v51, v15;
	v5 =	vmul.f32 v23, v6;
	v6 =	vld [tilespmem:s12+$0xFFFFFFD0]  }
0x199: {  	v7 =	vperm.xlane v51, v31;
	v8 =	vunpack.i.u.bf16.f32 v4;
	v0 =	vmul.f32 v2, v0  }
0x19a: {  	v4 =	vunpack.i.l.bf16.f32 v4;
	v1 =	vmul.f32 v1, v8;
	[tilespmem:s26+$0x100] =	vst v5;
	v2 =	vld [tilespmem:s12+$0x20]  }
0x19b: {  	v4 =	vmul.f32 v7, v4;
	[tilespmem:s26+$0xFFFFFFB0] =	vst v0;
	v0 =	vunpack.i.l.bf16.f32 v3  }
0x19c: {  	v20 =	vimm.s32 $0x5;
	[tilespmem:s11+$0xC0] =	vst v1;
	v3 =	vunpack.i.u.bf16.f32 v3;
	v0 =	vmul.f32 v57, v0  }
0x19d: {  	[tilespmem:s11+$0xB0] =	vst v4;
	v4 =	vperm.xlane v49, v15;
	v1 =	vmul.f32 v56, v3;
	v3 =	vunpack.i.l.bf16.f32 v6  }
0x19e: {  	v7 =	vperm.xlane v38, v20;
	v6 =	vunpack.i.u.bf16.f32 v6;
	v3 =	vmul.f32 v52, v3;
	[tilespmem:s11+$0xFFFFFF00] =	vst v0  }
0x19f: {  	v8 =	vunpack.i.u.bf16.f32 v2;
	[tilespmem:s11+$0xFFFFFF10] =	vst v1;
	v1 =	vmul.f32 v4, v6  }
0x1a0: {  	v5 =	vld [tilespmem:s5+$0xFFFFFFB0];
	v4 =	vmul.f32 v7, v8;
	[tilespmem:s11+$0xFFFFFF90] =	vst v3  }
0x1a1: {  	v3 =	vld [tilespmem:$0x1FF80];
	[tilespmem:s11+$0xFFFFFFA0] =	vst v1  }
0x1a2: {  	[tilespmem:s11+$0x50] =	vst v4  }
0x1a3: {  	v1 =	vunpack.i.l.bf16.f32 v2;
	v2 =	vld [tilespmem:$0x1FF90]  }
0x1a4: {  	v0 =	vld [tilespmem:s12+$0x60];
	_ =	sdelay $0x1  }
0x1a5: {  	v6 =	vunpack.i.l.bf16.f32 v5;
	v7 =	vld [tilespmem:s12+$0xFFFFFFA0]  }
0x1a6: {  	v5 =	vunpack.i.u.bf16.f32 v5;
	v3 =	vmul.f32 v3, v6;
	v6 =	vperm.xlane v38, v22  }
0x1a7: {  	v4 =	vld [tilespmem:s12+$0xFFFFFFE0];
	v2 =	vmul.f32 v2, v5  }
0x1a8: {  	[tilespmem:s26+$0xFFFFFF40] =	vst v3;
	v1 =	vmul.f32 v6, v1;
	v3 =	vunpack.i.l.bf16.f32 v0  }
0x1a9: {  	v5 =	vperm.xlane v35, v20;
	v0 =	vunpack.i.u.bf16.f32 v0;
	[tilespmem:s26+$0xFFFFFF50] =	vst v2;
	v2 =	vmul.f32 v53, v3  }
0x1aa: {  	v6 =	vld [tilespmem:s5+$0xFFFFFFF0];
	v0 =	vmul.f32 v41, v0;
	[tilespmem:s11+$0x40] =	vst v1;
	v1 =	vunpack.i.u.bf16.f32 v7;
	v3 =	vperm.xlane v35, v22  }
0x1ab: {  	v1 =	vmul.f32 v5, v1;
	[tilespmem:s11+$0xD0] =	vst v2;
	v2 =	vunpack.i.l.bf16.f32 v7  }
0x1ac: {  	[tilespmem:s11+$0xE0] =	vst v0;
	v0 =	vunpack.i.u.bf16.f32 v4;
	v2 =	vmul.f32 v3, v2  }
0x1ad: {  	v0 =	vmul.f32 v61, v0;
	[tilespmem:s11+$0xFFFFFF30] =	vst v1  }
0x1ae: {  	v8 =	vld [tilespmem:s12+$0x30];
	[tilespmem:s11+$0xFFFFFF20] =	vst v2  }
0x1af: {  	v3 =	vunpack.i.l.bf16.f32 v4;
	v4 =	vunpack.i.u.bf16.f32 v6;
	v5 =	vunpack.i.l.bf16.f32 v6;
	v6 =	vld [tilespmem:$0x1FFB0];
	[tilespmem:s11+$0xFFFFFFC0] =	vst v0  }
0x1b0: {  	v0 =	vld [tilespmem:$0x1FFA0];
	_ =	sdelay $0x1  }
0x1b1: {  	v1 =	vld [tilespmem:s12+$0x70]  }
0x1b2: {  	v2 =	vmul.f32 v62, v3  }
0x1b3: {  	v3 =	vperm.xlane v38, v34;
	v4 =	vmul.f32 v6, v4;
	v6 =	vld [tilespmem:s12+$0xFFFFFFB0]  }
0x1b4: {  	v7 =	vperm.xlane v38, v9;
	[tilespmem:s11+$0xFFFFFFB0] =	vst v2;
	v0 =	vmul.f32 v0, v5;
	v5 =	vunpack.i.l.bf16.f32 v8  }
0x1b5: {  	[tilespmem:s26+$0xFFFFFFE0] =	vst v4;
	v2 =	vmul.f32 v3, v5;
	v3 =	vunpack.i.u.bf16.f32 v8;
	v4 =	vld [tilespmem:s12+$0xFFFFFFF0]  }
0x1b6: {  	[tilespmem:s26+$0xFFFFFFD0] =	vst v0;
	v0 =	vmul.f32 v7, v3;
	v3 =	vunpack.i.l.bf16.f32 v1  }
0x1b7: {  	v1 =	vunpack.i.u.bf16.f32 v1;
	[tilespmem:s11+$0x60] =	vst v2;
	v2 =	vmul.f32 v59, v3  }
0x1b8: {  	[tilespmem:s11+$0x70] =	vst v0;
	v0 =	vmul.f32 v58, v1;
	v1 =	vunpack.i.l.bf16.f32 v6  }
0x1b9: {  	[tilespmem:s11+$0xF0] =	vst v2;
	v1 =	vmul.f32 v48, v1;
	v2 =	vunpack.i.u.bf16.f32 v6  }
0x1ba: {  	[tilespmem:s11+$0x100] =	vst v0;
	v0 =	vmul.f32 v44, v2;
	v2 =	vunpack.i.u.bf16.f32 v4  }
0x1bb: {  	s9 =	smul.u32 $0x180, s9;
	[tilespmem:s11+$0xFFFFFF40] =	vst v1;
	v1 =	vunpack.i.l.bf16.f32 v4;
	v2 =	vmul.f32 v47, v2  }
0x1bc: {  	[tilespmem:s11+$0xFFFFFF50] =	vst v0;
	v0 =	vmul.f32 v45, v1  }
0x1bd: {  	s1 =	sshrl.u32 s9, $0x2;
	[tilespmem:s11+$0xFFFFFFE0] =	vst v2  }
0x1be: {  	s1 =	sadd.s32 $0x30, s1;
	s12 =	simm.s32 $0x25C0;
	[tilespmem:s11+$0xFFFFFFD0] =	vst v0  }
0x1bf: {  	[spmem:s3] =	stream.indirect.scatter.add.f32 [tilespmem:s12], [sflag:$0x9], $0x90, s1, s31, $0xb8;
	[tilespmem:$0x1E6C0] =	vst v63  }
0x1c0: {  	_ =	swait.ge [sflag:s19], $0x60  }
0x1c1: {  	[sflag:s19] =	ssyncset.done $0x0  }
0x1c2: {  	s13 =	simm.s32 $0x1C0;
	[sflag:s19] =	ssyncadd.s32 $0xFFFFFFA0  }
0x1c3: {  	[tilespmem:s13], [sflag:$0x3] =	stream.indirect.gather [spmem:s4], $0x10, s0, s31, $0xb8;
	[tilespmem:$0x1E6C0] =	vst v63  }
0x1c4: {  	s14 =	sadd.s32 $0x30, s0;
	s26 =	simm.s32 $0x7C0  }
0x1c5: {  	[tilespmem:s26], [sflag:$0x5] =	stream.indirect.gather [spmem:s4], $0x10, s14, s31, $0xb8;
	[tilespmem:$0x1E6C0] =	vst v63  }
0x1c6: {  	s29 =	simm.s32 $0xDC0  }
0x1c7: {  	[tilespmem:s29], [sflag:$0x7] =	stream.indirect.gather [hbm4b:s7+s31], $0x40, s0, s31, $0xb8;
	[tilespmem:$0x1E6C0] =	vst v63  }
0x1c8: {  	_ =	swait.ge [sflag:s20], $0x300  }
0x1c9: {  	[sflag:s20] =	ssyncset.done $0x0  }
0x1ca: {  	[sflag:s20] =	ssyncadd.s32 $0xFFFFFD00  }
0x1cb: {  	_ =	swait.ge [sflag:s21], $0x300  }
0x1cc: {  	[sflag:s21] =	ssyncset.done $0x0  }
0x1cd: {  	s0 =	sor.u32 $0x1, s23;
	[sflag:s21] =	ssyncadd.s32 $0xFFFFFD00  }
0x1ce: {  	s5 =	sadd.s32 s10, s0;
	_ =	swait.ge [sflag:s22], $0xC00  }
0x1cf: {  	s8 =	sadd.s32 $0xFFFFFFFF, s23;
	s1 =	smul.u32 $0x60, s5;
	[sflag:s22] =	ssyncset.done $0x0  }
0x1d0: {  	s5 =	sand.u32 $0x3, s8;
	[sflag:s22] =	ssyncadd.s32 $0xFFFFF400  }
0x1d1: {  	s5 =	smul.u32 $0x180, s5;
	s1 =	sshrl.u32 s1, $0x3;
	_ =	swait.ge [sflag:s24], $0x1B00  }
0x1d2: {  	s9 =	simm.s32 $0xAE0;
	s1 =	sadd.s32 s2, s1;
	[sflag:s24] =	ssyncset.done $0x0  }
0x1d3: {  	s23 =	sshrl.u32 s5, $0x2;
	s1 =	sadd.s32 $0x18, s1;
	[sflag:s24] =	ssyncadd.s32 $0xFFFFE500  }
0x1d4: {  	v17 =	vld [tilespmem:$0x1FFF0];
	[tilespmem:s23], [sflag:$0x2] =	stream.linear.gather [hbm4b:s1+s6], $0x60, $0x38  }
0x1d5: {  	s11 =	simm.s32 $0x4E0;
	v0 =	vld [tilespmem:s9+$0xFFFFFFF0]  }
0x1d6: {  	v2 =	vld [tilespmem:s11+$0xFFFFFFF0]  }
0x1d7: {  	v3 =	vld [tilespmem:s9+$0xFFFFFFE0]  }
0x1d8: {  	v4 =	vld [tilespmem:s9+$0x10]  }
0x1d9: {  	v5 =	vld [tilespmem:s11+$0xFFFFFFE0];
	_ =	sdelay $0x1  }
0x1da: {  	v1 =	vld [tilespmem:s11+$0x10]  }
0x1db: {  	v6 =	vld [tilespmem:s9+$0x0];
	v0 =	vperm.xlane v0, v17;
	v3 =	vperm.xlane v3, v17  }
0x1dc: {  	v21 =	vld [tilespmem:$0x1FFE0]  }
0x1dd: {  	v7 =	vld [tilespmem:s11+$0x0];
	v4 =	vperm.xlane v4, v17;
	v0 =	vadd.f32 v0, v2;
	v2 =	vadd.f32 v3, v5;
	_ =	sdelay $0x1  }
0x1de: {  	v1 =	vadd.f32 v4, v1;
	v4 =	vmul.f32 $2.000000030e-01, v2  }
0x1df: {  	v3 =	vperm.xlane v6, v17;
	vm2 =	vgt.f32 v2, $0.0e+00  }
0x1e0: {  	v2 =	vsel vm2, v2, v4  }
0x1e1: {  	v5 =	vmul.f32 $2.000000030e-01, v1;
	v3 =	vadd.f32 v3, v7;
	v2 =	vsub.f32 v2, v21  }
0x1e2: {  	vm1 =	vgt.f32 v0, $0.0e+00;
	v6 =	vmul.f32 $2.000000030e-01, v0;
	vm3 =	vgt.f32 v1, $0.0e+00  }
0x1e3: {  	v1 =	vsel vm3, v1, v5;
	v4 =	vmul.f32 $2.000000030e-01, v3;
	v2 =	vmul.f32 $1.442695020e+00, v2  }
0x1e4: {  	v0 =	vsel vm1, v0, v6;
	vm1 =	vgt.f32 v3, $0.0e+00;
	v1 =	vsub.f32 v1, v21  }
0x1e5: {  	v0 =	vsub.f32 v0, v21;
	v3 =	vsel vm1, v3, v4;
	(erf) = vpow2.f32 v2  }
0x1e6: {  	v1 =	vmul.f32 $1.442695020e+00, v1;
	v3 =	vsub.f32 v3, v21  }
0x1e7: {  	v0 =	vmul.f32 $1.442695020e+00, v0  }
0x1e8: {  	(erf) = vpow2.f32 v1;
	v1 =	vmul.f32 $1.442695020e+00, v3  }
0x1e9: {  	(erf) = vpow2.f32 v0  }
0x1ea: {  	(erf) = vpow2.f32 v1;
	_ =	sdelay $0x3  }
0x1eb: {  	v35 =	vpop (erf)  }
0x1ec: {  	v1 =	vperm.xlane v35, v34  }
0x1ed: {  	v3 =	vimm.s32 $0x7  }
0x1ee: {  	s5 =	simm.s32 $0x41E0;
	v0 =	vpop (erf);
	[tilespmem:$0x1FE50] =	vst v1;
	v1 =	vperm.xlane v35, v3  }
0x1ef: {  	v44 =	vpop (erf);
	[tilespmem:s5+$0xFFFFFF60] =	vst v35  }
0x1f0: {  	v38 =	vpop (erf);
	[tilespmem:$0x1FE60] =	vst v1;
	v1 =	vperm.xlane v0, v3  }
0x1f1: {  	s8 =	simm.s32 $0x1A40;
	[tilespmem:s5+$0x80] =	vst v38  }
0x1f2: {  	v2 =	vld [tilespmem:s8+$0xFFFFFF80];
	[tilespmem:$0x1FE70] =	vst v1;
	v1 =	vperm.xlane v0, v20;
	_ =	sdelay $0x1  }
0x1f3: {  	[tilespmem:$0x1FF10] =	vst v1;
	v1 =	vperm.xlane v44, v34  }
0x1f4: {  	s12 =	simm.s32 $0xB20;
	v3 =	vld [tilespmem:s8+$0x0]  }
0x1f5: {  	s13 =	simm.s32 $0x520;
	v5 =	vld [tilespmem:s12+$0xFFFFFFE0];
	[tilespmem:$0x1FE80] =	vst v1  }
0x1f6: {  	v7 =	vld [tilespmem:s13+$0xFFFFFFE0]  }
0x1f7: {  	v8 =	vld [tilespmem:s12+$0x10];
	_ =	sdelay $0x1  }
0x1f8: {  	v13 =	vld [tilespmem:s13+$0x10]  }
0x1f9: {  	v5 =	vperm.xlane v5, v17;
	_ =	sdelay $0x1  }
0x1fa: {  	v8 =	vperm.xlane v8, v17;
	v5 =	vadd.f32 v5, v7  }
0x1fb: {  	v6 =	vperm.xlane v35, v14  }
0x1fc: {  	v1 =	vperm.xlane v44, v22;
	v9 =	vld [tilespmem:s12+$0xFFFFFFF0];
	v8 =	vadd.f32 v8, v13;
	v13 =	vmul.f32 $2.000000030e-01, v5  }
0x1fd: {  	v4 =	vperm.xlane v35, v16;
	v11 =	vunpack.i.u.bf16.f32 v2;
	vm1 =	vgt.f32 v5, $0.0e+00  }
0x1fe: {  	v2 =	vunpack.i.l.bf16.f32 v2;
	v6 =	vmul.f32 v6, v11;
	v11 =	vld [tilespmem:s13+$0xFFFFFFF0];
	[tilespmem:$0x1FE90] =	vst v1;
	v5 =	vsel vm1, v5, v13  }
0x1ff: {  	v2 =	vmul.f32 v4, v2;
	v4 =	vld [tilespmem:s12+$0x0];
	v5 =	vsub.f32 v5, v21  }
0x200: {  	v41 =	vperm.xlane v35, v15;
	v10 =	vperm.xlane v0, v14  }
0x201: {  	v19 =	vld [tilespmem:s13+$0x0];
	v9 =	vperm.xlane v9, v17;
	v5 =	vmul.f32 $1.442695020e+00, v5  }
0x202: {  	v48 =	vperm.xlane v44, v14;
	v1 =	vimm.s32 $0x1;
	v15 =	vunpack.i.u.bf16.f32 v3  }
0x203: {  	v9 =	vadd.f32 v9, v11;
	v11 =	vmul.f32 $2.000000030e-01, v8;
	(erf) = vpow2.f32 v5  }
0x204: {  	v3 =	vunpack.i.l.bf16.f32 v3;
	v4 =	vperm.xlane v4, v17;
	vm1 =	vgt.f32 v8, $0.0e+00  }
0x205: {  	v7 =	vperm.xlane v38, v16;
	v13 =	vmul.f32 $2.000000030e-01, v9;
	v8 =	vsel vm1, v8, v11  }
0x206: {  	vm2 =	vgt.f32 v9, $0.0e+00;
	v4 =	vadd.f32 v4, v19;
	v8 =	vsub.f32 v8, v21  }
0x207: {  	v14 =	vperm.xlane v38, v1;
	v3 =	vmul.f32 v7, v3;
	v9 =	vsel vm2, v9, v13  }
0x208: {  	v7 =	vmul.f32 $2.000000030e-01, v4;
	v9 =	vsub.f32 v9, v21;
	v8 =	vmul.f32 $1.442695020e+00, v8  }
0x209: {  	v28 =	vperm.xlane v0, v34;
	[tilespmem:s5+$0xFFFFFFF0] =	vst v44;
	v14 =	vmul.f32 v14, v15;
	vm1 =	vgt.f32 v4, $0.0e+00  }
0x20a: {  	[tilespmem:s5+$0x0] =	vst v3;
	v3 =	vsel vm1, v4, v7;
	v7 =	vmul.f32 $1.442695020e+00, v9;
	(erf) = vpow2.f32 v8  }
0x20b: {  	v12 =	vperm.xlane v0, v16;
	v51 =	vperm.xlane v0, v22;
	v1 =	vimm.s32 $0x3;
	[tilespmem:s5+$0x10] =	vst v14;
	v5 =	vld [tilespmem:s8+$0xFFFFFFC0]  }
0x20c: {  	v4 =	vld [tilespmem:s8+$0x10];
	v3 =	vsub.f32 v3, v21;
	v8 =	vperm.xlane v38, v1;
	(erf) = vpow2.f32 v7;
	v19 =	vpop (erf)  }
0x20d: {  	[tilespmem:s5+$0x110] =	vst v0;
	v7 =	vperm.xlane v0, v1;
	v1 =	vperm.xlane v19, v31  }
0x20e: {  	v13 =	vld [tilespmem:s8+$0x40];
	v9 =	vperm.xlane v0, v31;
	v3 =	vmul.f32 $1.442695020e+00, v3  }
0x20f: {  	v47 =	vimm.s32 $0x7;
	v0 =	vperm.xlane v44, v16;
	[tilespmem:$0x1FEA0] =	vst v1;
	v1 =	vperm.xlane v19, v34  }
0x210: {  	v15 =	vperm.xlane v38, v31;
	(erf) = vpow2.f32 v3;
	v14 =	vunpack.i.l.bf16.f32 v5  }
0x211: {  	s9 =	simm.s32 $0x4420;
	v3 =	vmul.f32 v0, v14;
	v0 =	vunpack.i.u.bf16.f32 v4;
	[tilespmem:$0x1FEB0] =	vst v1;
	v1 =	vperm.xlane v19, v47  }
0x212: {  	v4 =	vunpack.i.l.bf16.f32 v4;
	v0 =	vmul.f32 v8, v0;
	[tilespmem:s9+$0xFFFFFF60] =	vst v19  }
0x213: {  	v4 =	vmul.f32 v15, v4;
	v8 =	vunpack.i.u.bf16.f32 v13;
	v50 =	vpop (erf);
	[tilespmem:$0x1FEC0] =	vst v1  }
0x214: {  	v8 =	vmul.f32 v10, v8;
	v10 =	vunpack.i.l.bf16.f32 v13;
	v1 =	vperm.xlane v50, v20;
	[tilespmem:s5+$0x30] =	vst v0  }
0x215: {  	s26 =	simm.s32 $0x1B40;
	v0 =	vmul.f32 v12, v10;
	[tilespmem:s5+$0x20] =	vst v4;
	v12 =	vpop (erf)  }
0x216: {  	v46 =	vperm.xlane v35, v31;
	v10 =	vld [tilespmem:s26+$0xFFFFFF80];
	[tilespmem:$0x1FED0] =	vst v1;
	v1 =	vperm.xlane v12, v34  }
0x217: {  	v49 =	vperm.xlane v35, v20;
	v30 =	vperm.xlane v44, v20;
	[tilespmem:s5+$0xA0] =	vst v8  }
0x218: {  	v45 =	vperm.xlane v44, v31;
	v25 =	vperm.xlane v44, v47;
	v14 =	vimm.s32 $0x1;
	[tilespmem:$0x1FEE0] =	vst v1  }
0x219: {  	v5 =	vunpack.i.u.bf16.f32 v5;
	v27 =	vperm.xlane v19, v14;
	[tilespmem:s5+$0x90] =	vst v0;
	v0 =	vperm.xlane v12, v47  }
0x21a: {  	v11 =	vperm.xlane v38, v20;
	v5 =	vmul.f32 v48, v5;
	v15 =	vimm.s32 $0x3;
	v8 =	vld [tilespmem:s8+$0x20]  }
0x21b: {  	v36 =	vperm.xlane v19, v15;
	v23 =	vperm.xlane v50, v47;
	v63 =	vld [tilespmem:s8+$0x50];
	[tilespmem:$0x1FEF0] =	vst v0  }
0x21c: {  	v24 =	vperm.xlane v50, v34;
	v52 =	vperm.xlane v50, v16;
	[tilespmem:s5+$0xFFFFFEF0] =	vst v6;
	v6 =	vunpack.i.u.bf16.f32 v10  }
0x21d: {  	v33 =	vperm.xlane v50, v22;
	v29 =	vpop (erf);
	v6 =	vmul.f32 v27, v6;
	v27 =	vmov v12  }
0x21e: {  	v37 =	vperm.xlane v50, v31;
	[tilespmem:s9+$0x80] =	vst v29;
	v0 =	vperm.xlane v27, v22  }
0x21f: {  	v4 =	vperm.xlane v19, v16;
	v26 =	vperm.xlane v12, v20;
	[tilespmem:s5+$0xFFFFFEE0] =	vst v2  }
0x220: {  	v32 =	vperm.xlane v12, v31;
	v42 =	vperm.xlane v12, v14;
	v60 =	vld [tilespmem:s26+$0x0];
	[tilespmem:$0x1FF00] =	vst v0  }
0x221: {  	s14 =	simm.s32 $0xB60;
	v40 =	vperm.xlane v29, v20;
	v54 =	vperm.xlane v29, v15;
	v2 =	vld [tilespmem:s8+$0xFFFFFF90]  }
0x222: {  	v57 =	vperm.xlane v29, v16;
	v1 =	vperm.xlane v50, v14;
	v10 =	vunpack.i.l.bf16.f32 v10;
	v53 =	vld [tilespmem:s14+$0xFFFFFFF0]  }
0x223: {  	v12 =	vmul.f32 v4, v10;
	v4 =	vperm.xlane v29, v14;
	v55 =	vld [tilespmem:s14+$0xFFFFFFE0]  }
0x224: {  	v61 =	vunpack.i.u.bf16.f32 v8;
	v10 =	vunpack.i.u.bf16.f32 v63;
	v59 =	vunpack.i.l.bf16.f32 v63;
	[tilespmem:s9+$0xFFFFFFF0] =	vst v27;
	v63 =	vld [tilespmem:s14+$0x10]  }
0x225: {  	s29 =	simm.s32 $0x560;
	v11 =	vmul.f32 v11, v61;
	v7 =	vmul.f32 v7, v10;
	v39 =	vld [tilespmem:s26+$0xFFFFFFC0];
	v62 =	vunpack.i.u.bf16.f32 v60  }
0x226: {  	v58 =	vld [tilespmem:s29+$0xFFFFFFE0];
	[tilespmem:s5+$0xFFFFFF70] =	vst v3;
	v3 =	vmul.f32 v9, v59;
	v4 =	vmul.f32 v4, v62  }
0x227: {  	v0 =	vld [tilespmem:s29+$0xFFFFFFF0];
	v43 =	vunpack.i.l.bf16.f32 v60;
	v60 =	vperm.xlane v27, v16;
	v62 =	vperm.xlane v38, v34  }
0x228: {  	v57 =	vmul.f32 v57, v43;
	v43 =	vperm.xlane v50, v15;
	[tilespmem:s9+$0x10] =	vst v4;
	v4 =	vunpack.i.l.bf16.f32 v8  }
0x229: {  	v56 =	vld [tilespmem:s29+$0x10];
	v10 =	vunpack.i.u.bf16.f32 v2;
	v53 =	vperm.xlane v53, v17;
	v55 =	vperm.xlane v55, v17  }
0x22a: {  	v63 =	vperm.xlane v63, v17;
	v61 =	vunpack.i.l.bf16.f32 v39;
	v10 =	vmul.f32 v41, v10;
	v41 =	vld [tilespmem:s14+$0x0]  }
0x22b: {  	[tilespmem:s9+$0x0] =	vst v57;
	v2 =	vunpack.i.l.bf16.f32 v2;
	v60 =	vmul.f32 v60, v61;
	v61 =	vperm.xlane v38, v22  }
0x22c: {  	v2 =	vmul.f32 v46, v2;
	v55 =	vadd.f32 v55, v58;
	v0 =	vadd.f32 v53, v0;
	v53 =	vld [tilespmem:s26+$0x10]  }
0x22d: {  	[tilespmem:s5+$0xFFFFFF80] =	vst v5;
	v8 =	vperm.xlane v29, v31;
	v46 =	vld [tilespmem:s29+$0x0];
	v4 =	vmul.f32 v61, v4  }
0x22e: {  	[tilespmem:s5+$0xFFFFFF00] =	vst v2;
	v2 =	vld [tilespmem:s8+$0xFFFFFFD0];
	v61 =	vadd.f32 v63, v56;
	v63 =	vmul.f32 $2.000000030e-01, v55;
	vm1 =	vgt.f32 v0, $0.0e+00  }
0x22f: {  	vm2 =	vgt.f32 v55, $0.0e+00;
	v5 =	vmul.f32 $2.000000030e-01, v0;
	v41 =	vperm.xlane v41, v17  }
0x230: {  	[tilespmem:s5+$0x50] =	vst v11;
	v9 =	vmul.f32 $2.000000030e-01, v61;
	v55 =	vsel vm2, v55, v63;
	vm2 =	vgt.f32 v61, $0.0e+00  }
0x231: {  	[tilespmem:s5+$0xFFFFFF10] =	vst v10;
	v0 =	vsel vm1, v0, v5;
	v58 =	vsub.f32 v55, v21;
	v10 =	vunpack.i.u.bf16.f32 v53  }
0x232: {  	[tilespmem:s5+$0xB0] =	vst v3;
	v59 =	vunpack.i.l.bf16.f32 v53;
	v41 =	vadd.f32 v41, v46;
	v9 =	vsel vm2, v61, v9  }
0x233: {  	[tilespmem:s5+$0x40] =	vst v4;
	v3 =	vmul.f32 v54, v10;
	v5 =	vmul.f32 v8, v59;
	v4 =	vunpack.i.l.bf16.f32 v2  }
0x234: {  	[tilespmem:s5+$0xC0] =	vst v7;
	v61 =	vld [tilespmem:s8+$0xFFFFFFA0];
	v10 =	vperm.xlane v44, v15;
	v9 =	vsub.f32 v9, v21;
	v46 =	vmul.f32 $1.442695020e+00, v58  }
0x235: {  	[tilespmem:s9+$0x110] =	vst v50;
	v0 =	vsub.f32 v0, v21;
	v8 =	vld [tilespmem:s8+$0x60];
	v4 =	vmul.f32 v45, v4;
	v7 =	vmul.f32 $2.000000030e-01, v41  }
0x236: {  	[tilespmem:s9+$0xFFFFFEF0] =	vst v6;
	v11 =	vld [tilespmem:s8+$0x30];
	vm1 =	vgt.f32 v41, $0.0e+00;
	v9 =	vmul.f32 $1.442695020e+00, v9;
	(erf) = vpow2.f32 v46  }
0x237: {  	[tilespmem:s9+$0xFFFFFF70] =	vst v60;
	v2 =	vunpack.i.u.bf16.f32 v2;
	v0 =	vmul.f32 $1.442695020e+00, v0;
	v7 =	vsel vm1, v41, v7  }
0x238: {  	v2 =	vmul.f32 v10, v2;
	[tilespmem:s5+$0xFFFFFF90] =	vst v4;
	(erf) = vpow2.f32 v9;
	v7 =	vsub.f32 v7, v21;
	v9 =	vld [tilespmem:s26+$0x40]  }
0x239: {  	v46 =	vperm.xlane v19, v20;
	v4 =	vld [tilespmem:$0x1FF10];
	v63 =	vunpack.i.u.bf16.f32 v61;
	(erf) = vpow2.f32 v0  }
0x23a: {  	v54 =	vmul.f32 v49, v63;
	v0 =	vunpack.i.l.bf16.f32 v8;
	v6 =	vmul.f32 $1.442695020e+00, v7  }
0x23b: {  	v7 =	vunpack.i.u.bf16.f32 v8;
	v0 =	vmul.f32 v51, v0;
	v8 =	vunpack.i.l.bf16.f32 v11  }
0x23c: {  	[tilespmem:s9+$0x20] =	vst v5;
	v5 =	vunpack.i.u.bf16.f32 v11;
	v51 =	vperm.xlane v35, v22;
	v10 =	vmul.f32 v62, v8  }
0x23d: {  	[tilespmem:s5+$0xFFFFFFA0] =	vst v2;
	(erf) = vpow2.f32 v6;
	v6 =	vperm.xlane v38, v47;
	v2 =	vunpack.i.u.bf16.f32 v9  }
0x23e: {  	[tilespmem:s9+$0x30] =	vst v3;
	v4 =	vmul.f32 v4, v7;
	v3 =	vunpack.i.l.bf16.f32 v9;
	v1 =	vmul.f32 v1, v2  }
0x23f: {  	v3 =	vmul.f32 v52, v3;
	v11 =	vmul.f32 v6, v5;
	v35 =	vpop (erf)  }
0x240: {  	s1 =	simm.s32 $0x4660;
	[tilespmem:s5+$0xFFFFFF30] =	vst v54;
	v57 =	vperm.xlane v35, v31;
	v48 =	vperm.xlane v35, v34  }
0x241: {  	v62 =	vunpack.i.l.bf16.f32 v61;
	v56 =	vperm.xlane v35, v15;
	v44 =	vperm.xlane v35, v47;
	[tilespmem:s1+$0xFFFFFF60] =	vst v35  }
0x242: {  	s11 =	simm.s32 $0x1C40;
	v7 =	vld [tilespmem:s8+$0xFFFFFFE0];
	[tilespmem:s9+$0xA0] =	vst v1;
	v2 =	vperm.xlane v35, v16;
	v1 =	vmul.f32 v51, v62;
	v50 =	vpop (erf)  }
0x243: {  	[tilespmem:s9+$0x90] =	vst v3;
	v9 =	vld [tilespmem:s11+$0xFFFFFF80];
	v58 =	vperm.xlane v50, v47;
	v41 =	vperm.xlane v50, v20  }
0x244: {  	[tilespmem:s5+$0xE0] =	vst v4;
	v4 =	vld [tilespmem:s26+$0x50];
	v59 =	vperm.xlane v50, v34;
	v55 =	vperm.xlane v50, v14  }
0x245: {  	[tilespmem:s5+$0xD0] =	vst v0;
	v49 =	vpop (erf);
	v54 =	vperm.xlane v50, v16;
	v53 =	vperm.xlane v50, v22  }
0x246: {  	v0 =	vld [tilespmem:s8+$0x70];
	v45 =	vperm.xlane v49, v34;
	v34 =	vperm.xlane v35, v14  }
0x247: {  	[tilespmem:s9+$0xFFFFFEE0] =	vst v12;
	v8 =	vunpack.i.u.bf16.f32 v7;
	v61 =	vperm.xlane v49, v20;
	v52 =	vperm.xlane v49, v31  }
0x248: {  	v63 =	vld [tilespmem:s26+$0x20];
	[tilespmem:s5+$0x60] =	vst v10;
	v3 =	vunpack.i.l.bf16.f32 v7;
	v47 =	vperm.xlane v49, v47;
	v60 =	vperm.xlane v49, v14  }
0x249: {  	v5 =	vld [tilespmem:s26+$0xFFFFFF90];
	[tilespmem:s5+$0xFFFFFF20] =	vst v1;
	v38 =	vpop (erf);
	v10 =	vunpack.i.u.bf16.f32 v9;
	v62 =	vunpack.i.l.bf16.f32 v9;
	v6 =	vunpack.i.u.bf16.f32 v4  }
0x24a: {  	[tilespmem:s1+$0x80] =	vst v38;
	v1 =	vunpack.i.l.bf16.f32 v4;
	v4 =	vld [tilespmem:s8+$0xFFFFFFB0];
	v10 =	vmul.f32 v34, v10;
	v51 =	vmul.f32 v2, v62  }
0x24b: {  	s12 =	simm.s32 $0x8;
	s13 =	simm.s32 $0xBA0;
	s14 =	simm.s32 $0x5A0;
	v17 =	vmovc v19;
	[tilespmem:s1+$0xFFFFFFF0] =	vst v49;
	v7 =	vunpack.i.u.bf16.f32 v0;
	v9 =	vld [tilespmem:s11+$0x0];
	v62 =	vperm.xlane v49, v22;
	v2 =	vperm.xlane v38, v14  }
.LBB2_7:
0x24c: {  	_ = 	snop  }
0x24d: {  	v12 =	vld [tilespmem:s11+$0xFFFFFFC0];
	v8 =	vmul.f32 v30, v8;
	[tilespmem:s5+$0x70] =	vst v11;
	v11 =	vunpack.i.l.bf16.f32 v0  }
0x24e: {  	v14 =	vld [tilespmem:s13+$0xFFFFFFF0];
	v11 =	vmul.f32 v28, v11  }
0x24f: {  	v34 =	vmovc v33;
	v33 =	vmovc v32;
	v32 =	vmov v27;
	v27 =	vmov v25;
	v25 =	vmov v59;
	v59 =	vld [tilespmem:s14+$0x10];
	[tilespmem:s5+$0xFFFFFFC0] =	vst v8  }
0x250: {  	[tilespmem:s5+$0xF0] =	vst v11;
	v11 =	vld [tilespmem:$0x1FE70];
	v8 =	vunpack.i.u.bf16.f32 v9  }
0x251: {  	v2 =	vmul.f32 v2, v8;
	v8 =	vld [tilespmem:$0x1FE90];
	_ =	sdelay $0x3  }
0x252: {  	v28 =	vmov v17  }
0x253: {  	v17 =	vimm.s32 $0x0;
	v7 =	vmul.f32 v11, v7;
	v11 =	vmovc v23;
	v23 =	vmul.f32 v8, v3;
	v8 =	vld [tilespmem:$0x1FF00];
	v3 =	vmovc v62  }
0x254: {  	[tilespmem:$0x1FF00] =	vst v3;
	v3 =	vperm.xlane v49, v17;
	v17 =	vld [tilespmem:$0x1FE50];
	_ =	sdelay $0x1  }
0x255: {  	v0 =	vperm.xlane v38, v15;
	v15 =	vperm.xlane v38, v16  }
0x256: {  	v9 =	vunpack.i.l.bf16.f32 v9  }
0x257: {  	v9 =	vmul.f32 v15, v9;
	v15 =	vunpack.i.l.bf16.f32 v4  }
0x258: {  	v15 =	vmul.f32 v17, v15;
	v17 =	vld [tilespmem:$0x1FEB0];
	_ =	sdelay $0x2  }
0x259: {  	[tilespmem:s1+$0xFFFFFEF0] =	vst v10  }
0x25a: {  	[tilespmem:s5+$0x100] =	vst v7;
	v7 =	vld [tilespmem:s13+$0xFFFFFFE0]  }
0x25b: {  	v20 =	vunpack.i.u.bf16.f32 v63;
	v10 =	vmov v8;
	v8 =	vld [tilespmem:s14+$0xFFFFFFE0];
	[tilespmem:s5+$0xFFFFFF40] =	vst v15;
	v17 =	vmov v17  }
0x25c: {  	v16 =	vmul.f32 v40, v20;
	v15 =	vmov v48;
	[tilespmem:$0x1FE50] =	vst v17;
	v17 =	vld [tilespmem:$0x1FFF0]  }
0x25d: {  	[tilespmem:$0x1FEB0] =	vst v15;
	v15 =	vld [tilespmem:$0x1FEA0]  }
0x25e: {  	[tilespmem:s9+$0x50] =	vst v16  }
0x25f: {  	v21 =	vimm.s32 $0x5;
	[tilespmem:s1+$0x10] =	vst v2  }
0x260: {  	v6 =	vmul.f32 v43, v6;
	v13 =	vperm.xlane v38, v21;
	[tilespmem:$0x1FE70] =	vst v11;
	v11 =	vld [tilespmem:s14+$0xFFFFFFF0]  }
0x261: {  	v2 =	vunpack.i.u.bf16.f32 v5;
	v5 =	vunpack.i.l.bf16.f32 v5;
	[tilespmem:s5+$0xFFFFFFB0] =	vst v23;
	v14 =	vperm.xlane v14, v17;
	v17 =	vld [tilespmem:s13+$0x10]  }
0x262: {  	v5 =	vmul.f32 v15, v5;
	[tilespmem:s9+$0xC0] =	vst v6;
	v6 =	vld [tilespmem:$0x1FE60]  }
0x263: {  	v40 =	vmov v13;
	v13 =	vunpack.i.u.bf16.f32 v39;
	v62 =	vld [tilespmem:s8+$0xFFFFFFF0];
	[tilespmem:$0x1FE90] =	vst v10  }
0x264: {  	v19 =	vimm.s32 $0x3;
	v15 =	vmov v57;
	[tilespmem:s9+$0xFFFFFF00] =	vst v5;
	v5 =	vmul.f32 v42, v13  }
0x265: {  	v39 =	vmovc v12;
	v10 =	vunpack.i.l.bf16.f32 v12;
	v12 =	vperm.xlane v50, v19;
	v19 =	vimm.s32 $0x4;
	[tilespmem:$0x1FEA0] =	vst v15  }
0x266: {  	v4 =	vunpack.i.u.bf16.f32 v4;
	v2 =	vmul.f32 v36, v2;
	v15 =	vperm.xlane v29, v19;
	[tilespmem:s9+$0xFFFFFF80] =	vst v5;
	v5 =	vld [tilespmem:$0x1FE80]  }
0x267: {  	v3 =	vmul.f32 v3, v10;
	v10 =	vunpack.i.l.bf16.f32 v63;
	v43 =	vmovc v12;
	v12 =	vld [tilespmem:s13+$0x0];
	[tilespmem:s1+$0x0] =	vst v9;
	v4 =	vmul.f32 v6, v4  }
0x268: {  	[tilespmem:s9+$0xFFFFFF10] =	vst v2;
	v13 =	vunpack.i.u.bf16.f32 v62;
	v2 =	vmul.f32 v15, v10;
	v15 =	vld [tilespmem:$0x1FEC0]  }
0x269: {  	s8 =	smov.u32 s26;
	v6 =	vperm.xlane v7, v18;
	v7 =	vld [tilespmem:s14+$0x0];
	[tilespmem:s5+$0xFFFFFF50] =	vst v4;
	v4 =	vmul.f32 v27, v13  }
0x26a: {  	v16 =	vperm.xlane v17, v18;
	v17 =	vunpack.i.l.bf16.f32 v62;
	v13 =	vld [tilespmem:s8+$0xFFFFFFD0]  }
0x26b: {  	v17 =	vmul.f32 v5, v17;
	v5 =	vmov v45;
	[tilespmem:s5+$0xFFFFFFE0] =	vst v4;
	v4 =	vld [tilespmem:$0x1FEE0]  }
0x26c: {  	v31 =	vmovc v26;
	v30 =	vmov v24;
	v24 =	vmov v58;
	v22 =	vimm.s32 $0x2;
	[tilespmem:$0x1FEE0] =	vst v5;
	v5 =	vld [tilespmem:$0x1FEF0]  }
0x26d: {  	v26 =	vmovc v61;
	v61 =	vperm.xlane v50, v22;
	v11 =	vadd.f32 v14, v11;
	v14 =	vld [tilespmem:s11+$0x10];
	v6 =	vadd.f32 v6, v8  }
0x26e: {  	v20 =	vimm.s32 $0x6;
	v10 =	vmovc v44;
	v8 =	vperm.xlane v12, v18;
	v12 =	vadd.f32 v16, v59;
	[tilespmem:s5+$0xFFFFFFD0] =	vst v17;
	v17 =	vld [tilespmem:$0x1FFE0]  }
0x26f: {  	v23 =	vmovc v24;
	v9 =	vperm.xlane v38, v22;
	[tilespmem:$0x1FEC0] =	vst v10;
	vm1 =	vgt.f32 v11, $0.0e+00;
	v10 =	vmul.f32 $2.000000030e-01, v6  }
0x270: {  	v24 =	vmovc v25;
	v63 =	vmovc v15;
	v27 =	vmul.f32 v37, v1;
	[tilespmem:s1+$0xFFFFFF70] =	vst v3;
	vm2 =	vgt.f32 v6, $0.0e+00;
	vm3 =	vgt.f32 v12, $0.0e+00  }
0x271: {  	v15 =	vmovc v4;
	v4 =	vmul.f32 $2.000000030e-01, v11;
	v25 =	vmovc v5;
	v5 =	vsel vm2, v6, v10;
	v6 =	vadd.f32 v8, v7  }
0x272: {  	v1 =	vmovc v47;
	v7 =	vunpack.i.u.bf16.f32 v14;
	v8 =	vunpack.i.l.bf16.f32 v14;
	[tilespmem:$0x1FE80] =	vst v15;
	v15 =	vmul.f32 $2.000000030e-01, v12  }
0x273: {  	[tilespmem:$0x1FEF0] =	vst v1;
	s5 =	smov.u32 s9;
	v1 =	vsub.f32 v5, v17;
	v0 =	vmul.f32 v0, v7;
	v3 =	vmul.f32 v9, v8  }
0x274: {  	[tilespmem:s5+$0xB0] =	vst v27;
	v10 =	vmul.f32 $2.000000030e-01, v6;
	v4 =	vsel vm1, v11, v4;
	v5 =	vsel vm3, v12, v15  }
0x275: {  	[tilespmem:s5+$0x40] =	vst v2;
	v2 =	vld [tilespmem:s8+$0x60];
	vm1 =	vgt.f32 v6, $0.0e+00;
	v15 =	vimm.s32 $0x3;
	v5 =	vsub.f32 v5, v17  }
0x276: {  	v7 =	vld [tilespmem:s8+$0xFFFFFFA0];
	v1 =	vmul.f32 $1.442695020e+00, v1;
	v4 =	vsub.f32 v4, v17;
	v8 =	vperm.xlane v32, v15  }
0x277: {  	v9 =	vld [tilespmem:s8+$0x30];
	[tilespmem:s1+$0x30] =	vst v0;
	v0 =	vunpack.i.u.bf16.f32 v13;
	v6 =	vsel vm1, v6, v10;
	v5 =	vmul.f32 $1.442695020e+00, v5  }
0x278: {  	s26 =	smov.u32 s11;
	[tilespmem:s1+$0x110] =	vst v50;
	(erf) = vpow2.f32 v1;
	v1 =	vunpack.i.l.bf16.f32 v13;
	v0 =	vmul.f32 v8, v0  }
0x279: {  	v1 =	vmul.f32 v33, v1;
	(erf) = vpow2.f32 v5;
	v5 =	vsub.f32 v6, v17;
	v6 =	vld [tilespmem:s26+$0x40]  }
0x27a: {  	v11 =	vunpack.i.u.bf16.f32 v2;
	v2 =	vunpack.i.l.bf16.f32 v2;
	v4 =	vmul.f32 $1.442695020e+00, v4;
	[tilespmem:s5+$0xFFFFFFA0] =	vst v0;
	v0 =	vld [tilespmem:$0x1FED0]  }
0x27b: {  	v58 =	vperm.xlane v29, v20;
	v10 =	vunpack.i.u.bf16.f32 v7;
	[tilespmem:s5+$0xFFFFFF90] =	vst v1;
	v1 =	vmul.f32 v34, v2  }
0x27c: {  	v13 =	vimm.s32 $0x7;
	(erf) = vpow2.f32 v4;
	v4 =	vmul.f32 v46, v10  }
0x27d: {  	v10 =	vunpack.i.l.bf16.f32 v9;
	v46 =	vperm.xlane v35, v21;
	v5 =	vmul.f32 $1.442695020e+00, v5  }
0x27e: {  	v2 =	vmovc v41;
	v8 =	vmul.f32 v58, v10;
	v10 =	vunpack.i.l.bf16.f32 v7;
	[tilespmem:s5+$0xFFFFFF30] =	vst v4;
	v4 =	vperm.xlane v28, v19  }
0x27f: {  	[tilespmem:$0x1FED0] =	vst v2;
	(erf) = vpow2.f32 v5;
	v0 =	vmul.f32 v0, v11;
	v2 =	vunpack.i.u.bf16.f32 v6  }
0x280: {  	[tilespmem:s5+$0xD0] =	vst v1;
	v1 =	vunpack.i.l.bf16.f32 v6;
	v6 =	vperm.xlane v29, v13;
	v4 =	vmul.f32 v4, v10  }
0x281: {  	v17 =	vmov v35;
	v35 =	vpop (erf);
	v2 =	vmul.f32 v55, v2;
	v1 =	vmul.f32 v54, v1  }
0x282: {  	v16 =	vimm.s32 $0x0;
	s9 =	smov.u32 s1;
	v5 =	vld [tilespmem:s8+$0xFFFFFFE0];
	[tilespmem:s5+$0xE0] =	vst v0;
	v57 =	vperm.xlane v35, v22;
	v48 =	vperm.xlane v35, v20  }
0x283: {  	v36 =	vmovc v56;
	v14 =	vimm.s32 $0x1;
	v56 =	vperm.xlane v35, v15;
	v44 =	vperm.xlane v35, v13;
	v0 =	vld [tilespmem:s8+$0x70];
	[tilespmem:s9+$0xA0] =	vst v2  }
0x284: {  	s1 =	sadd.s32 $0x240, s1;
	v2 =	vperm.xlane v35, v16;
	[tilespmem:s9+$0x90] =	vst v1;
	v1 =	vperm.xlane v35, v14;
	v50 =	vpop (erf)  }
0x285: {  	s11 =	sadd.s32 $0x100, s11;
	[tilespmem:s1+$0xFFFFFF60] =	vst v35;
	v58 =	vperm.xlane v50, v13;
	v41 =	vperm.xlane v50, v21  }
0x286: {  	v27 =	vmov v49;
	[tilespmem:s9+$0x20] =	vst v3;
	v11 =	vld [tilespmem:s11+$0xFFFFFF80];
	v59 =	vperm.xlane v50, v20;
	v55 =	vperm.xlane v50, v14  }
0x287: {  	s12 =	sadd.s32 $0x4, s12;
	[tilespmem:$0x1FE60] =	vst v63;
	v63 =	vld [tilespmem:s26+$0x20];
	v33 =	vmov v53;
	v49 =	vpop (erf);
	v54 =	vperm.xlane v50, v16;
	v53 =	vperm.xlane v50, v19  }
0x288: {  	p1 =	slt.u32 s12, $0x2C;
	v37 =	vmovc v61;
	[tilespmem:s5+$0x60] =	vst v8;
	v8 =	vunpack.i.u.bf16.f32 v5;
	v12 =	vld [tilespmem:s26+$0x50];
	v45 =	vperm.xlane v49, v20;
	v61 =	vperm.xlane v49, v21  }
.Ltmp2:
0x289: {  	v42 =	vmovc v60;
	v32 =	vmovc v52;
	v3 =	vunpack.i.l.bf16.f32 v5;
	v52 =	vperm.xlane v49, v22;
	v47 =	vperm.xlane v49, v13;
	(pc) =	sbr.rel @p1 .LBB2_7-.Ltmp2, $4  }
0x28a: {  	v29 =	vmovc v38;
	[tilespmem:s9+$0xFFFFFEE0] =	vst v51;
	v5 =	vunpack.i.u.bf16.f32 v9;
	v60 =	vperm.xlane v49, v14;
	v62 =	vperm.xlane v49, v19  }
0x28b: {  	v38 =	vpop (erf);
	v9 =	vunpack.i.u.bf16.f32 v11;
	v13 =	vunpack.i.l.bf16.f32 v11;
	v11 =	vmul.f32 v6, v5;
	v5 =	vld [tilespmem:s26+$0xFFFFFF90];
	[tilespmem:s5+$0xFFFFFF20] =	vst v4  }
0x28c: {  	v7 =	vunpack.i.u.bf16.f32 v0;
	[tilespmem:s1+$0x80] =	vst v38;
	v10 =	vmul.f32 v1, v9;
	v51 =	vmul.f32 v2, v13;
	v4 =	vld [tilespmem:s8+$0xFFFFFFB0]  }
0x28d: {  	s13 =	sadd.s32 $0x40, s13;
	s14 =	sadd.s32 $0x40, s14;
	v28 =	vmovc v30;
	v30 =	vmovc v31;
	[tilespmem:s1+$0xFFFFFFF0] =	vst v49;
	v6 =	vunpack.i.u.bf16.f32 v12;
	v2 =	vperm.xlane v38, v14;
	v1 =	vunpack.i.l.bf16.f32 v12;
	v9 =	vld [tilespmem:s11+$0x0]  }
0x28e: {  	v8 =	vmul.f32 v30, v8;
	v0 =	vunpack.i.l.bf16.f32 v0  }
0x28f: {  	[tilespmem:s5+$0x70] =	vst v11;
	v0 =	vmul.f32 v28, v0  }
0x290: {  	[tilespmem:s5+$0xFFFFFFC0] =	vst v8  }
0x291: {  	[tilespmem:s5+$0xF0] =	vst v0  }
0x292: {  	v0 =	vld [tilespmem:$0x1FE70];
	_ =	sdelay $0x3  }
0x293: {  	[tilespmem:s1+$0xFFFFFEF0] =	vst v10  }
0x294: {  	v0 =	vmul.f32 v0, v7;
	v7 =	vld [tilespmem:$0x1FE90];
	_ =	sdelay $0x4  }
0x295: {  	v3 =	vmul.f32 v7, v3;
	v7 =	vunpack.i.u.bf16.f32 v9  }
0x296: {  	[tilespmem:s5+$0x100] =	vst v0;
	v2 =	vmul.f32 v2, v7  }
0x297: {  	[tilespmem:s5+$0xFFFFFFB0] =	vst v3  }
0x298: {  	[tilespmem:s1+$0x10] =	vst v2  }
0x299: {  	v2 =	vld [tilespmem:$0x1FE50];
	_ =	sdelay $0x1  }
0x29a: {  	v31 =	vunpack.i.u.bf16.f32 v63;
	v7 =	vperm.xlane v38, v16  }
0x29b: {  	v0 =	vmul.f32 v40, v31;
	v40 =	vunpack.i.l.bf16.f32 v9  }
0x29c: {  	v34 =	vunpack.i.l.bf16.f32 v4;
	v3 =	vmul.f32 v7, v40  }
0x29d: {  	[tilespmem:s9+$0x50] =	vst v0;
	v2 =	vmul.f32 v2, v34  }
0x29e: {  	[tilespmem:s1+$0x0] =	vst v3  }
0x29f: {  	[tilespmem:s5+$0xFFFFFF40] =	vst v2  }
0x2a0: {  	v3 =	vld [tilespmem:$0x1FEA0];
	_ =	sdelay $0x3  }
0x2a1: {  	v6 =	vmul.f32 v43, v6;
	v43 =	vunpack.i.l.bf16.f32 v5  }
0x2a2: {  	v2 =	vmul.f32 v3, v43  }
0x2a3: {  	[tilespmem:s9+$0xC0] =	vst v6  }
0x2a4: {  	[tilespmem:s9+$0xFFFFFF00] =	vst v2  }
0x2a5: {  	v6 =	vld [tilespmem:$0x1FE60]  }
0x2a6: {  	v0 =	vld [tilespmem:s8+$0xFFFFFFF0]  }
0x2a7: {  	v28 =	vunpack.i.u.bf16.f32 v5  }
0x2a8: {  	v30 =	vunpack.i.u.bf16.f32 v39;
	v3 =	vmul.f32 v36, v28  }
0x2a9: {  	v31 =	vmul.f32 v42, v30;
	v34 =	vunpack.i.u.bf16.f32 v4  }
0x2aa: {  	[tilespmem:s9+$0xFFFFFF10] =	vst v3;
	v4 =	vmul.f32 v6, v34  }
0x2ab: {  	v36 =	vunpack.i.u.bf16.f32 v0;
	[tilespmem:s9+$0xFFFFFF80] =	vst v31  }
0x2ac: {  	v3 =	vmul.f32 v25, v36;
	v6 =	vld [tilespmem:s26+$0xFFFFFFD0];
	[tilespmem:s5+$0xFFFFFF50] =	vst v4  }
0x2ad: {  	v7 =	vld [tilespmem:$0x1FE80]  }
0x2ae: {  	v40 =	vperm.xlane v29, v19;
	[tilespmem:s5+$0xFFFFFFE0] =	vst v3;
	v3 =	vld [tilespmem:s26+$0xFFFFFFA0]  }
0x2af: {  	v1 =	vmul.f32 v37, v1;
	v5 =	vld [tilespmem:s11+$0xFFFFFFC0];
	v8 =	vunpack.i.l.bf16.f32 v63  }
0x2b0: {  	v4 =	vmul.f32 v40, v8;
	v8 =	vperm.xlane v27, v15  }
0x2b1: {  	v39 =	vld [tilespmem:s11+$0x10];
	v28 =	vunpack.i.u.bf16.f32 v6  }
0x2b2: {  	v0 =	vunpack.i.l.bf16.f32 v0;
	[tilespmem:s9+$0xB0] =	vst v1;
	v30 =	vmul.f32 v8, v28  }
0x2b3: {  	[tilespmem:s1+$0x110] =	vst v50;
	v0 =	vmul.f32 v7, v0;
	v7 =	vperm.xlane v49, v16;
	v9 =	vunpack.i.u.bf16.f32 v3  }
0x2b4: {  	v42 =	vunpack.i.l.bf16.f32 v5;
	[tilespmem:s9+$0x40] =	vst v4;
	v25 =	vunpack.i.l.bf16.f32 v6;
	v6 =	vmul.f32 v46, v9  }
0x2b5: {  	[tilespmem:s9+$0xFFFFFFA0] =	vst v30;
	v1 =	vmul.f32 v7, v42;
	v7 =	vperm.xlane v38, v15  }
0x2b6: {  	v63 =	vunpack.i.u.bf16.f32 v39;
	[tilespmem:s5+$0xFFFFFFD0] =	vst v0  }
0x2b7: {  	[tilespmem:s9+$0xFFFFFF30] =	vst v6;
	v4 =	vmul.f32 v7, v63  }
0x2b8: {  	[tilespmem:s1+$0xFFFFFF70] =	vst v1;
	v1 =	vmul.f32 v32, v25  }
0x2b9: {  	v43 =	vld [tilespmem:s26+$0x60];
	[tilespmem:s1+$0x30] =	vst v4  }
0x2ba: {  	[tilespmem:s9+$0xFFFFFF90] =	vst v1  }
0x2bb: {  	v11 =	vimm.s32 $0x2;
	v1 =	vld [tilespmem:$0x1FED0]  }
0x2bc: {  	v6 =	vperm.xlane v38, v11  }
0x2bd: {  	v2 =	vunpack.i.l.bf16.f32 v39;
	v9 =	vld [tilespmem:s11+$0x40]  }
0x2be: {  	v31 =	vunpack.i.l.bf16.f32 v43;
	v2 =	vmul.f32 v6, v2  }
0x2bf: {  	v0 =	vunpack.i.u.bf16.f32 v43;
	v4 =	vmul.f32 v33, v31  }
0x2c0: {  	v7 =	vld [tilespmem:s26+$0x30];
	[tilespmem:s1+$0x20] =	vst v2;
	v0 =	vmul.f32 v1, v0  }
0x2c1: {  	v10 =	vimm.s32 $0x6;
	v5 =	vunpack.i.u.bf16.f32 v5;
	[tilespmem:s9+$0xD0] =	vst v4  }
0x2c2: {  	v8 =	vimm.s32 $0x7;
	v46 =	vmul.f32 v60, v5;
	v37 =	vunpack.i.l.bf16.f32 v9;
	v36 =	vld [tilespmem:s26+$0xFFFFFFE0];
	[tilespmem:s9+$0xE0] =	vst v0  }
0x2c3: {  	v6 =	vperm.xlane v17, v19;
	v34 =	vunpack.i.u.bf16.f32 v9;
	[tilespmem:s1+$0xFFFFFEE0] =	vst v51;
	v4 =	vmul.f32 v54, v37;
	v39 =	vld [tilespmem:s26+$0x70]  }
0x2c4: {  	v3 =	vunpack.i.l.bf16.f32 v3;
	v32 =	vperm.xlane v29, v10;
	[tilespmem:s1+$0xFFFFFF80] =	vst v46;
	v0 =	vmul.f32 v55, v34  }
0x2c5: {  	v40 =	vperm.xlane v29, v8;
	v3 =	vmul.f32 v6, v3;
	v33 =	vunpack.i.l.bf16.f32 v7;
	[tilespmem:s1+$0x90] =	vst v4  }
0x2c6: {  	v42 =	vunpack.i.u.bf16.f32 v7;
	v1 =	vmul.f32 v32, v33;
	[tilespmem:s1+$0xA0] =	vst v0  }
0x2c7: {  	[tilespmem:s9+$0xFFFFFF20] =	vst v3;
	v51 =	vunpack.i.u.bf16.f32 v36;
	v0 =	vmul.f32 v40, v42;
	v43 =	vld [tilespmem:s11+$0x50]  }
0x2c8: {  	v6 =	vld [tilespmem:s11+$0xFFFFFF90];
	v5 =	vmul.f32 v26, v51;
	[tilespmem:s9+$0x60] =	vst v1;
	v54 =	vunpack.i.l.bf16.f32 v39  }
0x2c9: {  	[tilespmem:s9+$0x70] =	vst v0;
	v0 =	vmul.f32 v24, v54  }
0x2ca: {  	v60 =	vld [tilespmem:s11+$0xFFFFFFD0];
	[tilespmem:s9+$0xFFFFFFC0] =	vst v5  }
0x2cb: {  	v63 =	vperm.xlane v50, v11;
	v1 =	vunpack.i.u.bf16.f32 v39;
	[tilespmem:s9+$0xF0] =	vst v0  }
0x2cc: {  	v1 =	vmul.f32 v23, v1;
	v4 =	vunpack.i.l.bf16.f32 v43;
	v7 =	vld [tilespmem:$0x1FF00]  }
0x2cd: {  	v27 =	vunpack.i.l.bf16.f32 v6;
	v0 =	vmul.f32 v63, v4  }
0x2ce: {  	v25 =	vld [tilespmem:s11+$0x20];
	v28 =	vunpack.i.u.bf16.f32 v6;
	v4 =	vmul.f32 v57, v27;
	[tilespmem:s9+$0x100] =	vst v1  }
0x2cf: {  	v9 =	vimm.s32 $0x5;
	v29 =	vunpack.i.l.bf16.f32 v60;
	v1 =	vmul.f32 v56, v28;
	[tilespmem:s1+$0xB0] =	vst v0  }
0x2d0: {  	v2 =	vunpack.i.l.bf16.f32 v36;
	v55 =	vperm.xlane v50, v15;
	[tilespmem:s1+$0xFFFFFF00] =	vst v4;
	v0 =	vmul.f32 v52, v29  }
0x2d1: {  	v6 =	vperm.xlane v49, v15;
	[tilespmem:s1+$0xFFFFFF10] =	vst v1;
	v2 =	vmul.f32 v7, v2;
	v7 =	vunpack.i.u.bf16.f32 v43  }
0x2d2: {  	v30 =	vperm.xlane v38, v9;
	v5 =	vunpack.i.u.bf16.f32 v60;
	[tilespmem:s1+$0xFFFFFF90] =	vst v0;
	v24 =	vmul.f32 v55, v7  }
0x2d3: {  	v32 =	vunpack.i.u.bf16.f32 v25;
	v31 =	vmul.f32 v6, v5;
	[tilespmem:s9+$0xFFFFFFB0] =	vst v2  }
0x2d4: {  	v26 =	vld [tilespmem:s26+$0xFFFFFFB0];
	v4 =	vmul.f32 v30, v32;
	[tilespmem:s1+$0xC0] =	vst v24  }
0x2d5: {  	v6 =	vld [tilespmem:$0x1FEB0];
	[tilespmem:s1+$0xFFFFFFA0] =	vst v31  }
0x2d6: {  	v7 =	vld [tilespmem:s11+$0x60];
	[tilespmem:s1+$0x50] =	vst v4  }
0x2d7: {  	v4 =	vld [tilespmem:$0x1FEC0]  }
0x2d8: {  	v36 =	vperm.xlane v38, v19  }
0x2d9: {  	v3 =	vunpack.i.l.bf16.f32 v25;
	v34 =	vld [tilespmem:s11+$0xFFFFFFA0]  }
0x2da: {  	v33 =	vunpack.i.l.bf16.f32 v26;
	v1 =	vmul.f32 v36, v3  }
0x2db: {  	v2 =	vunpack.i.u.bf16.f32 v26;
	v5 =	vmul.f32 v6, v33  }
0x2dc: {  	v37 =	vld [tilespmem:s11+$0xFFFFFFE0];
	[tilespmem:s1+$0x40] =	vst v1;
	v39 =	vunpack.i.l.bf16.f32 v7;
	v2 =	vmul.f32 v4, v2  }
0x2dd: {  	v6 =	vunpack.i.u.bf16.f32 v7;
	v7 =	vperm.xlane v35, v19;
	v3 =	vmul.f32 v53, v39;
	[tilespmem:s9+$0xFFFFFF40] =	vst v5  }
0x2de: {  	v40 =	vperm.xlane v35, v9;
	v0 =	vunpack.i.l.bf16.f32 v34;
	v43 =	vmul.f32 v41, v6;
	[tilespmem:s9+$0xFFFFFF50] =	vst v2  }
0x2df: {  	v6 =	vunpack.i.u.bf16.f32 v34;
	v0 =	vmul.f32 v7, v0;
	[tilespmem:s1+$0xD0] =	vst v3  }
0x2e0: {  	v2 =	vmul.f32 v40, v6;
	[tilespmem:s1+$0xE0] =	vst v43  }
0x2e1: {  	v49 =	vunpack.i.u.bf16.f32 v37;
	v50 =	vld [tilespmem:s11+$0x70];
	[tilespmem:s1+$0xFFFFFF20] =	vst v0  }
0x2e2: {  	v42 =	vld [tilespmem:s26+$0xFFFFFFF0];
	v1 =	vmul.f32 v61, v49;
	[tilespmem:s1+$0xFFFFFF30] =	vst v2  }
0x2e3: {  	v6 =	vld [tilespmem:$0x1FEF0]  }
0x2e4: {  	[tilespmem:s1+$0xFFFFFFC0] =	vst v1;
	v53 =	vld [tilespmem:s11+$0xFFFFFFB0]  }
0x2e5: {  	v4 =	vunpack.i.l.bf16.f32 v37;
	v7 =	vld [tilespmem:$0x1FEE0]  }
0x2e6: {  	v51 =	vmul.f32 v62, v4;
	v56 =	vunpack.i.l.bf16.f32 v50  }
0x2e7: {  	v46 =	vld [tilespmem:s11+$0x30];
	v2 =	vunpack.i.u.bf16.f32 v50;
	v57 =	vmul.f32 v59, v56  }
0x2e8: {  	v52 =	vunpack.i.u.bf16.f32 v42;
	[tilespmem:s1+$0xFFFFFFB0] =	vst v51;
	v2 =	vmul.f32 v58, v2  }
0x2e9: {  	v5 =	vunpack.i.l.bf16.f32 v42;
	v55 =	vld [tilespmem:s11+$0xFFFFFFF0];
	v4 =	vmul.f32 v6, v52;
	[tilespmem:s1+$0xF0] =	vst v57  }
0x2ea: {  	v58 =	vunpack.i.l.bf16.f32 v53;
	v5 =	vmul.f32 v7, v5;
	[tilespmem:s1+$0x100] =	vst v2  }
0x2eb: {  	v6 =	vperm.xlane v38, v10;
	v1 =	vunpack.i.u.bf16.f32 v53;
	v59 =	vmul.f32 v48, v58;
	[tilespmem:s9+$0xFFFFFFE0] =	vst v4  }
0x2ec: {  	v54 =	vunpack.i.l.bf16.f32 v46;
	v7 =	vperm.xlane v38, v8;
	v1 =	vmul.f32 v44, v1;
	[tilespmem:s9+$0xFFFFFFD0] =	vst v5  }
0x2ed: {  	v3 =	vunpack.i.u.bf16.f32 v46;
	v0 =	vmul.f32 v6, v54;
	[tilespmem:s1+$0xFFFFFF40] =	vst v59  }
0x2ee: {  	s0 =	sand.u32 $0x3, s0;
	v60 =	vunpack.i.u.bf16.f32 v55;
	v3 =	vmul.f32 v7, v3;
	[tilespmem:s1+$0xFFFFFF50] =	vst v1  }
0x2ef: {  	s0 =	smul.u32 $0x180, s0;
	v62 =	vunpack.i.l.bf16.f32 v55;
	v61 =	vmul.f32 v47, v60;
	[tilespmem:s1+$0x60] =	vst v0  }
0x2f0: {  	v63 =	vmul.f32 v45, v62;
	[tilespmem:s1+$0x70] =	vst v3  }
0x2f1: {  	s0 =	sshrl.u32 s0, $0x2;
	[tilespmem:s1+$0xFFFFFFE0] =	vst v61  }
0x2f2: {  	s12 =	simm.s32 $0x40C0;
	s0 =	sadd.s32 $0x30, s0;
	[tilespmem:s1+$0xFFFFFFD0] =	vst v63  }
0x2f3: {  	[spmem:s3] =	stream.indirect.scatter.add.f32 [tilespmem:s12], [sflag:$0xA], $0x90, s0, s31, $0xb8;
	[tilespmem:$0x1E6C0] =	vst v63  }
0x2f4: {  	_ =	swait.ge [sflag:s25], $0x60  }
0x2f5: {  	s28 =	sadd.s32 $0x1, s28;
	[sflag:s25] =	ssyncset.done $0x0  }
0x2f6: {  	s13 =	simm.s32 $0x4C0;
	p1 =	sne.s32 s28, $0x69;
	[sflag:s25] =	ssyncadd.s32 $0xFFFFFFA0  }
0x2f7: {  	[tilespmem:s13], [sflag:$0x4] =	stream.indirect.gather [spmem:s4], $0x10, s23, s31, $0xb8;
	[tilespmem:$0x1E6C0] =	vst v63  }
.Ltmp3:
0x2f8: {  	_ = 	snop;
	(pc) =	sbr.rel @p1 .LBB2_4-.Ltmp3, $4  }
0x2f9: {  	s14 =	sadd.s32 $0x30, s23;
	s26 =	simm.s32 $0xAC0  }
0x2fa: {  	[tilespmem:s26], [sflag:$0x6] =	stream.indirect.gather [spmem:s4], $0x10, s14, s31, $0xb8;
	[tilespmem:$0x1E6C0] =	vst v63  }
0x2fb: {  	s29 =	simm.s32 $0x19C0;
	v18 =	vimm.s32 $0x2  }
0x2fc: {  	v9 =	vimm.s32 $0x6;
	v10 =	vimm.s32 $0x7;
	v8 =	vimm.s32 $0x5;
	v20 =	vld [tilespmem:$0x1FFE0];
	[tilespmem:s29], [sflag:$0x8] =	stream.indirect.gather [hbm4b:s7+s31], $0x40, s23, s31, $0xb8  }
0x2fd: {  	_ =	swait.ge [sflag:s18], $0x1B00  }
0x2fe: {  	[sflag:s18] =	ssyncset.done $0x0  }
0x2ff: {  	[sflag:s18] =	ssyncadd.s32 $0xFFFFE500  }
0x300: {  	_ =	swait.ge [sflag:s15], $0x300  }
0x301: {  	[sflag:s15] =	ssyncset.done $0x0  }
0x302: {  	[sflag:s15] =	ssyncadd.s32 $0xFFFFFD00  }
0x303: {  	_ =	swait.ge [sflag:s16], $0x300  }
0x304: {  	[sflag:s16] =	ssyncset.done $0x0  }
0x305: {  	[sflag:s16] =	ssyncadd.s32 $0xFFFFFD00  }
0x306: {  	_ =	swait.ge [sflag:s17], $0xC00  }
0x307: {  	[sflag:s17] =	ssyncset.done $0x0  }
0x308: {  	[sflag:s17] =	ssyncadd.s32 $0xFFFFF400  }
0x309: {  	_ =	swait.ge [sflag:s24], $0x1B00  }
0x30a: {  	[sflag:s24] =	ssyncset.done $0x0  }
0x30b: {  	[sflag:s24] =	ssyncadd.s32 $0xFFFFE500  }
0x30c: {  	_ =	swait.ge [sflag:s20], $0x300  }
0x30d: {  	[sflag:s20] =	ssyncset.done $0x0  }
0x30e: {  	[sflag:s20] =	ssyncadd.s32 $0xFFFFFD00  }
0x30f: {  	_ =	swait.ge [sflag:s21], $0x300  }
0x310: {  	[sflag:s21] =	ssyncset.done $0x0  }
0x311: {  	[sflag:s21] =	ssyncadd.s32 $0xFFFFFD00  }
0x312: {  	_ =	swait.ge [sflag:s22], $0xC00  }
0x313: {  	[sflag:s22] =	ssyncset.done $0x0  }
0x314: {  	[sflag:s22] =	ssyncadd.s32 $0xFFFFF400  }
0x315: {  	s0 =	stileid.u32;
	[bflag:$0x0] =	sbarrier.arrive $0xFFFF  }
0x316: {  	s0 =	sshll.u32 s0, $0x6;
	s5 =	rddreg [dreg:$0x6]  }
0x317: {  	s0 =	sor.u32 $0x1C0B, s0;
	s8 =	rddreg [dreg:$0x14];
	s1 =	sshrl.u32 s5, $0x3  }
0x318: {  	[hbm:s8], [sflag:s0] =	dma.local [spmem:s1], $0x2C70  }
0x319: {  	_ =	swait.ge [sflag:s30], $0x2C70  }
0x31a: {  	s28 =	rddreg [dreg:$0x18]  }
0x31b: {  	s29 =	rddreg [dreg:$0x15];
	s1 =	sadd.s32 $0x1, s28  }
0x31c: {  	p1 =	sne.s32 s1, s29  }
.Ltmp4:
0x31d: {  	_ = 	snop;
	(pc) =	sbr.rel @p1 .LBB2_1-.Ltmp4, $3  }
0x31e: {  	_ =	sdelay $0x1  }
0x31f: {  	[sflag:s30] =	ssyncset.done $0x0  }
0x320: {  	v1 =	vimm.f32 $0.0e+00;
	[sflag:s30] =	ssyncadd.s32 $0xFFFFD390  }
0x321: {  	_ =	sfence.sel $0x180000  }
0x322: {  	[bflag:$0x0] =	sbarrier.arrive $0xFFFF  }
0x323: {  	_ =	strace $0x90000047  }
0x324: {  	[bflag:$0x2] =	sbarrier.arrive $0xFFFF  }
0x325: {  	s0 =	rddreg [dreg:$0x4]  }
0x326: {  	s0 =	sadd.s32 @!p0 $0x100000, s0  }
0x327: {  	[sflag:s0] =	ssyncadd.tile.s32 @!p0 $0x1;
	_ =	shalt  }
.Lfunc_end2:
_tile_overlayer_lowered:
.L_overlay_start_2:
0x328: {  	(tag) =	ssettag $0x2  }
0x329: {  	s0 =	rddreg [dreg:$0x0];
	s2 =	stileid.u32  }
0x32a: {  	s1 =	rddreg [dreg:$0x1];
	p0 =	sne.s32 s2, $0x0  }
0x32b: {  	s3 =	rddreg [dreg:$0x2];
	[bflag:$0x3] =	sbarrier.arrive $0xFFFF;
	s2 =	simm.s32 @!p0 $0x1C0B  }
0x32c: {  	[timem:s3], [sflag:s2] =	dma.local @!p0 [hbm:s0], s1  }
0x32d: {  	s0 =	simm.s32 @!p0 $0xB  }
0x32e: {  	_ =	swait.ge @!p0 [sflag:s0], s1  }
0x32f: {  	s1 =	ssub.s32 @!p0 $0x0, s1;
	[sflag:s0] =	ssyncset.done @!p0 $0x0  }
0x330: {  	[sflag:s0] =	ssyncadd.s32 @!p0 s1  }
0x331: {  	[bflag:$0x3] =	sbarrier.arrive $0xFFFF  }
0x332: {  	_ =	shalt  }

</sc_bundles>
